<compile_context>
chip_gen: v7x
topology: tpu7x:2x2x1
jax: 0.10.2.dev20260603
libtpu: 0.0.44.dev20260713+nightly
codegen_flags: <defaults>
</compile_context>

<pallas_src>
import jax
import jax.numpy as jnp
from jax import lax
from jax.experimental import pallas as pl
from jax.experimental.pallas import tpu as pltpu
from jax.experimental.pallas import tpu_sc as plsc

BATCH = 16384
DIM = 16

_info = plsc.get_sparse_core_info()
_NC, _NS = _info.num_cores, _info.num_subcores
_NW = _NC * _NS
_B_PER_W = BATCH // _NW
_CHUNK = 16
_N_CHUNKS = _B_PER_W // _CHUNK


def _gmf_body(uid_hbm, iid_hbm, utab_hbm, itab_hbm, out_hbm,
              uidx_v, iidx_v, ubuf, ibuf, out_v, sem_u, sem_i):
    wid = lax.axis_index("s") * _NC + lax.axis_index("c")
    base = wid * _B_PER_W

    pltpu.sync_copy(uid_hbm.at[pl.ds(base, _B_PER_W)], uidx_v)
    pltpu.sync_copy(iid_hbm.at[pl.ds(base, _B_PER_W)], iidx_v)

    def chunk_body(c, carry):
        iota = lax.iota(jnp.int32, 16)
        uvec = uidx_v[pl.ds(c * _CHUNK, _CHUNK)]
        ivec = iidx_v[pl.ds(c * _CHUNK, _CHUNK)]
        u0v = (uvec >> 7) << 7
        i0v = (ivec >> 7) << 7
        ulane = uvec & 127
        ilane = ivec & 127
        for j in range(_CHUNK):
            u0 = pl.multiple_of(u0v[j], 128)
            i0 = pl.multiple_of(i0v[j], 128)
            pltpu.async_copy(utab_hbm.at[:, pl.ds(u0, 128)], ubuf.at[j], sem_u)
            pltpu.async_copy(itab_hbm.at[:, pl.ds(i0, 128)], ibuf.at[j], sem_i)
        for j in range(_CHUNK):
            pltpu.make_async_copy(
                utab_hbm.at[:, pl.ds(0, 128)], ubuf.at[j], sem_u).wait()
            pltpu.make_async_copy(
                itab_hbm.at[:, pl.ds(0, 128)], ibuf.at[j], sem_i).wait()
        for j in range(_CHUNK):
            jv = jnp.full((16,), j, jnp.int32)
            ug = plsc.load_gather(
                ubuf, [jv, iota, jnp.full((16,), ulane[j], jnp.int32)])
            ig = plsc.load_gather(
                ibuf, [jv, iota, jnp.full((16,), ilane[j], jnp.int32)])
            plsc.store_scatter(
                out_v, [iota, jnp.full((16,), c * _CHUNK + j, jnp.int32)],
                ug * ig)
        return carry

    lax.fori_loop(0, _N_CHUNKS, chunk_body, 0)

    for k in range(DIM):
        pltpu.sync_copy(out_v.at[k], out_hbm.at[k, pl.ds(base, _B_PER_W)])


@jax.jit
def kernel(user_id, item_id, user_embed, item_embed):
    f = pl.kernel(
        _gmf_body,
        out_type=jax.ShapeDtypeStruct((DIM, BATCH), jnp.float32),
        mesh=plsc.VectorSubcoreMesh(core_axis_name="c", subcore_axis_name="s"),
        compiler_params=pltpu.CompilerParams(needs_layout_passes=False),
        scratch_types=[
            pltpu.VMEM((_B_PER_W,), jnp.int32),
            pltpu.VMEM((_B_PER_W,), jnp.int32),
            pltpu.VMEM((_CHUNK, DIM, 128), jnp.float32),
            pltpu.VMEM((_CHUNK, DIM, 128), jnp.float32),
            pltpu.VMEM((DIM, _B_PER_W), jnp.float32),
            pltpu.SemaphoreType.DMA,
            pltpu.SemaphoreType.DMA,
        ],
    )
    out_t = f(user_id.astype(jnp.int32), item_id.astype(jnp.int32),
              user_embed.T, item_embed.T)
    return out_t.T

# --- scband reference (transcript-rebuilt; emitter-appended) ---
"""Pipeline reference for scband-gmf-72602127171687 (READ-ONLY COPY).

The authoritative reference and input builder live on the scoring server;
editing this copy changes nothing except your own understanding.
"""

import jax, jax.numpy as jnp
import numpy as np

USER_NUM = 1000000
ITEM_NUM = 1000000
EMBED_DIM = 16
BATCH = 16384

def setup_inputs(seed: int = 0) -> dict:
    key = jax.random.key(seed)
    k1, k2, k3, k4 = jax.random.split(key, 4)
    user_id = jax.random.randint(k1, (BATCH,), 0, USER_NUM, dtype=jnp.int64) if jax.config.jax_enable_x64 else jax.random.randint(k1, (BATCH,), 0, USER_NUM, dtype=jnp.int32)
    item_id = jax.random.randint(k2, (BATCH,), 0, ITEM_NUM, dtype=jnp.int32)
    user_embed = jax.random.normal(k3, (USER_NUM, EMBED_DIM), dtype=jnp.float32) * 0.01
    item_embed = jax.random.normal(k4, (ITEM_NUM, EMBED_DIM), dtype=jnp.float32) * 0.01
    return {"user_id": user_id, "item_id": item_id, "user_embed": user_embed, "item_embed": item_embed}

def reference(user_id, item_id, user_embed, item_embed):
    user_vec = jnp.take(user_embed, user_id, axis=0)
    item_vec = jnp.take(item_embed, item_id, axis=0)
    element_product = user_vec * item_vec
    return element_product

if __name__ == "__main__":
    import jax
    _d = setup_inputs()
    print(jax.jit(kernel)(*tuple(_d.values())))

</pallas_src>

<mosaic_0001>
#map = affine_map<(d0, d1) -> (0)>
#map1 = affine_map<(d0, d1) -> (0, 0)>
module attributes {stable_mosaic.version = 14 : i64} {
  func.func @_gmf_body(%arg0: i32, %arg1: i32, %arg2: memref<16384xi32, #tpu.memory_space<hbm>>, %arg3: memref<16384xi32, #tpu.memory_space<hbm>>, %arg4: memref<16x1000000xf32, #tpu.memory_space<hbm>>, %arg5: memref<16x1000000xf32, #tpu.memory_space<hbm>>, %arg6: memref<16x16384xf32, #tpu.memory_space<hbm>>, %arg7: memref<512xi32, #tpu.memory_space<vmem>>, %arg8: memref<512xi32, #tpu.memory_space<vmem>>, %arg9: memref<16x16x128xf32, #tpu.memory_space<vmem>>, %arg10: memref<16x16x128xf32, #tpu.memory_space<vmem>>, %arg11: memref<16x512xf32, #tpu.memory_space<vmem>>, %arg12: memref<!tpu.dma_semaphore, #tpu.memory_space<semaphore_mem>>, %arg13: memref<!tpu.dma_semaphore, #tpu.memory_space<semaphore_mem>>) attributes {dimension_semantics = [#tpu.dimension_semantics<core_parallel>, #tpu.dimension_semantics<subcore_parallel>], iteration_bounds = array<i64: 2, 16>, scalar_prefetch = 0 : i64, scratch_operands = 7 : i64, tpu.core_type = #tpu.core_type<sc_vector_subcore>, window_params = [{transform_indices = #map}, {transform_indices = #map}, {transform_indices = #map1}, {transform_indices = #map1}, {transform_indices = #map1}]} {
    %mul3A = arith.constant 2 : i32
    %mul3A_0 = arith.muli %arg1, %mul3A : i32
    %add3A = arith.addi %mul3A_0, %arg0 : i32
    %mul3A_1 = arith.constant 512 : i32
    %mul3A_2 = arith.muli %add3A, %mul3A_1 : i32
    "tpu.region"() ({
      %run_scoped3A_39 = tpu.sem_alloc : memref<!tpu.dma_semaphore, #tpu.memory_space<semaphore_mem>>
      %dma_start3A = tpu.memref_slice %arg2[%mul3A_2] : memref<16384xi32, #tpu.memory_space<hbm>> -> memref<512xi32, #tpu.memory_space<hbm>>
      %dma_start3A_40 = tpu.memref_slice %arg2[%mul3A_2] : memref<16384xi32, #tpu.memory_space<hbm>> -> memref<512xi32, #tpu.memory_space<hbm>>
      tpu.enqueue_dma source(%dma_start3A_40 : memref<512xi32, #tpu.memory_space<hbm>>) target(%arg7 : memref<512xi32, #tpu.memory_space<vmem>>) target_semaphore(%run_scoped3A_39 : memref<!tpu.dma_semaphore, #tpu.memory_space<semaphore_mem>>)
      %dma_wait3A = tpu.memref_slice %arg2[%mul3A_2] : memref<16384xi32, #tpu.memory_space<hbm>> -> memref<512xi32, #tpu.memory_space<hbm>>
      %dma_wait3A_41 = tpu.memref_slice %arg2[%mul3A_2] : memref<16384xi32, #tpu.memory_space<hbm>> -> memref<512xi32, #tpu.memory_space<hbm>>
      tpu.wait_dma2 semaphore(%run_scoped3A_39 : memref<!tpu.dma_semaphore, #tpu.memory_space<semaphore_mem>>) src(%dma_wait3A_41 : memref<512xi32, #tpu.memory_space<hbm>>) dst(%arg7 : memref<512xi32, #tpu.memory_space<vmem>>)
      tpu.yield
    }) : () -> ()
    "tpu.region"() ({
      %run_scoped3A_39 = tpu.sem_alloc : memref<!tpu.dma_semaphore, #tpu.memory_space<semaphore_mem>>
      %dma_start3A = tpu.memref_slice %arg3[%mul3A_2] : memref<16384xi32, #tpu.memory_space<hbm>> -> memref<512xi32, #tpu.memory_space<hbm>>
      %dma_start3A_40 = tpu.memref_slice %arg3[%mul3A_2] : memref<16384xi32, #tpu.memory_space<hbm>> -> memref<512xi32, #tpu.memory_space<hbm>>
      tpu.enqueue_dma source(%dma_start3A_40 : memref<512xi32, #tpu.memory_space<hbm>>) target(%arg8 : memref<512xi32, #tpu.memory_space<vmem>>) target_semaphore(%run_scoped3A_39 : memref<!tpu.dma_semaphore, #tpu.memory_space<semaphore_mem>>)
      %dma_wait3A = tpu.memref_slice %arg3[%mul3A_2] : memref<16384xi32, #tpu.memory_space<hbm>> -> memref<512xi32, #tpu.memory_space<hbm>>
      %dma_wait3A_41 = tpu.memref_slice %arg3[%mul3A_2] : memref<16384xi32, #tpu.memory_space<hbm>> -> memref<512xi32, #tpu.memory_space<hbm>>
      tpu.wait_dma2 semaphore(%run_scoped3A_39 : memref<!tpu.dma_semaphore, #tpu.memory_space<semaphore_mem>>) src(%dma_wait3A_41 : memref<512xi32, #tpu.memory_space<hbm>>) dst(%arg8 : memref<512xi32, #tpu.memory_space<vmem>>)
      tpu.yield
    }) : () -> ()
    %scan3A = arith.constant 0 : i32
    %scan3A_3 = arith.constant 0 : i32
    %scan3A_4 = arith.constant 32 : i32
    %scan3A_5 = arith.addi %scan3A_3, %scan3A_4 : i32
    %scan3A_6 = arith.constant 1 : i32
    scf.for %scan3A_39 = %scan3A_3 to %scan3A_5 step %scan3A_6  : i32 {
      %iota3A = tpu.iota {dimensions = array<i32: 0>} : vector<16xi32>
      %mul3A_40 = arith.constant 16 : i32
      %mul3A_41 = arith.muli %scan3A_39, %mul3A_40 : i32
      %get3A = arith.index_cast %mul3A_41 : i32 to index
      %get3A_42 = tpu.vector_load %arg7[%get3A] {strides = array<i32>} : memref<512xi32, #tpu.memory_space<vmem>>, vector<16xi32>,
      %mul3A_43 = arith.constant 16 : i32
      %mul3A_44 = arith.muli %scan3A_39, %mul3A_43 : i32
      %get3A_45 = arith.index_cast %mul3A_44 : i32 to index
      %get3A_46 = tpu.vector_load %arg8[%get3A_45] {strides = array<i32>} : memref<512xi32, #tpu.memory_space<vmem>>, vector<16xi32>,
      %shift_right_arithmetic3A = arith.constant 7 : i32
      %shift_right_arithmetic3A_47 = vector.broadcast %shift_right_arithmetic3A : i32 to vector<16xi32>
      %shift_right_arithmetic3A_48 = arith.shrsi %get3A_42, %shift_right_arithmetic3A_47 : vector<16xi32>
      %shift_left3A = arith.constant 7 : i32
      %shift_left3A_49 = vector.broadcast %shift_left3A : i32 to vector<16xi32>
      %shift_left3A_50 = arith.shli %shift_right_arithmetic3A_48, %shift_left3A_49 : vector<16xi32>
      %shift_right_arithmetic3A_51 = arith.constant 7 : i32
      %shift_right_arithmetic3A_52 = vector.broadcast %shift_right_arithmetic3A_51 : i32 to vector<16xi32>
      %shift_right_arithmetic3A_53 = arith.shrsi %get3A_46, %shift_right_arithmetic3A_52 : vector<16xi32>
      %shift_left3A_54 = arith.constant 7 : i32
      %shift_left3A_55 = vector.broadcast %shift_left3A_54 : i32 to vector<16xi32>
      %shift_left3A_56 = arith.shli %shift_right_arithmetic3A_53, %shift_left3A_55 : vector<16xi32>
      %and3A = arith.constant 127 : i32
      %and3A_57 = vector.broadcast %and3A : i32 to vector<16xi32>
      %and3A_58 = arith.andi %get3A_42, %and3A_57 : vector<16xi32>
      %and3A_59 = arith.constant 127 : i32
      %and3A_60 = vector.broadcast %and3A_59 : i32 to vector<16xi32>
      %and3A_61 = arith.andi %get3A_46, %and3A_60 : vector<16xi32>
      %slice3A = vector.extract_strided_slice %shift_left3A_50 {offsets = [0], sizes = [1], strides = [1]} : vector<16xi32> to vector<1xi32>
      %squeeze3A = vector.extract %slice3A[0] : i32 from vector<1xi32>
      %multiple_of3A = tpu.assume_multiple %squeeze3A, 128 : i32
      %slice3A_62 = vector.extract_strided_slice %shift_left3A_56 {offsets = [0], sizes = [1], strides = [1]} : vector<16xi32> to vector<1xi32>
      %squeeze3A_63 = vector.extract %slice3A_62[0] : i32 from vector<1xi32>
      %multiple_of3A_64 = tpu.assume_multiple %squeeze3A_63, 128 : i32
      %dma_start3A = arith.constant 0 : i32
      %dma_start3A_65 = arith.constant 0 : i32
      %dma_start3A_66 = arith.constant 0 : i32
      %dma_start3A_67 = tpu.memref_slice %arg9[%dma_start3A, %dma_start3A_65, %dma_start3A_66] : memref<16x16x128xf32, #tpu.memory_space<vmem>> -> memref<1x16x128xf32, #tpu.memory_space<vmem>>
      %dma_start3A_68 = tpu.memref_squeeze %dma_start3A_67 : memref<1x16x128xf32, #tpu.memory_space<vmem>> -> memref<16x128xf32, #tpu.memory_space<vmem>>
      %dma_start3A_69 = arith.constant 0 : i32
      %dma_start3A_70 = tpu.memref_slice %arg4[%dma_start3A_69, %multiple_of3A] : memref<16x1000000xf32, #tpu.memory_space<hbm>> -> memref<16x128xf32, #tpu.memory_space<hbm>>
      %dma_start3A_71 = arith.constant 0 : i32
      %dma_start3A_72 = arith.constant 0 : i32
      %dma_start3A_73 = tpu.memref_slice %arg9[%dma_start3A, %dma_start3A_71, %dma_start3A_72] : memref<16x16x128xf32, #tpu.memory_space<vmem>> -> memref<1x16x128xf32, #tpu.memory_space<vmem>>
      %dma_start3A_74 = tpu.memref_squeeze %dma_start3A_73 : memref<1x16x128xf32, #tpu.memory_space<vmem>> -> memref<16x128xf32, #tpu.memory_space<vmem>>
      %dma_start3A_75 = arith.constant 0 : i32
      %dma_start3A_76 = tpu.memref_slice %arg4[%dma_start3A_75, %multiple_of3A] : memref<16x1000000xf32, #tpu.memory_space<hbm>> -> memref<16x128xf32, #tpu.memory_space<hbm>>
      tpu.enqueue_dma source(%dma_start3A_76 : memref<16x128xf32, #tpu.memory_space<hbm>>) target(%dma_start3A_74 : memref<16x128xf32, #tpu.memory_space<vmem>>) target_semaphore(%arg12 : memref<!tpu.dma_semaphore, #tpu.memory_space<semaphore_mem>>)
      %dma_start3A_77 = arith.constant 0 : i32
      %dma_start3A_78 = arith.constant 0 : i32
      %dma_start3A_79 = arith.constant 0 : i32
      %dma_start3A_80 = tpu.memref_slice %arg10[%dma_start3A_77, %dma_start3A_78, %dma_start3A_79] : memref<16x16x128xf32, #tpu.memory_space<vmem>> -> memref<1x16x128xf32, #tpu.memory_space<vmem>>
      %dma_start3A_81 = tpu.memref_squeeze %dma_start3A_80 : memref<1x16x128xf32, #tpu.memory_space<vmem>> -> memref<16x128xf32, #tpu.memory_space<vmem>>
      %dma_start3A_82 = arith.constant 0 : i32
      %dma_start3A_83 = tpu.memref_slice %arg5[%dma_start3A_82, %multiple_of3A_64] : memref<16x1000000xf32, #tpu.memory_space<hbm>> -> memref<16x128xf32, #tpu.memory_space<hbm>>
      %dma_start3A_84 = arith.constant 0 : i32
      %dma_start3A_85 = arith.constant 0 : i32
      %dma_start3A_86 = tpu.memref_slice %arg10[%dma_start3A_77, %dma_start3A_84, %dma_start3A_85] : memref<16x16x128xf32, #tpu.memory_space<vmem>> -> memref<1x16x128xf32, #tpu.memory_space<vmem>>
      %dma_start3A_87 = tpu.memref_squeeze %dma_start3A_86 : memref<1x16x128xf32, #tpu.memory_space<vmem>> -> memref<16x128xf32, #tpu.memory_space<vmem>>
      %dma_start3A_88 = arith.constant 0 : i32
      %dma_start3A_89 = tpu.memref_slice %arg5[%dma_start3A_88, %multiple_of3A_64] : memref<16x1000000xf32, #tpu.memory_space<hbm>> -> memref<16x128xf32, #tpu.memory_space<hbm>>
      tpu.enqueue_dma source(%dma_start3A_89 : memref<16x128xf32, #tpu.memory_space<hbm>>) target(%dma_start3A_87 : memref<16x128xf32, #tpu.memory_space<vmem>>) target_semaphore(%arg13 : memref<!tpu.dma_semaphore, #tpu.memory_space<semaphore_mem>>)
      %slice3A_90 = vector.extract_strided_slice %shift_left3A_50 {offsets = [1], sizes = [1], strides = [1]} : vector<16xi32> to vector<1xi32>
      %squeeze3A_91 = vector.extract %slice3A_90[0] : i32 from vector<1xi32>
      %multiple_of3A_92 = tpu.assume_multiple %squeeze3A_91, 128 : i32
      %slice3A_93 = vector.extract_strided_slice %shift_left3A_56 {offsets = [1], sizes = [1], strides = [1]} : vector<16xi32> to vector<1xi32>
      %squeeze3A_94 = vector.extract %slice3A_93[0] : i32 from vector<1xi32>
      %multiple_of3A_95 = tpu.assume_multiple %squeeze3A_94, 128 : i32
      %dma_start3A_96 = arith.constant 1 : i32
      %dma_start3A_97 = arith.constant 0 : i32
      %dma_start3A_98 = arith.constant 0 : i32
      %dma_start3A_99 = tpu.memref_slice %arg9[%dma_start3A_96, %dma_start3A_97, %dma_start3A_98] : memref<16x16x128xf32, #tpu.memory_space<vmem>> -> memref<1x16x128xf32, #tpu.memory_space<vmem>>
      %dma_start3A_100 = tpu.memref_squeeze %dma_start3A_99 : memref<1x16x128xf32, #tpu.memory_space<vmem>> -> memref<16x128xf32, #tpu.memory_space<vmem>>
      %dma_start3A_101 = arith.constant 0 : i32
      %dma_start3A_102 = tpu.memref_slice %arg4[%dma_start3A_101, %multiple_of3A_92] : memref<16x1000000xf32, #tpu.memory_space<hbm>> -> memref<16x128xf32, #tpu.memory_space<hbm>>
      %dma_start3A_103 = arith.constant 0 : i32
      %dma_start3A_104 = arith.constant 0 : i32
      %dma_start3A_105 = tpu.memref_slice %arg9[%dma_start3A_96, %dma_start3A_103, %dma_start3A_104] : memref<16x16x128xf32, #tpu.memory_space<vmem>> -> memref<1x16x128xf32, #tpu.memory_space<vmem>>
      %dma_start3A_106 = tpu.memref_squeeze %dma_start3A_105 : memref<1x16x128xf32, #tpu.memory_space<vmem>> -> memref<16x128xf32, #tpu.memory_space<vmem>>
      %dma_start3A_107 = arith.constant 0 : i32
      %dma_start3A_108 = tpu.memref_slice %arg4[%dma_start3A_107, %multiple_of3A_92] : memref<16x1000000xf32, #tpu.memory_space<hbm>> -> memref<16x128xf32, #tpu.memory_space<hbm>>
      tpu.enqueue_dma source(%dma_start3A_108 : memref<16x128xf32, #tpu.memory_space<hbm>>) target(%dma_start3A_106 : memref<16x128xf32, #tpu.memory_space<vmem>>) target_semaphore(%arg12 : memref<!tpu.dma_semaphore, #tpu.memory_space<semaphore_mem>>)
      %dma_start3A_109 = arith.constant 1 : i32
      %dma_start3A_110 = arith.constant 0 : i32
      %dma_start3A_111 = arith.constant 0 : i32
      %dma_start3A_112 = tpu.memref_slice %arg10[%dma_start3A_109, %dma_start3A_110, %dma_start3A_111] : memref<16x16x128xf32, #tpu.memory_space<vmem>> -> memref<1x16x128xf32, #tpu.memory_space<vmem>>
      %dma_start3A_113 = tpu.memref_squeeze %dma_start3A_112 : memref<1x16x128xf32, #tpu.memory_space<vmem>> -> memref<16x128xf32, #tpu.memory_space<vmem>>
      %dma_start3A_114 = arith.constant 0 : i32
      %dma_start3A_115 = tpu.memref_slice %arg5[%dma_start3A_114, %multiple_of3A_95] : memref<16x1000000xf32, #tpu.memory_space<hbm>> -> memref<16x128xf32, #tpu.memory_space<hbm>>
      %dma_start3A_116 = arith.constant 0 : i32
      %dma_start3A_117 = arith.constant 0 : i32
      %dma_start3A_118 = tpu.memref_slice %arg10[%dma_start3A_109, %dma_start3A_116, %dma_start3A_117] : memref<16x16x128xf32, #tpu.memory_space<vmem>> -> memref<1x16x128xf32, #tpu.memory_space<vmem>>
      %dma_start3A_119 = tpu.memref_squeeze %dma_start3A_118 : memref<1x16x128xf32, #tpu.memory_space<vmem>> -> memref<16x128xf32, #tpu.memory_space<vmem>>
      %dma_start3A_120 = arith.constant 0 : i32
      %dma_start3A_121 = tpu.memref_slice %arg5[%dma_start3A_120, %multiple_of3A_95] : memref<16x1000000xf32, #tpu.memory_space<hbm>> -> memref<16x128xf32, #tpu.memory_space<hbm>>
      tpu.enqueue_dma source(%dma_start3A_121 : memref<16x128xf32, #tpu.memory_space<hbm>>) target(%dma_start3A_119 : memref<16x128xf32, #tpu.memory_space<vmem>>) target_semaphore(%arg13 : memref<!tpu.dma_semaphore, #tpu.memory_space<semaphore_mem>>)
      %slice3A_122 = vector.extract_strided_slice %shift_left3A_50 {offsets = [2], sizes = [1], strides = [1]} : vector<16xi32> to vector<1xi32>
      %squeeze3A_123 = vector.extract %slice3A_122[0] : i32 from vector<1xi32>
      %multiple_of3A_124 = tpu.assume_multiple %squeeze3A_123, 128 : i32
      %slice3A_125 = vector.extract_strided_slice %shift_left3A_56 {offsets = [2], sizes = [1], strides = [1]} : vector<16xi32> to vector<1xi32>
      %squeeze3A_126 = vector.extract %slice3A_125[0] : i32 from vector<1xi32>
      %multiple_of3A_127 = tpu.assume_multiple %squeeze3A_126, 128 : i32
      %dma_start3A_128 = arith.constant 2 : i32
      %dma_start3A_129 = arith.constant 0 : i32
      %dma_start3A_130 = arith.constant 0 : i32
      %dma_start3A_131 = tpu.memref_slice %arg9[%dma_start3A_128, %dma_start3A_129, %dma_start3A_130] : memref<16x16x128xf32, #tpu.memory_space<vmem>> -> memref<1x16x128xf32, #tpu.memory_space<vmem>>
      %dma_start3A_132 = tpu.memref_squeeze %dma_start3A_131 : memref<1x16x128xf32, #tpu.memory_space<vmem>> -> memref<16x128xf32, #tpu.memory_space<vmem>>
      %dma_start3A_133 = arith.constant 0 : i32
      %dma_start3A_134 = tpu.memref_slice %arg4[%dma_start3A_133, %multiple_of3A_124] : memref<16x1000000xf32, #tpu.memory_space<hbm>> -> memref<16x128xf32, #tpu.memory_space<hbm>>
      %dma_start3A_135 = arith.constant 0 : i32
      %dma_start3A_136 = arith.constant 0 : i32
      %dma_start3A_137 = tpu.memref_slice %arg9[%dma_start3A_128, %dma_start3A_135, %dma_start3A_136] : memref<16x16x128xf32, #tpu.memory_space<vmem>> -> memref<1x16x128xf32, #tpu.memory_space<vmem>>
      %dma_start3A_138 = tpu.memref_squeeze %dma_start3A_137 : memref<1x16x128xf32, #tpu.memory_space<vmem>> -> memref<16x128xf32, #tpu.memory_space<vmem>>
      %dma_start3A_139 = arith.constant 0 : i32
      %dma_start3A_140 = tpu.memref_slice %arg4[%dma_start3A_139, %multiple_of3A_124] : memref<16x1000000xf32, #tpu.memory_space<hbm>> -> memref<16x128xf32, #tpu.memory_space<hbm>>
      tpu.enqueue_dma source(%dma_start3A_140 : memref<16x128xf32, #tpu.memory_space<hbm>>) target(%dma_start3A_138 : memref<16x128xf32, #tpu.memory_space<vmem>>) target_semaphore(%arg12 : memref<!tpu.dma_semaphore, #tpu.memory_space<semaphore_mem>>)
      %dma_start3A_141 = arith.constant 2 : i32
      %dma_start3A_142 = arith.constant 0 : i32
      %dma_start3A_143 = arith.constant 0 : i32
      %dma_start3A_144 = tpu.memref_slice %arg10[%dma_start3A_141, %dma_start3A_142, %dma_start3A_143] : memref<16x16x128xf32, #tpu.memory_space<vmem>> -> memref<1x16x128xf32, #tpu.memory_space<vmem>>
      %dma_start3A_145 = tpu.memref_squeeze %dma_start3A_144 : memref<1x16x128xf32, #tpu.memory_space<vmem>> -> memref<16x128xf32, #tpu.memory_space<vmem>>
      %dma_start3A_146 = arith.constant 0 : i32
      %dma_start3A_147 = tpu.memref_slice %arg5[%dma_start3A_146, %multiple_of3A_127] : memref<16x1000000xf32, #tpu.memory_space<hbm>> -> memref<16x128xf32, #tpu.memory_space<hbm>>
      %dma_start3A_148 = arith.constant 0 : i32
      %dma_start3A_149 = arith.constant 0 : i32
      %dma_start3A_150 = tpu.memref_slice %arg10[%dma_start3A_141, %dma_start3A_148, %dma_start3A_149] : memref<16x16x128xf32, #tpu.memory_space<vmem>> -> memref<1x16x128xf32, #tpu.memory_space<vmem>>
      %dma_start3A_151 = tpu.memref_squeeze %dma_start3A_150 : memref<1x16x128xf32, #tpu.memory_space<vmem>> -> memref<16x128xf32, #tpu.memory_space<vmem>>
      %dma_start3A_152 = arith.constant 0 : i32
      %dma_start3A_153 = tpu.memref_slice %arg5[%dma_start3A_152, %multiple_of3A_127] : memref<16x1000000xf32, #tpu.memory_space<hbm>> -> memref<16x128xf32, #tpu.memory_space<hbm>>
      tpu.enqueue_dma source(%dma_start3A_153 : memref<16x128xf32, #tpu.memory_space<hbm>>) target(%dma_start3A_151 : memref<16x128xf32, #tpu.memory_space<vmem>>) target_semaphore(%arg13 : memref<!tpu.dma_semaphore, #tpu.memory_space<semaphore_mem>>)
      %slice3A_154 = vector.extract_strided_slice %shift_left3A_50 {offsets = [3], sizes = [1], strides = [1]} : vector<16xi32> to vector<1xi32>
      %squeeze3A_155 = vector.extract %slice3A_154[0] : i32 from vector<1xi32>
      %multiple_of3A_156 = tpu.assume_multiple %squeeze3A_155, 128 : i32
      %slice3A_157 = vector.extract_strided_slice %shift_left3A_56 {offsets = [3], sizes = [1], strides = [1]} : vector<16xi32> to vector<1xi32>
      %squeeze3A_158 = vector.extract %slice3A_157[0] : i32 from vector<1xi32>
      %multiple_of3A_159 = tpu.assume_multiple %squeeze3A_158, 128 : i32
      %dma_start3A_160 = arith.constant 3 : i32
      %dma_start3A_161 = arith.constant 0 : i32
      %dma_start3A_162 = arith.constant 0 : i32
      %dma_start3A_163 = tpu.memref_slice %arg9[%dma_start3A_160, %dma_start3A_161, %dma_start3A_162] : memref<16x16x128xf32, #tpu.memory_space<vmem>> -> memref<1x16x128xf32, #tpu.memory_space<vmem>>
      %dma_start3A_164 = tpu.memref_squeeze %dma_start3A_163 : memref<1x16x128xf32, #tpu.memory_space<vmem>> -> memref<16x128xf32, #tpu.memory_space<vmem>>
      %dma_start3A_165 = arith.constant 0 : i32
      %dma_start3A_166 = tpu.memref_slice %arg4[%dma_start3A_165, %multiple_of3A_156] : memref<16x1000000xf32, #tpu.memory_space<hbm>> -> memref<16x128xf32, #tpu.memory_space<hbm>>
      %dma_start3A_167 = arith.constant 0 : i32
      %dma_start3A_168 = arith.constant 0 : i32
      %dma_start3A_169 = tpu.memref_slice %arg9[%dma_start3A_160, %dma_start3A_167, %dma_start3A_168] : memref<16x16x128xf32, #tpu.memory_space<vmem>> -> memref<1x16x128xf32, #tpu.memory_space<vmem>>
      %dma_start3A_170 = tpu.memref_squeeze %dma_start3A_169 : memref<1x16x128xf32, #tpu.memory_space<vmem>> -> memref<16x128xf32, #tpu.memory_space<vmem>>
      %dma_start3A_171 = arith.constant 0 : i32
      %dma_start3A_172 = tpu.memref_slice %arg4[%dma_start3A_171, %multiple_of3A_156] : memref<16x1000000xf32, #tpu.memory_space<hbm>> -> memref<16x128xf32, #tpu.memory_space<hbm>>
      tpu.enqueue_dma source(%dma_start3A_172 : memref<16x128xf32, #tpu.memory_space<hbm>>) target(%dma_start3A_170 : memref<16x128xf32, #tpu.memory_space<vmem>>) target_semaphore(%arg12 : memref<!tpu.dma_semaphore, #tpu.memory_space<semaphore_mem>>)
      %dma_start3A_173 = arith.constant 3 : i32
      %dma_start3A_174 = arith.constant 0 : i32
      %dma_start3A_175 = arith.constant 0 : i32
      %dma_start3A_176 = tpu.memref_slice %arg10[%dma_start3A_173, %dma_start3A_174, %dma_start3A_175] : memref<16x16x128xf32, #tpu.memory_space<vmem>> -> memref<1x16x128xf32, #tpu.memory_space<vmem>>
      %dma_start3A_177 = tpu.memref_squeeze %dma_start3A_176 : memref<1x16x128xf32, #tpu.memory_space<vmem>> -> memref<16x128xf32, #tpu.memory_space<vmem>>
      %dma_start3A_178 = arith.constant 0 : i32
      %dma_start3A_179 = tpu.memref_slice %arg5[%dma_start3A_178, %multiple_of3A_159] : memref<16x1000000xf32, #tpu.memory_space<hbm>> -> memref<16x128xf32, #tpu.memory_space<hbm>>
      %dma_start3A_180 = arith.constant 0 : i32
      %dma_start3A_181 = arith.constant 0 : i32
      %dma_start3A_182 = tpu.memref_slice %arg10[%dma_start3A_173, %dma_start3A_180, %dma_start3A_181] : memref<16x16x128xf32, #tpu.memory_space<vmem>> -> memref<1x16x128xf32, #tpu.memory_space<vmem>>
      %dma_start3A_183 = tpu.memref_squeeze %dma_start3A_182 : memref<1x16x128xf32, #tpu.memory_space<vmem>> -> memref<16x128xf32, #tpu.memory_space<vmem>>
      %dma_start3A_184 = arith.constant 0 : i32
      %dma_start3A_185 = tpu.memref_slice %arg5[%dma_start3A_184, %multiple_of3A_159] : memref<16x1000000xf32, #tpu.memory_space<hbm>> -> memref<16x128xf32, #tpu.memory_space<hbm>>
      tpu.enqueue_dma source(%dma_start3A_185 : memref<16x128xf32, #tpu.memory_space<hbm>>) target(%dma_start3A_183 : memref<16x128xf32, #tpu.memory_space<vmem>>) target_semaphore(%arg13 : memref<!tpu.dma_semaphore, #tpu.memory_space<semaphore_mem>>)
      %slice3A_186 = vector.extract_strided_slice %shift_left3A_50 {offsets = [4], sizes = [1], strides = [1]} : vector<16xi32> to vector<1xi32>
      %squeeze3A_187 = vector.extract %slice3A_186[0] : i32 from vector<1xi32>
      %multiple_of3A_188 = tpu.assume_multiple %squeeze3A_187, 128 : i32
      %slice3A_189 = vector.extract_strided_slice %shift_left3A_56 {offsets = [4], sizes = [1], strides = [1]} : vector<16xi32> to vector<1xi32>
      %squeeze3A_190 = vector.extract %slice3A_189[0] : i32 from vector<1xi32>
      %multiple_of3A_191 = tpu.assume_multiple %squeeze3A_190, 128 : i32
      %dma_start3A_192 = arith.constant 4 : i32
      %dma_start3A_193 = arith.constant 0 : i32
      %dma_start3A_194 = arith.constant 0 : i32
      %dma_start3A_195 = tpu.memref_slice %arg9[%dma_start3A_192, %dma_start3A_193, %dma_start3A_194] : memref<16x16x128xf32, #tpu.memory_space<vmem>> -> memref<1x16x128xf32, #tpu.memory_space<vmem>>
      %dma_start3A_196 = tpu.memref_squeeze %dma_start3A_195 : memref<1x16x128xf32, #tpu.memory_space<vmem>> -> memref<16x128xf32, #tpu.memory_space<vmem>>
      %dma_start3A_197 = arith.constant 0 : i32
      %dma_start3A_198 = tpu.memref_slice %arg4[%dma_start3A_197, %multiple_of3A_188] : memref<16x1000000xf32, #tpu.memory_space<hbm>> -> memref<16x128xf32, #tpu.memory_space<hbm>>
      %dma_start3A_199 = arith.constant 0 : i32
      %dma_start3A_200 = arith.constant 0 : i32
      %dma_start3A_201 = tpu.memref_slice %arg9[%dma_start3A_192, %dma_start3A_199, %dma_start3A_200] : memref<16x16x128xf32, #tpu.memory_space<vmem>> -> memref<1x16x128xf32, #tpu.memory_space<vmem>>
      %dma_start3A_202 = tpu.memref_squeeze %dma_start3A_201 : memref<1x16x128xf32, #tpu.memory_space<vmem>> -> memref<16x128xf32, #tpu.memory_space<vmem>>
      %dma_start3A_203 = arith.constant 0 : i32
      %dma_start3A_204 = tpu.memref_slice %arg4[%dma_start3A_203, %multiple_of3A_188] : memref<16x1000000xf32, #tpu.memory_space<hbm>> -> memref<16x128xf32, #tpu.memory_space<hbm>>
      tpu.enqueue_dma source(%dma_start3A_204 : memref<16x128xf32, #tpu.memory_space<hbm>>) target(%dma_start3A_202 : memref<16x128xf32, #tpu.memory_space<vmem>>) target_semaphore(%arg12 : memref<!tpu.dma_semaphore, #tpu.memory_space<semaphore_mem>>)
      %dma_start3A_205 = arith.constant 4 : i32
      %dma_start3A_206 = arith.constant 0 : i32
      %dma_start3A_207 = arith.constant 0 : i32
      %dma_start3A_208 = tpu.memref_slice %arg10[%dma_start3A_205, %dma_start3A_206, %dma_start3A_207] : memref<16x16x128xf32, #tpu.memory_space<vmem>> -> memref<1x16x128xf32, #tpu.memory_space<vmem>>
      %dma_start3A_209 = tpu.memref_squeeze %dma_start3A_208 : memref<1x16x128xf32, #tpu.memory_space<vmem>> -> memref<16x128xf32, #tpu.memory_space<vmem>>
      %dma_start3A_210 = arith.constant 0 : i32
      %dma_start3A_211 = tpu.memref_slice %arg5[%dma_start3A_210, %multiple_of3A_191] : memref<16x1000000xf32, #tpu.memory_space<hbm>> -> memref<16x128xf32, #tpu.memory_space<hbm>>
      %dma_start3A_212 = arith.constant 0 : i32
      %dma_start3A_213 = arith.constant 0 : i32
      %dma_start3A_214 = tpu.memref_slice %arg10[%dma_start3A_205, %dma_start3A_212, %dma_start3A_213] : memref<16x16x128xf32, #tpu.memory_space<vmem>> -> memref<1x16x128xf32, #tpu.memory_space<vmem>>
      %dma_start3A_215 = tpu.memref_squeeze %dma_start3A_214 : memref<1x16x128xf32, #tpu.memory_space<vmem>> -> memref<16x128xf32, #tpu.memory_space<vmem>>
      %dma_start3A_216 = arith.constant 0 : i32
      %dma_start3A_217 = tpu.memref_slice %arg5[%dma_start3A_216, %multiple_of3A_191] : memref<16x1000000xf32, #tpu.memory_space<hbm>> -> memref<16x128xf32, #tpu.memory_space<hbm>>
      tpu.enqueue_dma source(%dma_start3A_217 : memref<16x128xf32, #tpu.memory_space<hbm>>) target(%dma_start3A_215 : memref<16x128xf32, #tpu.memory_space<vmem>>) target_semaphore(%arg13 : memref<!tpu.dma_semaphore, #tpu.memory_space<semaphore_mem>>)
      %slice3A_218 = vector.extract_strided_slice %shift_left3A_50 {offsets = [5], sizes = [1], strides = [1]} : vector<16xi32> to vector<1xi32>
      %squeeze3A_219 = vector.extract %slice3A_218[0] : i32 from vector<1xi32>
      %multiple_of3A_220 = tpu.assume_multiple %squeeze3A_219, 128 : i32
      %slice3A_221 = vector.extract_strided_slice %shift_left3A_56 {offsets = [5], sizes = [1], strides = [1]} : vector<16xi32> to vector<1xi32>
      %squeeze3A_222 = vector.extract %slice3A_221[0] : i32 from vector<1xi32>
      %multiple_of3A_223 = tpu.assume_multiple %squeeze3A_222, 128 : i32
      %dma_start3A_224 = arith.constant 5 : i32
      %dma_start3A_225 = arith.constant 0 : i32
      %dma_start3A_226 = arith.constant 0 : i32
      %dma_start3A_227 = tpu.memref_slice %arg9[%dma_start3A_224, %dma_start3A_225, %dma_start3A_226] : memref<16x16x128xf32, #tpu.memory_space<vmem>> -> memref<1x16x128xf32, #tpu.memory_space<vmem>>
      %dma_start3A_228 = tpu.memref_squeeze %dma_start3A_227 : memref<1x16x128xf32, #tpu.memory_space<vmem>> -> memref<16x128xf32, #tpu.memory_space<vmem>>
      %dma_start3A_229 = arith.constant 0 : i32
      %dma_start3A_230 = tpu.memref_slice %arg4[%dma_start3A_229, %multiple_of3A_220] : memref<16x1000000xf32, #tpu.memory_space<hbm>> -> memref<16x128xf32, #tpu.memory_space<hbm>>
      %dma_start3A_231 = arith.constant 0 : i32
      %dma_start3A_232 = arith.constant 0 : i32
      %dma_start3A_233 = tpu.memref_slice %arg9[%dma_start3A_224, %dma_start3A_231, %dma_start3A_232] : memref<16x16x128xf32, #tpu.memory_space<vmem>> -> memref<1x16x128xf32, #tpu.memory_space<vmem>>
      %dma_start3A_234 = tpu.memref_squeeze %dma_start3A_233 : memref<1x16x128xf32, #tpu.memory_space<vmem>> -> memref<16x128xf32, #tpu.memory_space<vmem>>
      %dma_start3A_235 = arith.constant 0 : i32
      %dma_start3A_236 = tpu.memref_slice %arg4[%dma_start3A_235, %multiple_of3A_220] : memref<16x1000000xf32, #tpu.memory_space<hbm>> -> memref<16x128xf32, #tpu.memory_space<hbm>>
      tpu.enqueue_dma source(%dma_start3A_236 : memref<16x128xf32, #tpu.memory_space<hbm>>) target(%dma_start3A_234 : memref<16x128xf32, #tpu.memory_space<vmem>>) target_semaphore(%arg12 : memref<!tpu.dma_semaphore, #tpu.memory_space<semaphore_mem>>)
      %dma_start3A_237 = arith.constant 5 : i32
      %dma_start3A_238 = arith.constant 0 : i32
      %dma_start3A_239 = arith.constant 0 : i32
      %dma_start3A_240 = tpu.memref_slice %arg10[%dma_start3A_237, %dma_start3A_238, %dma_start3A_239] : memref<16x16x128xf32, #tpu.memory_space<vmem>> -> memref<1x16x128xf32, #tpu.memory_space<vmem>>
      %dma_start3A_241 = tpu.memref_squeeze %dma_start3A_240 : memref<1x16x128xf32, #tpu.memory_space<vmem>> -> memref<16x128xf32, #tpu.memory_space<vmem>>
      %dma_start3A_242 = arith.constant 0 : i32
      %dma_start3A_243 = tpu.memref_slice %arg5[%dma_start3A_242, %multiple_of3A_223] : memref<16x1000000xf32, #tpu.memory_space<hbm>> -> memref<16x128xf32, #tpu.memory_space<hbm>>
      %dma_start3A_244 = arith.constant 0 : i32
      %dma_start3A_245 = arith.constant 0 : i32
      %dma_start3A_246 = tpu.memref_slice %arg10[%dma_start3A_237, %dma_start3A_244, %dma_start3A_245] : memref<16x16x128xf32, #tpu.memory_space<vmem>> -> memref<1x16x128xf32, #tpu.memory_space<vmem>>
      %dma_start3A_247 = tpu.memref_squeeze %dma_start3A_246 : memref<1x16x128xf32, #tpu.memory_space<vmem>> -> memref<16x128xf32, #tpu.memory_space<vmem>>
      %dma_start3A_248 = arith.constant 0 : i32
      %dma_start3A_249 = tpu.memref_slice %arg5[%dma_start3A_248, %multiple_of3A_223] : memref<16x1000000xf32, #tpu.memory_space<hbm>> -> memref<16x128xf32, #tpu.memory_space<hbm>>
      tpu.enqueue_dma source(%dma_start3A_249 : memref<16x128xf32, #tpu.memory_space<hbm>>) target(%dma_start3A_247 : memref<16x128xf32, #tpu.memory_space<vmem>>) target_semaphore(%arg13 : memref<!tpu.dma_semaphore, #tpu.memory_space<semaphore_mem>>)
      %slice3A_250 = vector.extract_strided_slice %shift_left3A_50 {offsets = [6], sizes = [1], strides = [1]} : vector<16xi32> to vector<1xi32>
      %squeeze3A_251 = vector.extract %slice3A_250[0] : i32 from vector<1xi32>
      %multiple_of3A_252 = tpu.assume_multiple %squeeze3A_251, 128 : i32
      %slice3A_253 = vector.extract_strided_slice %shift_left3A_56 {offsets = [6], sizes = [1], strides = [1]} : vector<16xi32> to vector<1xi32>
      %squeeze3A_254 = vector.extract %slice3A_253[0] : i32 from vector<1xi32>
      %multiple_of3A_255 = tpu.assume_multiple %squeeze3A_254, 128 : i32
      %dma_start3A_256 = arith.constant 6 : i32
      %dma_start3A_257 = arith.constant 0 : i32
      %dma_start3A_258 = arith.constant 0 : i32
      %dma_start3A_259 = tpu.memref_slice %arg9[%dma_start3A_256, %dma_start3A_257, %dma_start3A_258] : memref<16x16x128xf32, #tpu.memory_space<vmem>> -> memref<1x16x128xf32, #tpu.memory_space<vmem>>
      %dma_start3A_260 = tpu.memref_squeeze %dma_start3A_259 : memref<1x16x128xf32, #tpu.memory_space<vmem>> -> memref<16x128xf32, #tpu.memory_space<vmem>>
      %dma_start3A_261 = arith.constant 0 : i32
      %dma_start3A_262 = tpu.memref_slice %arg4[%dma_start3A_261, %multiple_of3A_252] : memref<16x1000000xf32, #tpu.memory_space<hbm>> -> memref<16x128xf32, #tpu.memory_space<hbm>>
      %dma_start3A_263 = arith.constant 0 : i32
      %dma_start3A_264 = arith.constant 0 : i32
      %dma_start3A_265 = tpu.memref_slice %arg9[%dma_start3A_256, %dma_start3A_263, %dma_start3A_264] : memref<16x16x128xf32, #tpu.memory_space<vmem>> -> memref<1x16x128xf32, #tpu.memory_space<vmem>>
      %dma_start3A_266 = tpu.memref_squeeze %dma_start3A_265 : memref<1x16x128xf32, #tpu.memory_space<vmem>> -> memref<16x128xf32, #tpu.memory_space<vmem>>
      %dma_start3A_267 = arith.constant 0 : i32
      %dma_start3A_268 = tpu.memref_slice %arg4[%dma_start3A_267, %multiple_of3A_252] : memref<16x1000000xf32, #tpu.memory_space<hbm>> -> memref<16x128xf32, #tpu.memory_space<hbm>>
      tpu.enqueue_dma source(%dma_start3A_268 : memref<16x128xf32, #tpu.memory_space<hbm>>) target(%dma_start3A_266 : memref<16x128xf32, #tpu.memory_space<vmem>>) target_semaphore(%arg12 : memref<!tpu.dma_semaphore, #tpu.memory_space<semaphore_mem>>)
      %dma_start3A_269 = arith.constant 6 : i32
      %dma_start3A_270 = arith.constant 0 : i32
      %dma_start3A_271 = arith.constant 0 : i32
      %dma_start3A_272 = tpu.memref_slice %arg10[%dma_start3A_269, %dma_start3A_270, %dma_start3A_271] : memref<16x16x128xf32, #tpu.memory_space<vmem>> -> memref<1x16x128xf32, #tpu.memory_space<vmem>>
      %dma_start3A_273 = tpu.memref_squeeze %dma_start3A_272 : memref<1x16x128xf32, #tpu.memory_space<vmem>> -> memref<16x128xf32, #tpu.memory_space<vmem>>
      %dma_start3A_274 = arith.constant 0 : i32
      %dma_start3A_275 = tpu.memref_slice %arg5[%dma_start3A_274, %multiple_of3A_255] : memref<16x1000000xf32, #tpu.memory_space<hbm>> -> memref<16x128xf32, #tpu.memory_space<hbm>>
      %dma_start3A_276 = arith.constant 0 : i32
      %dma_start3A_277 = arith.constant 0 : i32
      %dma_start3A_278 = tpu.memref_slice %arg10[%dma_start3A_269, %dma_start3A_276, %dma_start3A_277] : memref<16x16x128xf32, #tpu.memory_space<vmem>> -> memref<1x16x128xf32, #tpu.memory_space<vmem>>
      %dma_start3A_279 = tpu.memref_squeeze %dma_start3A_278 : memref<1x16x128xf32, #tpu.memory_space<vmem>> -> memref<16x128xf32, #tpu.memory_space<vmem>>
      %dma_start3A_280 = arith.constant 0 : i32
      %dma_start3A_281 = tpu.memref_slice %arg5[%dma_start3A_280, %multiple_of3A_255] : memref<16x1000000xf32, #tpu.memory_space<hbm>> -> memref<16x128xf32, #tpu.memory_space<hbm>>
      tpu.enqueue_dma source(%dma_start3A_281 : memref<16x128xf32, #tpu.memory_space<hbm>>) target(%dma_start3A_279 : memref<16x128xf32, #tpu.memory_space<vmem>>) target_semaphore(%arg13 : memref<!tpu.dma_semaphore, #tpu.memory_space<semaphore_mem>>)
      %slice3A_282 = vector.extract_strided_slice %shift_left3A_50 {offsets = [7], sizes = [1], strides = [1]} : vector<16xi32> to vector<1xi32>
      %squeeze3A_283 = vector.extract %slice3A_282[0] : i32 from vector<1xi32>
      %multiple_of3A_284 = tpu.assume_multiple %squeeze3A_283, 128 : i32
      %slice3A_285 = vector.extract_strided_slice %shift_left3A_56 {offsets = [7], sizes = [1], strides = [1]} : vector<16xi32> to vector<1xi32>
      %squeeze3A_286 = vector.extract %slice3A_285[0] : i32 from vector<1xi32>
      %multiple_of3A_287 = tpu.assume_multiple %squeeze3A_286, 128 : i32
      %dma_start3A_288 = arith.constant 7 : i32
      %dma_start3A_289 = arith.constant 0 : i32
      %dma_start3A_290 = arith.constant 0 : i32
      %dma_start3A_291 = tpu.memref_slice %arg9[%dma_start3A_288, %dma_start3A_289, %dma_start3A_290] : memref<16x16x128xf32, #tpu.memory_space<vmem>> -> memref<1x16x128xf32, #tpu.memory_space<vmem>>
      %dma_start3A_292 = tpu.memref_squeeze %dma_start3A_291 : memref<1x16x128xf32, #tpu.memory_space<vmem>> -> memref<16x128xf32, #tpu.memory_space<vmem>>
      %dma_start3A_293 = arith.constant 0 : i32
      %dma_start3A_294 = tpu.memref_slice %arg4[%dma_start3A_293, %multiple_of3A_284] : memref<16x1000000xf32, #tpu.memory_space<hbm>> -> memref<16x128xf32, #tpu.memory_space<hbm>>
      %dma_start3A_295 = arith.constant 0 : i32
      %dma_start3A_296 = arith.constant 0 : i32
      %dma_start3A_297 = tpu.memref_slice %arg9[%dma_start3A_288, %dma_start3A_295, %dma_start3A_296] : memref<16x16x128xf32, #tpu.memory_space<vmem>> -> memref<1x16x128xf32, #tpu.memory_space<vmem>>
      %dma_start3A_298 = tpu.memref_squeeze %dma_start3A_297 : memref<1x16x128xf32, #tpu.memory_space<vmem>> -> memref<16x128xf32, #tpu.memory_space<vmem>>
      %dma_start3A_299 = arith.constant 0 : i32
      %dma_start3A_300 = tpu.memref_slice %arg4[%dma_start3A_299, %multiple_of3A_284] : memref<16x1000000xf32, #tpu.memory_space<hbm>> -> memref<16x128xf32, #tpu.memory_space<hbm>>
      tpu.enqueue_dma source(%dma_start3A_300 : memref<16x128xf32, #tpu.memory_space<hbm>>) target(%dma_start3A_298 : memref<16x128xf32, #tpu.memory_space<vmem>>) target_semaphore(%arg12 : memref<!tpu.dma_semaphore, #tpu.memory_space<semaphore_mem>>)
      %dma_start3A_301 = arith.constant 7 : i32
      %dma_start3A_302 = arith.constant 0 : i32
      %dma_start3A_303 = arith.constant 0 : i32
      %dma_start3A_304 = tpu.memref_slice %arg10[%dma_start3A_301, %dma_start3A_302, %dma_start3A_303] : memref<16x16x128xf32, #tpu.memory_space<vmem>> -> memref<1x16x128xf32, #tpu.memory_space<vmem>>
      %dma_start3A_305 = tpu.memref_squeeze %dma_start3A_304 : memref<1x16x128xf32, #tpu.memory_space<vmem>> -> memref<16x128xf32, #tpu.memory_space<vmem>>
      %dma_start3A_306 = arith.constant 0 : i32
      %dma_start3A_307 = tpu.memref_slice %arg5[%dma_start3A_306, %multiple_of3A_287] : memref<16x1000000xf32, #tpu.memory_space<hbm>> -> memref<16x128xf32, #tpu.memory_space<hbm>>
      %dma_start3A_308 = arith.constant 0 : i32
      %dma_start3A_309 = arith.constant 0 : i32
      %dma_start3A_310 = tpu.memref_slice %arg10[%dma_start3A_301, %dma_start3A_308, %dma_start3A_309] : memref<16x16x128xf32, #tpu.memory_space<vmem>> -> memref<1x16x128xf32, #tpu.memory_space<vmem>>
      %dma_start3A_311 = tpu.memref_squeeze %dma_start3A_310 : memref<1x16x128xf32, #tpu.memory_space<vmem>> -> memref<16x128xf32, #tpu.memory_space<vmem>>
      %dma_start3A_312 = arith.constant 0 : i32
      %dma_start3A_313 = tpu.memref_slice %arg5[%dma_start3A_312, %multiple_of3A_287] : memref<16x1000000xf32, #tpu.memory_space<hbm>> -> memref<16x128xf32, #tpu.memory_space<hbm>>
      tpu.enqueue_dma source(%dma_start3A_313 : memref<16x128xf32, #tpu.memory_space<hbm>>) target(%dma_start3A_311 : memref<16x128xf32, #tpu.memory_space<vmem>>) target_semaphore(%arg13 : memref<!tpu.dma_semaphore, #tpu.memory_space<semaphore_mem>>)
      %slice3A_314 = vector.extract_strided_slice %shift_left3A_50 {offsets = [8], sizes = [1], strides = [1]} : vector<16xi32> to vector<1xi32>
      %squeeze3A_315 = vector.extract %slice3A_314[0] : i32 from vector<1xi32>
      %multiple_of3A_316 = tpu.assume_multiple %squeeze3A_315, 128 : i32
      %slice3A_317 = vector.extract_strided_slice %shift_left3A_56 {offsets = [8], sizes = [1], strides = [1]} : vector<16xi32> to vector<1xi32>
      %squeeze3A_318 = vector.extract %slice3A_317[0] : i32 from vector<1xi32>
      %multiple_of3A_319 = tpu.assume_multiple %squeeze3A_318, 128 : i32
      %dma_start3A_320 = arith.constant 8 : i32
      %dma_start3A_321 = arith.constant 0 : i32
      %dma_start3A_322 = arith.constant 0 : i32
      %dma_start3A_323 = tpu.memref_slice %arg9[%dma_start3A_320, %dma_start3A_321, %dma_start3A_322] : memref<16x16x128xf32, #tpu.memory_space<vmem>> -> memref<1x16x128xf32, #tpu.memory_space<vmem>>
      %dma_start3A_324 = tpu.memref_squeeze %dma_start3A_323 : memref<1x16x128xf32, #tpu.memory_space<vmem>> -> memref<16x128xf32, #tpu.memory_space<vmem>>
      %dma_start3A_325 = arith.constant 0 : i32
      %dma_start3A_326 = tpu.memref_slice %arg4[%dma_start3A_325, %multiple_of3A_316] : memref<16x1000000xf32, #tpu.memory_space<hbm>> -> memref<16x128xf32, #tpu.memory_space<hbm>>
      %dma_start3A_327 = arith.constant 0 : i32
      %dma_start3A_328 = arith.constant 0 : i32
      %dma_start3A_329 = tpu.memref_slice %arg9[%dma_start3A_320, %dma_start3A_327, %dma_start3A_328] : memref<16x16x128xf32, #tpu.memory_space<vmem>> -> memref<1x16x128xf32, #tpu.memory_space<vmem>>
      %dma_start3A_330 = tpu.memref_squeeze %dma_start3A_329 : memref<1x16x128xf32, #tpu.memory_space<vmem>> -> memref<16x128xf32, #tpu.memory_space<vmem>>
      %dma_start3A_331 = arith.constant 0 : i32
      %dma_start3A_332 = tpu.memref_slice %arg4[%dma_start3A_331, %multiple_of3A_316] : memref<16x1000000xf32, #tpu.memory_space<hbm>> -> memref<16x128xf32, #tpu.memory_space<hbm>>
      tpu.enqueue_dma source(%dma_start3A_332 : memref<16x128xf32, #tpu.memory_space<hbm>>) target(%dma_start3A_330 : memref<16x128xf32, #tpu.memory_space<vmem>>) target_semaphore(%arg12 : memref<!tpu.dma_semaphore, #tpu.memory_space<semaphore_mem>>)
      %dma_start3A_333 = arith.constant 8 : i32
      %dma_start3A_334 = arith.constant 0 : i32
      %dma_start3A_335 = arith.constant 0 : i32
      %dma_start3A_336 = tpu.memref_slice %arg10[%dma_start3A_333, %dma_start3A_334, %dma_start3A_335] : memref<16x16x128xf32, #tpu.memory_space<vmem>> -> memref<1x16x128xf32, #tpu.memory_space<vmem>>
      %dma_start3A_337 = tpu.memref_squeeze %dma_start3A_336 : memref<1x16x128xf32, #tpu.memory_space<vmem>> -> memref<16x128xf32, #tpu.memory_space<vmem>>
      %dma_start3A_338 = arith.constant 0 : i32
      %dma_start3A_339 = tpu.memref_slice %arg5[%dma_start3A_338, %multiple_of3A_319] : memref<16x1000000xf32, #tpu.memory_space<hbm>> -> memref<16x128xf32, #tpu.memory_space<hbm>>
      %dma_start3A_340 = arith.constant 0 : i32
      %dma_start3A_341 = arith.constant 0 : i32
      %dma_start3A_342 = tpu.memref_slice %arg10[%dma_start3A_333, %dma_start3A_340, %dma_start3A_341] : memref<16x16x128xf32, #tpu.memory_space<vmem>> -> memref<1x16x128xf32, #tpu.memory_space<vmem>>
      %dma_start3A_343 = tpu.memref_squeeze %dma_start3A_342 : memref<1x16x128xf32, #tpu.memory_space<vmem>> -> memref<16x128xf32, #tpu.memory_space<vmem>>
      %dma_start3A_344 = arith.constant 0 : i32
      %dma_start3A_345 = tpu.memref_slice %arg5[%dma_start3A_344, %multiple_of3A_319] : memref<16x1000000xf32, #tpu.memory_space<hbm>> -> memref<16x128xf32, #tpu.memory_space<hbm>>
      tpu.enqueue_dma source(%dma_start3A_345 : memref<16x128xf32, #tpu.memory_space<hbm>>) target(%dma_start3A_343 : memref<16x128xf32, #tpu.memory_space<vmem>>) target_semaphore(%arg13 : memref<!tpu.dma_semaphore, #tpu.memory_space<semaphore_mem>>)
      %slice3A_346 = vector.extract_strided_slice %shift_left3A_50 {offsets = [9], sizes = [1], strides = [1]} : vector<16xi32> to vector<1xi32>
      %squeeze3A_347 = vector.extract %slice3A_346[0] : i32 from vector<1xi32>
      %multiple_of3A_348 = tpu.assume_multiple %squeeze3A_347, 128 : i32
      %slice3A_349 = vector.extract_strided_slice %shift_left3A_56 {offsets = [9], sizes = [1], strides = [1]} : vector<16xi32> to vector<1xi32>
      %squeeze3A_350 = vector.extract %slice3A_349[0] : i32 from vector<1xi32>
      %multiple_of3A_351 = tpu.assume_multiple %squeeze3A_350, 128 : i32
      %dma_start3A_352 = arith.constant 9 : i32
      %dma_start3A_353 = arith.constant 0 : i32
      %dma_start3A_354 = arith.constant 0 : i32
      %dma_start3A_355 = tpu.memref_slice %arg9[%dma_start3A_352, %dma_start3A_353, %dma_start3A_354] : memref<16x16x128xf32, #tpu.memory_space<vmem>> -> memref<1x16x128xf32, #tpu.memory_space<vmem>>
      %dma_start3A_356 = tpu.memref_squeeze %dma_start3A_355 : memref<1x16x128xf32, #tpu.memory_space<vmem>> -> memref<16x128xf32, #tpu.memory_space<vmem>>
      %dma_start3A_357 = arith.constant 0 : i32
      %dma_start3A_358 = tpu.memref_slice %arg4[%dma_start3A_357, %multiple_of3A_348] : memref<16x1000000xf32, #tpu.memory_space<hbm>> -> memref<16x128xf32, #tpu.memory_space<hbm>>
      %dma_start3A_359 = arith.constant 0 : i32
      %dma_start3A_360 = arith.constant 0 : i32
      %dma_start3A_361 = tpu.memref_slice %arg9[%dma_start3A_352, %dma_start3A_359, %dma_start3A_360] : memref<16x16x128xf32, #tpu.memory_space<vmem>> -> memref<1x16x128xf32, #tpu.memory_space<vmem>>
      %dma_start3A_362 = tpu.memref_squeeze %dma_start3A_361 : memref<1x16x128xf32, #tpu.memory_space<vmem>> -> memref<16x128xf32, #tpu.memory_space<vmem>>
      %dma_start3A_363 = arith.constant 0 : i32
      %dma_start3A_364 = tpu.memref_slice %arg4[%dma_start3A_363, %multiple_of3A_348] : memref<16x1000000xf32, #tpu.memory_space<hbm>> -> memref<16x128xf32, #tpu.memory_space<hbm>>
      tpu.enqueue_dma source(%dma_start3A_364 : memref<16x128xf32, #tpu.memory_space<hbm>>) target(%dma_start3A_362 : memref<16x128xf32, #tpu.memory_space<vmem>>) target_semaphore(%arg12 : memref<!tpu.dma_semaphore, #tpu.memory_space<semaphore_mem>>)
      %dma_start3A_365 = arith.constant 9 : i32
      %dma_start3A_366 = arith.constant 0 : i32
      %dma_start3A_367 = arith.constant 0 : i32
      %dma_start3A_368 = tpu.memref_slice %arg10[%dma_start3A_365, %dma_start3A_366, %dma_start3A_367] : memref<16x16x128xf32, #tpu.memory_space<vmem>> -> memref<1x16x128xf32, #tpu.memory_space<vmem>>
      %dma_start3A_369 = tpu.memref_squeeze %dma_start3A_368 : memref<1x16x128xf32, #tpu.memory_space<vmem>> -> memref<16x128xf32, #tpu.memory_space<vmem>>
      %dma_start3A_370 = arith.constant 0 : i32
      %dma_start3A_371 = tpu.memref_slice %arg5[%dma_start3A_370, %multiple_of3A_351] : memref<16x1000000xf32, #tpu.memory_space<hbm>> -> memref<16x128xf32, #tpu.memory_space<hbm>>
      %dma_start3A_372 = arith.constant 0 : i32
      %dma_start3A_373 = arith.constant 0 : i32
      %dma_start3A_374 = tpu.memref_slice %arg10[%dma_start3A_365, %dma_start3A_372, %dma_start3A_373] : memref<16x16x128xf32, #tpu.memory_space<vmem>> -> memref<1x16x128xf32, #tpu.memory_space<vmem>>
      %dma_start3A_375 = tpu.memref_squeeze %dma_start3A_374 : memref<1x16x128xf32, #tpu.memory_space<vmem>> -> memref<16x128xf32, #tpu.memory_space<vmem>>
      %dma_start3A_376 = arith.constant 0 : i32
      %dma_start3A_377 = tpu.memref_slice %arg5[%dma_start3A_376, %multiple_of3A_351] : memref<16x1000000xf32, #tpu.memory_space<hbm>> -> memref<16x128xf32, #tpu.memory_space<hbm>>
      tpu.enqueue_dma source(%dma_start3A_377 : memref<16x128xf32, #tpu.memory_space<hbm>>) target(%dma_start3A_375 : memref<16x128xf32, #tpu.memory_space<vmem>>) target_semaphore(%arg13 : memref<!tpu.dma_semaphore, #tpu.memory_space<semaphore_mem>>)
      %slice3A_378 = vector.extract_strided_slice %shift_left3A_50 {offsets = [10], sizes = [1], strides = [1]} : vector<16xi32> to vector<1xi32>
      %squeeze3A_379 = vector.extract %slice3A_378[0] : i32 from vector<1xi32>
      %multiple_of3A_380 = tpu.assume_multiple %squeeze3A_379, 128 : i32
      %slice3A_381 = vector.extract_strided_slice %shift_left3A_56 {offsets = [10], sizes = [1], strides = [1]} : vector<16xi32> to vector<1xi32>
      %squeeze3A_382 = vector.extract %slice3A_381[0] : i32 from vector<1xi32>
      %multiple_of3A_383 = tpu.assume_multiple %squeeze3A_382, 128 : i32
      %dma_start3A_384 = arith.constant 10 : i32
      %dma_start3A_385 = arith.constant 0 : i32
      %dma_start3A_386 = arith.constant 0 : i32
      %dma_start3A_387 = tpu.memref_slice %arg9[%dma_start3A_384, %dma_start3A_385, %dma_start3A_386] : memref<16x16x128xf32, #tpu.memory_space<vmem>> -> memref<1x16x128xf32, #tpu.memory_space<vmem>>
      %dma_start3A_388 = tpu.memref_squeeze %dma_start3A_387 : memref<1x16x128xf32, #tpu.memory_space<vmem>> -> memref<16x128xf32, #tpu.memory_space<vmem>>
      %dma_start3A_389 = arith.constant 0 : i32
      %dma_start3A_390 = tpu.memref_slice %arg4[%dma_start3A_389, %multiple_of3A_380] : memref<16x1000000xf32, #tpu.memory_space<hbm>> -> memref<16x128xf32, #tpu.memory_space<hbm>>
      %dma_start3A_391 = arith.constant 0 : i32
      %dma_start3A_392 = arith.constant 0 : i32
      %dma_start3A_393 = tpu.memref_slice %arg9[%dma_start3A_384, %dma_start3A_391, %dma_start3A_392] : memref<16x16x128xf32, #tpu.memory_space<vmem>> -> memref<1x16x128xf32, #tpu.memory_space<vmem>>
      %dma_start3A_394 = tpu.memref_squeeze %dma_start3A_393 : memref<1x16x128xf32, #tpu.memory_space<vmem>> -> memref<16x128xf32, #tpu.memory_space<vmem>>
      %dma_start3A_395 = arith.constant 0 : i32
      %dma_start3A_396 = tpu.memref_slice %arg4[%dma_start3A_395, %multiple_of3A_380] : memref<16x1000000xf32, #tpu.memory_space<hbm>> -> memref<16x128xf32, #tpu.memory_space<hbm>>
      tpu.enqueue_dma source(%dma_start3A_396 : memref<16x128xf32, #tpu.memory_space<hbm>>) target(%dma_start3A_394 : memref<16x128xf32, #tpu.memory_space<vmem>>) target_semaphore(%arg12 : memref<!tpu.dma_semaphore, #tpu.memory_space<semaphore_mem>>)
      %dma_start3A_397 = arith.constant 10 : i32
      %dma_start3A_398 = arith.constant 0 : i32
      %dma_start3A_399 = arith.constant 0 : i32
      %dma_start3A_400 = tpu.memref_slice %arg10[%dma_start3A_397, %dma_start3A_398, %dma_start3A_399] : memref<16x16x128xf32, #tpu.memory_space<vmem>> -> memref<1x16x128xf32, #tpu.memory_space<vmem>>
      %dma_start3A_401 = tpu.memref_squeeze %dma_start3A_400 : memref<1x16x128xf32, #tpu.memory_space<vmem>> -> memref<16x128xf32, #tpu.memory_space<vmem>>
      %dma_start3A_402 = arith.constant 0 : i32
      %dma_start3A_403 = tpu.memref_slice %arg5[%dma_start3A_402, %multiple_of3A_383] : memref<16x1000000xf32, #tpu.memory_space<hbm>> -> memref<16x128xf32, #tpu.memory_space<hbm>>
      %dma_start3A_404 = arith.constant 0 : i32
      %dma_start3A_405 = arith.constant 0 : i32
      %dma_start3A_406 = tpu.memref_slice %arg10[%dma_start3A_397, %dma_start3A_404, %dma_start3A_405] : memref<16x16x128xf32, #tpu.memory_space<vmem>> -> memref<1x16x128xf32, #tpu.memory_space<vmem>>
      %dma_start3A_407 = tpu.memref_squeeze %dma_start3A_406 : memref<1x16x128xf32, #tpu.memory_space<vmem>> -> memref<16x128xf32, #tpu.memory_space<vmem>>
      %dma_start3A_408 = arith.constant 0 : i32
      %dma_start3A_409 = tpu.memref_slice %arg5[%dma_start3A_408, %multiple_of3A_383] : memref<16x1000000xf32, #tpu.memory_space<hbm>> -> memref<16x128xf32, #tpu.memory_space<hbm>>
      tpu.enqueue_dma source(%dma_start3A_409 : memref<16x128xf32, #tpu.memory_space<hbm>>) target(%dma_start3A_407 : memref<16x128xf32, #tpu.memory_space<vmem>>) target_semaphore(%arg13 : memref<!tpu.dma_semaphore, #tpu.memory_space<semaphore_mem>>)
      %slice3A_410 = vector.extract_strided_slice %shift_left3A_50 {offsets = [11], sizes = [1], strides = [1]} : vector<16xi32> to vector<1xi32>
      %squeeze3A_411 = vector.extract %slice3A_410[0] : i32 from vector<1xi32>
      %multiple_of3A_412 = tpu.assume_multiple %squeeze3A_411, 128 : i32
      %slice3A_413 = vector.extract_strided_slice %shift_left3A_56 {offsets = [11], sizes = [1], strides = [1]} : vector<16xi32> to vector<1xi32>
      %squeeze3A_414 = vector.extract %slice3A_413[0] : i32 from vector<1xi32>
      %multiple_of3A_415 = tpu.assume_multiple %squeeze3A_414, 128 : i32
      %dma_start3A_416 = arith.constant 11 : i32
      %dma_start3A_417 = arith.constant 0 : i32
      %dma_start3A_418 = arith.constant 0 : i32
      %dma_start3A_419 = tpu.memref_slice %arg9[%dma_start3A_416, %dma_start3A_417, %dma_start3A_418] : memref<16x16x128xf32, #tpu.memory_space<vmem>> -> memref<1x16x128xf32, #tpu.memory_space<vmem>>
      %dma_start3A_420 = tpu.memref_squeeze %dma_start3A_419 : memref<1x16x128xf32, #tpu.memory_space<vmem>> -> memref<16x128xf32, #tpu.memory_space<vmem>>
      %dma_start3A_421 = arith.constant 0 : i32
      %dma_start3A_422 = tpu.memref_slice %arg4[%dma_start3A_421, %multiple_of3A_412] : memref<16x1000000xf32, #tpu.memory_space<hbm>> -> memref<16x128xf32, #tpu.memory_space<hbm>>
      %dma_start3A_423 = arith.constant 0 : i32
      %dma_start3A_424 = arith.constant 0 : i32
      %dma_start3A_425 = tpu.memref_slice %arg9[%dma_start3A_416, %dma_start3A_423, %dma_start3A_424] : memref<16x16x128xf32, #tpu.memory_space<vmem>> -> memref<1x16x128xf32, #tpu.memory_space<vmem>>
      %dma_start3A_426 = tpu.memref_squeeze %dma_start3A_425 : memref<1x16x128xf32, #tpu.memory_space<vmem>> -> memref<16x128xf32, #tpu.memory_space<vmem>>
      %dma_start3A_427 = arith.constant 0 : i32
      %dma_start3A_428 = tpu.memref_slice %arg4[%dma_start3A_427, %multiple_of3A_412] : memref<16x1000000xf32, #tpu.memory_space<hbm>> -> memref<16x128xf32, #tpu.memory_space<hbm>>
      tpu.enqueue_dma source(%dma_start3A_428 : memref<16x128xf32, #tpu.memory_space<hbm>>) target(%dma_start3A_426 : memref<16x128xf32, #tpu.memory_space<vmem>>) target_semaphore(%arg12 : memref<!tpu.dma_semaphore, #tpu.memory_space<semaphore_mem>>)
      %dma_start3A_429 = arith.constant 11 : i32
      %dma_start3A_430 = arith.constant 0 : i32
      %dma_start3A_431 = arith.constant 0 : i32
      %dma_start3A_432 = tpu.memref_slice %arg10[%dma_start3A_429, %dma_start3A_430, %dma_start3A_431] : memref<16x16x128xf32, #tpu.memory_space<vmem>> -> memref<1x16x128xf32, #tpu.memory_space<vmem>>
      %dma_start3A_433 = tpu.memref_squeeze %dma_start3A_432 : memref<1x16x128xf32, #tpu.memory_space<vmem>> -> memref<16x128xf32, #tpu.memory_space<vmem>>
      %dma_start3A_434 = arith.constant 0 : i32
      %dma_start3A_435 = tpu.memref_slice %arg5[%dma_start3A_434, %multiple_of3A_415] : memref<16x1000000xf32, #tpu.memory_space<hbm>> -> memref<16x128xf32, #tpu.memory_space<hbm>>
      %dma_start3A_436 = arith.constant 0 : i32
      %dma_start3A_437 = arith.constant 0 : i32
      %dma_start3A_438 = tpu.memref_slice %arg10[%dma_start3A_429, %dma_start3A_436, %dma_start3A_437] : memref<16x16x128xf32, #tpu.memory_space<vmem>> -> memref<1x16x128xf32, #tpu.memory_space<vmem>>
      %dma_start3A_439 = tpu.memref_squeeze %dma_start3A_438 : memref<1x16x128xf32, #tpu.memory_space<vmem>> -> memref<16x128xf32, #tpu.memory_space<vmem>>
      %dma_start3A_440 = arith.constant 0 : i32
      %dma_start3A_441 = tpu.memref_slice %arg5[%dma_start3A_440, %multiple_of3A_415] : memref<16x1000000xf32, #tpu.memory_space<hbm>> -> memref<16x128xf32, #tpu.memory_space<hbm>>
      tpu.enqueue_dma source(%dma_start3A_441 : memref<16x128xf32, #tpu.memory_space<hbm>>) target(%dma_start3A_439 : memref<16x128xf32, #tpu.memory_space<vmem>>) target_semaphore(%arg13 : memref<!tpu.dma_semaphore, #tpu.memory_space<semaphore_mem>>)
      %slice3A_442 = vector.extract_strided_slice %shift_left3A_50 {offsets = [12], sizes = [1], strides = [1]} : vector<16xi32> to vector<1xi32>
      %squeeze3A_443 = vector.extract %slice3A_442[0] : i32 from vector<1xi32>
      %multiple_of3A_444 = tpu.assume_multiple %squeeze3A_443, 128 : i32
      %slice3A_445 = vector.extract_strided_slice %shift_left3A_56 {offsets = [12], sizes = [1], strides = [1]} : vector<16xi32> to vector<1xi32>
      %squeeze3A_446 = vector.extract %slice3A_445[0] : i32 from vector<1xi32>
      %multiple_of3A_447 = tpu.assume_multiple %squeeze3A_446, 128 : i32
      %dma_start3A_448 = arith.constant 12 : i32
      %dma_start3A_449 = arith.constant 0 : i32
      %dma_start3A_450 = arith.constant 0 : i32
      %dma_start3A_451 = tpu.memref_slice %arg9[%dma_start3A_448, %dma_start3A_449, %dma_start3A_450] : memref<16x16x128xf32, #tpu.memory_space<vmem>> -> memref<1x16x128xf32, #tpu.memory_space<vmem>>
      %dma_start3A_452 = tpu.memref_squeeze %dma_start3A_451 : memref<1x16x128xf32, #tpu.memory_space<vmem>> -> memref<16x128xf32, #tpu.memory_space<vmem>>
      %dma_start3A_453 = arith.constant 0 : i32
      %dma_start3A_454 = tpu.memref_slice %arg4[%dma_start3A_453, %multiple_of3A_444] : memref<16x1000000xf32, #tpu.memory_space<hbm>> -> memref<16x128xf32, #tpu.memory_space<hbm>>
      %dma_start3A_455 = arith.constant 0 : i32
      %dma_start3A_456 = arith.constant 0 : i32
      %dma_start3A_457 = tpu.memref_slice %arg9[%dma_start3A_448, %dma_start3A_455, %dma_start3A_456] : memref<16x16x128xf32, #tpu.memory_space<vmem>> -> memref<1x16x128xf32, #tpu.memory_space<vmem>>
      %dma_start3A_458 = tpu.memref_squeeze %dma_start3A_457 : memref<1x16x128xf32, #tpu.memory_space<vmem>> -> memref<16x128xf32, #tpu.memory_space<vmem>>
      %dma_start3A_459 = arith.constant 0 : i32
      %dma_start3A_460 = tpu.memref_slice %arg4[%dma_start3A_459, %multiple_of3A_444] : memref<16x1000000xf32, #tpu.memory_space<hbm>> -> memref<16x128xf32, #tpu.memory_space<hbm>>
      tpu.enqueue_dma source(%dma_start3A_460 : memref<16x128xf32, #tpu.memory_space<hbm>>) target(%dma_start3A_458 : memref<16x128xf32, #tpu.memory_space<vmem>>) target_semaphore(%arg12 : memref<!tpu.dma_semaphore, #tpu.memory_space<semaphore_mem>>)
      %dma_start3A_461 = arith.constant 12 : i32
      %dma_start3A_462 = arith.constant 0 : i32
      %dma_start3A_463 = arith.constant 0 : i32
      %dma_start3A_464 = tpu.memref_slice %arg10[%dma_start3A_461, %dma_start3A_462, %dma_start3A_463] : memref<16x16x128xf32, #tpu.memory_space<vmem>> -> memref<1x16x128xf32, #tpu.memory_space<vmem>>
      %dma_start3A_465 = tpu.memref_squeeze %dma_start3A_464 : memref<1x16x128xf32, #tpu.memory_space<vmem>> -> memref<16x128xf32, #tpu.memory_space<vmem>>
      %dma_start3A_466 = arith.constant 0 : i32
      %dma_start3A_467 = tpu.memref_slice %arg5[%dma_start3A_466, %multiple_of3A_447] : memref<16x1000000xf32, #tpu.memory_space<hbm>> -> memref<16x128xf32, #tpu.memory_space<hbm>>
      %dma_start3A_468 = arith.constant 0 : i32
      %dma_start3A_469 = arith.constant 0 : i32
      %dma_start3A_470 = tpu.memref_slice %arg10[%dma_start3A_461, %dma_start3A_468, %dma_start3A_469] : memref<16x16x128xf32, #tpu.memory_space<vmem>> -> memref<1x16x128xf32, #tpu.memory_space<vmem>>
      %dma_start3A_471 = tpu.memref_squeeze %dma_start3A_470 : memref<1x16x128xf32, #tpu.memory_space<vmem>> -> memref<16x128xf32, #tpu.memory_space<vmem>>
      %dma_start3A_472 = arith.constant 0 : i32
      %dma_start3A_473 = tpu.memref_slice %arg5[%dma_start3A_472, %multiple_of3A_447] : memref<16x1000000xf32, #tpu.memory_space<hbm>> -> memref<16x128xf32, #tpu.memory_space<hbm>>
      tpu.enqueue_dma source(%dma_start3A_473 : memref<16x128xf32, #tpu.memory_space<hbm>>) target(%dma_start3A_471 : memref<16x128xf32, #tpu.memory_space<vmem>>) target_semaphore(%arg13 : memref<!tpu.dma_semaphore, #tpu.memory_space<semaphore_mem>>)
      %slice3A_474 = vector.extract_strided_slice %shift_left3A_50 {offsets = [13], sizes = [1], strides = [1]} : vector<16xi32> to vector<1xi32>
      %squeeze3A_475 = vector.extract %slice3A_474[0] : i32 from vector<1xi32>
      %multiple_of3A_476 = tpu.assume_multiple %squeeze3A_475, 128 : i32
      %slice3A_477 = vector.extract_strided_slice %shift_left3A_56 {offsets = [13], sizes = [1], strides = [1]} : vector<16xi32> to vector<1xi32>
      %squeeze3A_478 = vector.extract %slice3A_477[0] : i32 from vector<1xi32>
      %multiple_of3A_479 = tpu.assume_multiple %squeeze3A_478, 128 : i32
      %dma_start3A_480 = arith.constant 13 : i32
      %dma_start3A_481 = arith.constant 0 : i32
      %dma_start3A_482 = arith.constant 0 : i32
      %dma_start3A_483 = tpu.memref_slice %arg9[%dma_start3A_480, %dma_start3A_481, %dma_start3A_482] : memref<16x16x128xf32, #tpu.memory_space<vmem>> -> memref<1x16x128xf32, #tpu.memory_space<vmem>>
      %dma_start3A_484 = tpu.memref_squeeze %dma_start3A_483 : memref<1x16x128xf32, #tpu.memory_space<vmem>> -> memref<16x128xf32, #tpu.memory_space<vmem>>
      %dma_start3A_485 = arith.constant 0 : i32
      %dma_start3A_486 = tpu.memref_slice %arg4[%dma_start3A_485, %multiple_of3A_476] : memref<16x1000000xf32, #tpu.memory_space<hbm>> -> memref<16x128xf32, #tpu.memory_space<hbm>>
      %dma_start3A_487 = arith.constant 0 : i32
      %dma_start3A_488 = arith.constant 0 : i32
      %dma_start3A_489 = tpu.memref_slice %arg9[%dma_start3A_480, %dma_start3A_487, %dma_start3A_488] : memref<16x16x128xf32, #tpu.memory_space<vmem>> -> memref<1x16x128xf32, #tpu.memory_space<vmem>>
      %dma_start3A_490 = tpu.memref_squeeze %dma_start3A_489 : memref<1x16x128xf32, #tpu.memory_space<vmem>> -> memref<16x128xf32, #tpu.memory_space<vmem>>
      %dma_start3A_491 = arith.constant 0 : i32
      %dma_start3A_492 = tpu.memref_slice %arg4[%dma_start3A_491, %multiple_of3A_476] : memref<16x1000000xf32, #tpu.memory_space<hbm>> -> memref<16x128xf32, #tpu.memory_space<hbm>>
      tpu.enqueue_dma source(%dma_start3A_492 : memref<16x128xf32, #tpu.memory_space<hbm>>) target(%dma_start3A_490 : memref<16x128xf32, #tpu.memory_space<vmem>>) target_semaphore(%arg12 : memref<!tpu.dma_semaphore, #tpu.memory_space<semaphore_mem>>)
      %dma_start3A_493 = arith.constant 13 : i32
      %dma_start3A_494 = arith.constant 0 : i32
      %dma_start3A_495 = arith.constant 0 : i32
      %dma_start3A_496 = tpu.memref_slice %arg10[%dma_start3A_493, %dma_start3A_494, %dma_start3A_495] : memref<16x16x128xf32, #tpu.memory_space<vmem>> -> memref<1x16x128xf32, #tpu.memory_space<vmem>>
      %dma_start3A_497 = tpu.memref_squeeze %dma_start3A_496 : memref<1x16x128xf32, #tpu.memory_space<vmem>> -> memref<16x128xf32, #tpu.memory_space<vmem>>
      %dma_start3A_498 = arith.constant 0 : i32
      %dma_start3A_499 = tpu.memref_slice %arg5[%dma_start3A_498, %multiple_of3A_479] : memref<16x1000000xf32, #tpu.memory_space<hbm>> -> memref<16x128xf32, #tpu.memory_space<hbm>>
      %dma_start3A_500 = arith.constant 0 : i32
      %dma_start3A_501 = arith.constant 0 : i32
      %dma_start3A_502 = tpu.memref_slice %arg10[%dma_start3A_493, %dma_start3A_500, %dma_start3A_501] : memref<16x16x128xf32, #tpu.memory_space<vmem>> -> memref<1x16x128xf32, #tpu.memory_space<vmem>>
      %dma_start3A_503 = tpu.memref_squeeze %dma_start3A_502 : memref<1x16x128xf32, #tpu.memory_space<vmem>> -> memref<16x128xf32, #tpu.memory_space<vmem>>
      %dma_start3A_504 = arith.constant 0 : i32
      %dma_start3A_505 = tpu.memref_slice %arg5[%dma_start3A_504, %multiple_of3A_479] : memref<16x1000000xf32, #tpu.memory_space<hbm>> -> memref<16x128xf32, #tpu.memory_space<hbm>>
      tpu.enqueue_dma source(%dma_start3A_505 : memref<16x128xf32, #tpu.memory_space<hbm>>) target(%dma_start3A_503 : memref<16x128xf32, #tpu.memory_space<vmem>>) target_semaphore(%arg13 : memref<!tpu.dma_semaphore, #tpu.memory_space<semaphore_mem>>)
      %slice3A_506 = vector.extract_strided_slice %shift_left3A_50 {offsets = [14], sizes = [1], strides = [1]} : vector<16xi32> to vector<1xi32>
      %squeeze3A_507 = vector.extract %slice3A_506[0] : i32 from vector<1xi32>
      %multiple_of3A_508 = tpu.assume_multiple %squeeze3A_507, 128 : i32
      %slice3A_509 = vector.extract_strided_slice %shift_left3A_56 {offsets = [14], sizes = [1], strides = [1]} : vector<16xi32> to vector<1xi32>
      %squeeze3A_510 = vector.extract %slice3A_509[0] : i32 from vector<1xi32>
      %multiple_of3A_511 = tpu.assume_multiple %squeeze3A_510, 128 : i32
      %dma_start3A_512 = arith.constant 14 : i32
      %dma_start3A_513 = arith.constant 0 : i32
      %dma_start3A_514 = arith.constant 0 : i32
      %dma_start3A_515 = tpu.memref_slice %arg9[%dma_start3A_512, %dma_start3A_513, %dma_start3A_514] : memref<16x16x128xf32, #tpu.memory_space<vmem>> -> memref<1x16x128xf32, #tpu.memory_space<vmem>>
      %dma_start3A_516 = tpu.memref_squeeze %dma_start3A_515 : memref<1x16x128xf32, #tpu.memory_space<vmem>> -> memref<16x128xf32, #tpu.memory_space<vmem>>
      %dma_start3A_517 = arith.constant 0 : i32
      %dma_start3A_518 = tpu.memref_slice %arg4[%dma_start3A_517, %multiple_of3A_508] : memref<16x1000000xf32, #tpu.memory_space<hbm>> -> memref<16x128xf32, #tpu.memory_space<hbm>>
      %dma_start3A_519 = arith.constant 0 : i32
      %dma_start3A_520 = arith.constant 0 : i32
      %dma_start3A_521 = tpu.memref_slice %arg9[%dma_start3A_512, %dma_start3A_519, %dma_start3A_520] : memref<16x16x128xf32, #tpu.memory_space<vmem>> -> memref<1x16x128xf32, #tpu.memory_space<vmem>>
      %dma_start3A_522 = tpu.memref_squeeze %dma_start3A_521 : memref<1x16x128xf32, #tpu.memory_space<vmem>> -> memref<16x128xf32, #tpu.memory_space<vmem>>
      %dma_start3A_523 = arith.constant 0 : i32
      %dma_start3A_524 = tpu.memref_slice %arg4[%dma_start3A_523, %multiple_of3A_508] : memref<16x1000000xf32, #tpu.memory_space<hbm>> -> memref<16x128xf32, #tpu.memory_space<hbm>>
      tpu.enqueue_dma source(%dma_start3A_524 : memref<16x128xf32, #tpu.memory_space<hbm>>) target(%dma_start3A_522 : memref<16x128xf32, #tpu.memory_space<vmem>>) target_semaphore(%arg12 : memref<!tpu.dma_semaphore, #tpu.memory_space<semaphore_mem>>)
      %dma_start3A_525 = arith.constant 14 : i32
      %dma_start3A_526 = arith.constant 0 : i32
      %dma_start3A_527 = arith.constant 0 : i32
      %dma_start3A_528 = tpu.memref_slice %arg10[%dma_start3A_525, %dma_start3A_526, %dma_start3A_527] : memref<16x16x128xf32, #tpu.memory_space<vmem>> -> memref<1x16x128xf32, #tpu.memory_space<vmem>>
      %dma_start3A_529 = tpu.memref_squeeze %dma_start3A_528 : memref<1x16x128xf32, #tpu.memory_space<vmem>> -> memref<16x128xf32, #tpu.memory_space<vmem>>
      %dma_start3A_530 = arith.constant 0 : i32
      %dma_start3A_531 = tpu.memref_slice %arg5[%dma_start3A_530, %multiple_of3A_511] : memref<16x1000000xf32, #tpu.memory_space<hbm>> -> memref<16x128xf32, #tpu.memory_space<hbm>>
      %dma_start3A_532 = arith.constant 0 : i32
      %dma_start3A_533 = arith.constant 0 : i32
      %dma_start3A_534 = tpu.memref_slice %arg10[%dma_start3A_525, %dma_start3A_532, %dma_start3A_533] : memref<16x16x128xf32, #tpu.memory_space<vmem>> -> memref<1x16x128xf32, #tpu.memory_space<vmem>>
      %dma_start3A_535 = tpu.memref_squeeze %dma_start3A_534 : memref<1x16x128xf32, #tpu.memory_space<vmem>> -> memref<16x128xf32, #tpu.memory_space<vmem>>
      %dma_start3A_536 = arith.constant 0 : i32
      %dma_start3A_537 = tpu.memref_slice %arg5[%dma_start3A_536, %multiple_of3A_511] : memref<16x1000000xf32, #tpu.memory_space<hbm>> -> memref<16x128xf32, #tpu.memory_space<hbm>>
      tpu.enqueue_dma source(%dma_start3A_537 : memref<16x128xf32, #tpu.memory_space<hbm>>) target(%dma_start3A_535 : memref<16x128xf32, #tpu.memory_space<vmem>>) target_semaphore(%arg13 : memref<!tpu.dma_semaphore, #tpu.memory_space<semaphore_mem>>)
      %slice3A_538 = vector.extract_strided_slice %shift_left3A_50 {offsets = [15], sizes = [1], strides = [1]} : vector<16xi32> to vector<1xi32>
      %squeeze3A_539 = vector.extract %slice3A_538[0] : i32 from vector<1xi32>
      %multiple_of3A_540 = tpu.assume_multiple %squeeze3A_539, 128 : i32
      %slice3A_541 = vector.extract_strided_slice %shift_left3A_56 {offsets = [15], sizes = [1], strides = [1]} : vector<16xi32> to vector<1xi32>
      %squeeze3A_542 = vector.extract %slice3A_541[0] : i32 from vector<1xi32>
      %multiple_of3A_543 = tpu.assume_multiple %squeeze3A_542, 128 : i32
      %dma_start3A_544 = arith.constant 15 : i32
      %dma_start3A_545 = arith.constant 0 : i32
      %dma_start3A_546 = arith.constant 0 : i32
      %dma_start3A_547 = tpu.memref_slice %arg9[%dma_start3A_544, %dma_start3A_545, %dma_start3A_546] : memref<16x16x128xf32, #tpu.memory_space<vmem>> -> memref<1x16x128xf32, #tpu.memory_space<vmem>>
      %dma_start3A_548 = tpu.memref_squeeze %dma_start3A_547 : memref<1x16x128xf32, #tpu.memory_space<vmem>> -> memref<16x128xf32, #tpu.memory_space<vmem>>
      %dma_start3A_549 = arith.constant 0 : i32
      %dma_start3A_550 = tpu.memref_slice %arg4[%dma_start3A_549, %multiple_of3A_540] : memref<16x1000000xf32, #tpu.memory_space<hbm>> -> memref<16x128xf32, #tpu.memory_space<hbm>>
      %dma_start3A_551 = arith.constant 0 : i32
      %dma_start3A_552 = arith.constant 0 : i32
      %dma_start3A_553 = tpu.memref_slice %arg9[%dma_start3A_544, %dma_start3A_551, %dma_start3A_552] : memref<16x16x128xf32, #tpu.memory_space<vmem>> -> memref<1x16x128xf32, #tpu.memory_space<vmem>>
      %dma_start3A_554 = tpu.memref_squeeze %dma_start3A_553 : memref<1x16x128xf32, #tpu.memory_space<vmem>> -> memref<16x128xf32, #tpu.memory_space<vmem>>
      %dma_start3A_555 = arith.constant 0 : i32
      %dma_start3A_556 = tpu.memref_slice %arg4[%dma_start3A_555, %multiple_of3A_540] : memref<16x1000000xf32, #tpu.memory_space<hbm>> -> memref<16x128xf32, #tpu.memory_space<hbm>>
      tpu.enqueue_dma source(%dma_start3A_556 : memref<16x128xf32, #tpu.memory_space<hbm>>) target(%dma_start3A_554 : memref<16x128xf32, #tpu.memory_space<vmem>>) target_semaphore(%arg12 : memref<!tpu.dma_semaphore, #tpu.memory_space<semaphore_mem>>)
      %dma_start3A_557 = arith.constant 15 : i32
      %dma_start3A_558 = arith.constant 0 : i32
      %dma_start3A_559 = arith.constant 0 : i32
      %dma_start3A_560 = tpu.memref_slice %arg10[%dma_start3A_557, %dma_start3A_558, %dma_start3A_559] : memref<16x16x128xf32, #tpu.memory_space<vmem>> -> memref<1x16x128xf32, #tpu.memory_space<vmem>>
      %dma_start3A_561 = tpu.memref_squeeze %dma_start3A_560 : memref<1x16x128xf32, #tpu.memory_space<vmem>> -> memref<16x128xf32, #tpu.memory_space<vmem>>
      %dma_start3A_562 = arith.constant 0 : i32
      %dma_start3A_563 = tpu.memref_slice %arg5[%dma_start3A_562, %multiple_of3A_543] : memref<16x1000000xf32, #tpu.memory_space<hbm>> -> memref<16x128xf32, #tpu.memory_space<hbm>>
      %dma_start3A_564 = arith.constant 0 : i32
      %dma_start3A_565 = arith.constant 0 : i32
      %dma_start3A_566 = tpu.memref_slice %arg10[%dma_start3A_557, %dma_start3A_564, %dma_start3A_565] : memref<16x16x128xf32, #tpu.memory_space<vmem>> -> memref<1x16x128xf32, #tpu.memory_space<vmem>>
      %dma_start3A_567 = tpu.memref_squeeze %dma_start3A_566 : memref<1x16x128xf32, #tpu.memory_space<vmem>> -> memref<16x128xf32, #tpu.memory_space<vmem>>
      %dma_start3A_568 = arith.constant 0 : i32
      %dma_start3A_569 = tpu.memref_slice %arg5[%dma_start3A_568, %multiple_of3A_543] : memref<16x1000000xf32, #tpu.memory_space<hbm>> -> memref<16x128xf32, #tpu.memory_space<hbm>>
      tpu.enqueue_dma source(%dma_start3A_569 : memref<16x128xf32, #tpu.memory_space<hbm>>) target(%dma_start3A_567 : memref<16x128xf32, #tpu.memory_space<vmem>>) target_semaphore(%arg13 : memref<!tpu.dma_semaphore, #tpu.memory_space<semaphore_mem>>)
      %dma_wait3A = arith.constant 0 : i32
      %dma_wait3A_570 = arith.constant 0 : i32
      %dma_wait3A_571 = arith.constant 0 : i32
      %dma_wait3A_572 = tpu.memref_slice %arg9[%dma_wait3A, %dma_wait3A_570, %dma_wait3A_571] : memref<16x16x128xf32, #tpu.memory_space<vmem>> -> memref<1x16x128xf32, #tpu.memory_space<vmem>>
      %dma_wait3A_573 = tpu.memref_squeeze %dma_wait3A_572 : memref<1x16x128xf32, #tpu.memory_space<vmem>> -> memref<16x128xf32, #tpu.memory_space<vmem>>
      %dma_wait3A_574 = arith.constant 0 : i32
      %dma_wait3A_575 = arith.constant 0 : i32
      %dma_wait3A_576 = tpu.memref_slice %arg4[%dma_wait3A_574, %dma_wait3A_575] : memref<16x1000000xf32, #tpu.memory_space<hbm>> -> memref<16x128xf32, #tpu.memory_space<hbm>>
      %dma_wait3A_577 = arith.constant 0 : i32
      %dma_wait3A_578 = arith.constant 0 : i32
      %dma_wait3A_579 = tpu.memref_slice %arg9[%dma_wait3A, %dma_wait3A_577, %dma_wait3A_578] : memref<16x16x128xf32, #tpu.memory_space<vmem>> -> memref<1x16x128xf32, #tpu.memory_space<vmem>>
      %dma_wait3A_580 = tpu.memref_squeeze %dma_wait3A_579 : memref<1x16x128xf32, #tpu.memory_space<vmem>> -> memref<16x128xf32, #tpu.memory_space<vmem>>
      %dma_wait3A_581 = arith.constant 0 : i32
      %dma_wait3A_582 = arith.constant 0 : i32
      %dma_wait3A_583 = tpu.memref_slice %arg4[%dma_wait3A_581, %dma_wait3A_582] : memref<16x1000000xf32, #tpu.memory_space<hbm>> -> memref<16x128xf32, #tpu.memory_space<hbm>>
      tpu.wait_dma2 semaphore(%arg12 : memref<!tpu.dma_semaphore, #tpu.memory_space<semaphore_mem>>) src(%dma_wait3A_583 : memref<16x128xf32, #tpu.memory_space<hbm>>) dst(%dma_wait3A_580 : memref<16x128xf32, #tpu.memory_space<vmem>>)
      %dma_wait3A_584 = arith.constant 0 : i32
      %dma_wait3A_585 = arith.constant 0 : i32
      %dma_wait3A_586 = arith.constant 0 : i32
      %dma_wait3A_587 = tpu.memref_slice %arg10[%dma_wait3A_584, %dma_wait3A_585, %dma_wait3A_586] : memref<16x16x128xf32, #tpu.memory_space<vmem>> -> memref<1x16x128xf32, #tpu.memory_space<vmem>>
      %dma_wait3A_588 = tpu.memref_squeeze %dma_wait3A_587 : memref<1x16x128xf32, #tpu.memory_space<vmem>> -> memref<16x128xf32, #tpu.memory_space<vmem>>
      %dma_wait3A_589 = arith.constant 0 : i32
      %dma_wait3A_590 = arith.constant 0 : i32
      %dma_wait3A_591 = tpu.memref_slice %arg5[%dma_wait3A_589, %dma_wait3A_590] : memref<16x1000000xf32, #tpu.memory_space<hbm>> -> memref<16x128xf32, #tpu.memory_space<hbm>>
      %dma_wait3A_592 = arith.constant 0 : i32
      %dma_wait3A_593 = arith.constant 0 : i32
      %dma_wait3A_594 = tpu.memref_slice %arg10[%dma_wait3A_584, %dma_wait3A_592, %dma_wait3A_593] : memref<16x16x128xf32, #tpu.memory_space<vmem>> -> memref<1x16x128xf32, #tpu.memory_space<vmem>>
      %dma_wait3A_595 = tpu.memref_squeeze %dma_wait3A_594 : memref<1x16x128xf32, #tpu.memory_space<vmem>> -> memref<16x128xf32, #tpu.memory_space<vmem>>
      %dma_wait3A_596 = arith.constant 0 : i32
      %dma_wait3A_597 = arith.constant 0 : i32
      %dma_wait3A_598 = tpu.memref_slice %arg5[%dma_wait3A_596, %dma_wait3A_597] : memref<16x1000000xf32, #tpu.memory_space<hbm>> -> memref<16x128xf32, #tpu.memory_space<hbm>>
      tpu.wait_dma2 semaphore(%arg13 : memref<!tpu.dma_semaphore, #tpu.memory_space<semaphore_mem>>) src(%dma_wait3A_598 : memref<16x128xf32, #tpu.memory_space<hbm>>) dst(%dma_wait3A_595 : memref<16x128xf32, #tpu.memory_space<vmem>>)
      %dma_wait3A_599 = arith.constant 1 : i32
      %dma_wait3A_600 = arith.constant 0 : i32
      %dma_wait3A_601 = arith.constant 0 : i32
      %dma_wait3A_602 = tpu.memref_slice %arg9[%dma_wait3A_599, %dma_wait3A_600, %dma_wait3A_601] : memref<16x16x128xf32, #tpu.memory_space<vmem>> -> memref<1x16x128xf32, #tpu.memory_space<vmem>>
      %dma_wait3A_603 = tpu.memref_squeeze %dma_wait3A_602 : memref<1x16x128xf32, #tpu.memory_space<vmem>> -> memref<16x128xf32, #tpu.memory_space<vmem>>
      %dma_wait3A_604 = arith.constant 0 : i32
      %dma_wait3A_605 = arith.constant 0 : i32
      %dma_wait3A_606 = tpu.memref_slice %arg4[%dma_wait3A_604, %dma_wait3A_605] : memref<16x1000000xf32, #tpu.memory_space<hbm>> -> memref<16x128xf32, #tpu.memory_space<hbm>>
      %dma_wait3A_607 = arith.constant 0 : i32
      %dma_wait3A_608 = arith.constant 0 : i32
      %dma_wait3A_609 = tpu.memref_slice %arg9[%dma_wait3A_599, %dma_wait3A_607, %dma_wait3A_608] : memref<16x16x128xf32, #tpu.memory_space<vmem>> -> memref<1x16x128xf32, #tpu.memory_space<vmem>>
      %dma_wait3A_610 = tpu.memref_squeeze %dma_wait3A_609 : memref<1x16x128xf32, #tpu.memory_space<vmem>> -> memref<16x128xf32, #tpu.memory_space<vmem>>
      %dma_wait3A_611 = arith.constant 0 : i32
      %dma_wait3A_612 = arith.constant 0 : i32
      %dma_wait3A_613 = tpu.memref_slice %arg4[%dma_wait3A_611, %dma_wait3A_612] : memref<16x1000000xf32, #tpu.memory_space<hbm>> -> memref<16x128xf32, #tpu.memory_space<hbm>>
      tpu.wait_dma2 semaphore(%arg12 : memref<!tpu.dma_semaphore, #tpu.memory_space<semaphore_mem>>) src(%dma_wait3A_613 : memref<16x128xf32, #tpu.memory_space<hbm>>) dst(%dma_wait3A_610 : memref<16x128xf32, #tpu.memory_space<vmem>>)
      %dma_wait3A_614 = arith.constant 1 : i32
      %dma_wait3A_615 = arith.constant 0 : i32
      %dma_wait3A_616 = arith.constant 0 : i32
      %dma_wait3A_617 = tpu.memref_slice %arg10[%dma_wait3A_614, %dma_wait3A_615, %dma_wait3A_616] : memref<16x16x128xf32, #tpu.memory_space<vmem>> -> memref<1x16x128xf32, #tpu.memory_space<vmem>>
      %dma_wait3A_618 = tpu.memref_squeeze %dma_wait3A_617 : memref<1x16x128xf32, #tpu.memory_space<vmem>> -> memref<16x128xf32, #tpu.memory_space<vmem>>
      %dma_wait3A_619 = arith.constant 0 : i32
      %dma_wait3A_620 = arith.constant 0 : i32
      %dma_wait3A_621 = tpu.memref_slice %arg5[%dma_wait3A_619, %dma_wait3A_620] : memref<16x1000000xf32, #tpu.memory_space<hbm>> -> memref<16x128xf32, #tpu.memory_space<hbm>>
      %dma_wait3A_622 = arith.constant 0 : i32
      %dma_wait3A_623 = arith.constant 0 : i32
      %dma_wait3A_624 = tpu.memref_slice %arg10[%dma_wait3A_614, %dma_wait3A_622, %dma_wait3A_623] : memref<16x16x128xf32, #tpu.memory_space<vmem>> -> memref<1x16x128xf32, #tpu.memory_space<vmem>>
      %dma_wait3A_625 = tpu.memref_squeeze %dma_wait3A_624 : memref<1x16x128xf32, #tpu.memory_space<vmem>> -> memref<16x128xf32, #tpu.memory_space<vmem>>
      %dma_wait3A_626 = arith.constant 0 : i32
      %dma_wait3A_627 = arith.constant 0 : i32
      %dma_wait3A_628 = tpu.memref_slice %arg5[%dma_wait3A_626, %dma_wait3A_627] : memref<16x1000000xf32, #tpu.memory_space<hbm>> -> memref<16x128xf32, #tpu.memory_space<hbm>>
      tpu.wait_dma2 semaphore(%arg13 : memref<!tpu.dma_semaphore, #tpu.memory_space<semaphore_mem>>) src(%dma_wait3A_628 : memref<16x128xf32, #tpu.memory_space<hbm>>) dst(%dma_wait3A_625 : memref<16x128xf32, #tpu.memory_space<vmem>>)
      %dma_wait3A_629 = arith.constant 2 : i32
      %dma_wait3A_630 = arith.constant 0 : i32
      %dma_wait3A_631 = arith.constant 0 : i32
      %dma_wait3A_632 = tpu.memref_slice %arg9[%dma_wait3A_629, %dma_wait3A_630, %dma_wait3A_631] : memref<16x16x128xf32, #tpu.memory_space<vmem>> -> memref<1x16x128xf32, #tpu.memory_space<vmem>>
      %dma_wait3A_633 = tpu.memref_squeeze %dma_wait3A_632 : memref<1x16x128xf32, #tpu.memory_space<vmem>> -> memref<16x128xf32, #tpu.memory_space<vmem>>
      %dma_wait3A_634 = arith.constant 0 : i32
      %dma_wait3A_635 = arith.constant 0 : i32
      %dma_wait3A_636 = tpu.memref_slice %arg4[%dma_wait3A_634, %dma_wait3A_635] : memref<16x1000000xf32, #tpu.memory_space<hbm>> -> memref<16x128xf32, #tpu.memory_space<hbm>>
      %dma_wait3A_637 = arith.constant 0 : i32
      %dma_wait3A_638 = arith.constant 0 : i32
      %dma_wait3A_639 = tpu.memref_slice %arg9[%dma_wait3A_629, %dma_wait3A_637, %dma_wait3A_638] : memref<16x16x128xf32, #tpu.memory_space<vmem>> -> memref<1x16x128xf32, #tpu.memory_space<vmem>>
      %dma_wait3A_640 = tpu.memref_squeeze %dma_wait3A_639 : memref<1x16x128xf32, #tpu.memory_space<vmem>> -> memref<16x128xf32, #tpu.memory_space<vmem>>
      %dma_wait3A_641 = arith.constant 0 : i32
      %dma_wait3A_642 = arith.constant 0 : i32
      %dma_wait3A_643 = tpu.memref_slice %arg4[%dma_wait3A_641, %dma_wait3A_642] : memref<16x1000000xf32, #tpu.memory_space<hbm>> -> memref<16x128xf32, #tpu.memory_space<hbm>>
      tpu.wait_dma2 semaphore(%arg12 : memref<!tpu.dma_semaphore, #tpu.memory_space<semaphore_mem>>) src(%dma_wait3A_643 : memref<16x128xf32, #tpu.memory_space<hbm>>) dst(%dma_wait3A_640 : memref<16x128xf32, #tpu.memory_space<vmem>>)
      %dma_wait3A_644 = arith.constant 2 : i32
      %dma_wait3A_645 = arith.constant 0 : i32
      %dma_wait3A_646 = arith.constant 0 : i32
      %dma_wait3A_647 = tpu.memref_slice %arg10[%dma_wait3A_644, %dma_wait3A_645, %dma_wait3A_646] : memref<16x16x128xf32, #tpu.memory_space<vmem>> -> memref<1x16x128xf32, #tpu.memory_space<vmem>>
      %dma_wait3A_648 = tpu.memref_squeeze %dma_wait3A_647 : memref<1x16x128xf32, #tpu.memory_space<vmem>> -> memref<16x128xf32, #tpu.memory_space<vmem>>
      %dma_wait3A_649 = arith.constant 0 : i32
      %dma_wait3A_650 = arith.constant 0 : i32
      %dma_wait3A_651 = tpu.memref_slice %arg5[%dma_wait3A_649, %dma_wait3A_650] : memref<16x1000000xf32, #tpu.memory_space<hbm>> -> memref<16x128xf32, #tpu.memory_space<hbm>>
      %dma_wait3A_652 = arith.constant 0 : i32
      %dma_wait3A_653 = arith.constant 0 : i32
      %dma_wait3A_654 = tpu.memref_slice %arg10[%dma_wait3A_644, %dma_wait3A_652, %dma_wait3A_653] : memref<16x16x128xf32, #tpu.memory_space<vmem>> -> memref<1x16x128xf32, #tpu.memory_space<vmem>>
      %dma_wait3A_655 = tpu.memref_squeeze %dma_wait3A_654 : memref<1x16x128xf32, #tpu.memory_space<vmem>> -> memref<16x128xf32, #tpu.memory_space<vmem>>
      %dma_wait3A_656 = arith.constant 0 : i32
      %dma_wait3A_657 = arith.constant 0 : i32
      %dma_wait3A_658 = tpu.memref_slice %arg5[%dma_wait3A_656, %dma_wait3A_657] : memref<16x1000000xf32, #tpu.memory_space<hbm>> -> memref<16x128xf32, #tpu.memory_space<hbm>>
      tpu.wait_dma2 semaphore(%arg13 : memref<!tpu.dma_semaphore, #tpu.memory_space<semaphore_mem>>) src(%dma_wait3A_658 : memref<16x128xf32, #tpu.memory_space<hbm>>) dst(%dma_wait3A_655 : memref<16x128xf32, #tpu.memory_space<vmem>>)
      %dma_wait3A_659 = arith.constant 3 : i32
      %dma_wait3A_660 = arith.constant 0 : i32
      %dma_wait3A_661 = arith.constant 0 : i32
      %dma_wait3A_662 = tpu.memref_slice %arg9[%dma_wait3A_659, %dma_wait3A_660, %dma_wait3A_661] : memref<16x16x128xf32, #tpu.memory_space<vmem>> -> memref<1x16x128xf32, #tpu.memory_space<vmem>>
      %dma_wait3A_663 = tpu.memref_squeeze %dma_wait3A_662 : memref<1x16x128xf32, #tpu.memory_space<vmem>> -> memref<16x128xf32, #tpu.memory_space<vmem>>
      %dma_wait3A_664 = arith.constant 0 : i32
      %dma_wait3A_665 = arith.constant 0 : i32
      %dma_wait3A_666 = tpu.memref_slice %arg4[%dma_wait3A_664, %dma_wait3A_665] : memref<16x1000000xf32, #tpu.memory_space<hbm>> -> memref<16x128xf32, #tpu.memory_space<hbm>>
      %dma_wait3A_667 = arith.constant 0 : i32
      %dma_wait3A_668 = arith.constant 0 : i32
      %dma_wait3A_669 = tpu.memref_slice %arg9[%dma_wait3A_659, %dma_wait3A_667, %dma_wait3A_668] : memref<16x16x128xf32, #tpu.memory_space<vmem>> -> memref<1x16x128xf32, #tpu.memory_space<vmem>>
      %dma_wait3A_670 = tpu.memref_squeeze %dma_wait3A_669 : memref<1x16x128xf32, #tpu.memory_space<vmem>> -> memref<16x128xf32, #tpu.memory_space<vmem>>
      %dma_wait3A_671 = arith.constant 0 : i32
      %dma_wait3A_672 = arith.constant 0 : i32
      %dma_wait3A_673 = tpu.memref_slice %arg4[%dma_wait3A_671, %dma_wait3A_672] : memref<16x1000000xf32, #tpu.memory_space<hbm>> -> memref<16x128xf32, #tpu.memory_space<hbm>>
      tpu.wait_dma2 semaphore(%arg12 : memref<!tpu.dma_semaphore, #tpu.memory_space<semaphore_mem>>) src(%dma_wait3A_673 : memref<16x128xf32, #tpu.memory_space<hbm>>) dst(%dma_wait3A_670 : memref<16x128xf32, #tpu.memory_space<vmem>>)
      %dma_wait3A_674 = arith.constant 3 : i32
      %dma_wait3A_675 = arith.constant 0 : i32
      %dma_wait3A_676 = arith.constant 0 : i32
      %dma_wait3A_677 = tpu.memref_slice %arg10[%dma_wait3A_674, %dma_wait3A_675, %dma_wait3A_676] : memref<16x16x128xf32, #tpu.memory_space<vmem>> -> memref<1x16x128xf32, #tpu.memory_space<vmem>>
      %dma_wait3A_678 = tpu.memref_squeeze %dma_wait3A_677 : memref<1x16x128xf32, #tpu.memory_space<vmem>> -> memref<16x128xf32, #tpu.memory_space<vmem>>
      %dma_wait3A_679 = arith.constant 0 : i32
      %dma_wait3A_680 = arith.constant 0 : i32
      %dma_wait3A_681 = tpu.memref_slice %arg5[%dma_wait3A_679, %dma_wait3A_680] : memref<16x1000000xf32, #tpu.memory_space<hbm>> -> memref<16x128xf32, #tpu.memory_space<hbm>>
      %dma_wait3A_682 = arith.constant 0 : i32
      %dma_wait3A_683 = arith.constant 0 : i32
      %dma_wait3A_684 = tpu.memref_slice %arg10[%dma_wait3A_674, %dma_wait3A_682, %dma_wait3A_683] : memref<16x16x128xf32, #tpu.memory_space<vmem>> -> memref<1x16x128xf32, #tpu.memory_space<vmem>>
      %dma_wait3A_685 = tpu.memref_squeeze %dma_wait3A_684 : memref<1x16x128xf32, #tpu.memory_space<vmem>> -> memref<16x128xf32, #tpu.memory_space<vmem>>
      %dma_wait3A_686 = arith.constant 0 : i32
      %dma_wait3A_687 = arith.constant 0 : i32
      %dma_wait3A_688 = tpu.memref_slice %arg5[%dma_wait3A_686, %dma_wait3A_687] : memref<16x1000000xf32, #tpu.memory_space<hbm>> -> memref<16x128xf32, #tpu.memory_space<hbm>>
      tpu.wait_dma2 semaphore(%arg13 : memref<!tpu.dma_semaphore, #tpu.memory_space<semaphore_mem>>) src(%dma_wait3A_688 : memref<16x128xf32, #tpu.memory_space<hbm>>) dst(%dma_wait3A_685 : memref<16x128xf32, #tpu.memory_space<vmem>>)
      %dma_wait3A_689 = arith.constant 4 : i32
      %dma_wait3A_690 = arith.constant 0 : i32
      %dma_wait3A_691 = arith.constant 0 : i32
      %dma_wait3A_692 = tpu.memref_slice %arg9[%dma_wait3A_689, %dma_wait3A_690, %dma_wait3A_691] : memref<16x16x128xf32, #tpu.memory_space<vmem>> -> memref<1x16x128xf32, #tpu.memory_space<vmem>>
      %dma_wait3A_693 = tpu.memref_squeeze %dma_wait3A_692 : memref<1x16x128xf32, #tpu.memory_space<vmem>> -> memref<16x128xf32, #tpu.memory_space<vmem>>
      %dma_wait3A_694 = arith.constant 0 : i32
      %dma_wait3A_695 = arith.constant 0 : i32
      %dma_wait3A_696 = tpu.memref_slice %arg4[%dma_wait3A_694, %dma_wait3A_695] : memref<16x1000000xf32, #tpu.memory_space<hbm>> -> memref<16x128xf32, #tpu.memory_space<hbm>>
      %dma_wait3A_697 = arith.constant 0 : i32
      %dma_wait3A_698 = arith.constant 0 : i32
      %dma_wait3A_699 = tpu.memref_slice %arg9[%dma_wait3A_689, %dma_wait3A_697, %dma_wait3A_698] : memref<16x16x128xf32, #tpu.memory_space<vmem>> -> memref<1x16x128xf32, #tpu.memory_space<vmem>>
      %dma_wait3A_700 = tpu.memref_squeeze %dma_wait3A_699 : memref<1x16x128xf32, #tpu.memory_space<vmem>> -> memref<16x128xf32, #tpu.memory_space<vmem>>
      %dma_wait3A_701 = arith.constant 0 : i32
      %dma_wait3A_702 = arith.constant 0 : i32
      %dma_wait3A_703 = tpu.memref_slice %arg4[%dma_wait3A_701, %dma_wait3A_702] : memref<16x1000000xf32, #tpu.memory_space<hbm>> -> memref<16x128xf32, #tpu.memory_space<hbm>>
      tpu.wait_dma2 semaphore(%arg12 : memref<!tpu.dma_semaphore, #tpu.memory_space<semaphore_mem>>) src(%dma_wait3A_703 : memref<16x128xf32, #tpu.memory_space<hbm>>) dst(%dma_wait3A_700 : memref<16x128xf32, #tpu.memory_space<vmem>>)
      %dma_wait3A_704 = arith.constant 4 : i32
      %dma_wait3A_705 = arith.constant 0 : i32
      %dma_wait3A_706 = arith.constant 0 : i32
      %dma_wait3A_707 = tpu.memref_slice %arg10[%dma_wait3A_704, %dma_wait3A_705, %dma_wait3A_706] : memref<16x16x128xf32, #tpu.memory_space<vmem>> -> memref<1x16x128xf32, #tpu.memory_space<vmem>>
      %dma_wait3A_708 = tpu.memref_squeeze %dma_wait3A_707 : memref<1x16x128xf32, #tpu.memory_space<vmem>> -> memref<16x128xf32, #tpu.memory_space<vmem>>
      %dma_wait3A_709 = arith.constant 0 : i32
      %dma_wait3A_710 = arith.constant 0 : i32
      %dma_wait3A_711 = tpu.memref_slice %arg5[%dma_wait3A_709, %dma_wait3A_710] : memref<16x1000000xf32, #tpu.memory_space<hbm>> -> memref<16x128xf32, #tpu.memory_space<hbm>>
      %dma_wait3A_712 = arith.constant 0 : i32
      %dma_wait3A_713 = arith.constant 0 : i32
      %dma_wait3A_714 = tpu.memref_slice %arg10[%dma_wait3A_704, %dma_wait3A_712, %dma_wait3A_713] : memref<16x16x128xf32, #tpu.memory_space<vmem>> -> memref<1x16x128xf32, #tpu.memory_space<vmem>>
      %dma_wait3A_715 = tpu.memref_squeeze %dma_wait3A_714 : memref<1x16x128xf32, #tpu.memory_space<vmem>> -> memref<16x128xf32, #tpu.memory_space<vmem>>
      %dma_wait3A_716 = arith.constant 0 : i32
      %dma_wait3A_717 = arith.constant 0 : i32
      %dma_wait3A_718 = tpu.memref_slice %arg5[%dma_wait3A_716, %dma_wait3A_717] : memref<16x1000000xf32, #tpu.memory_space<hbm>> -> memref<16x128xf32, #tpu.memory_space<hbm>>
      tpu.wait_dma2 semaphore(%arg13 : memref<!tpu.dma_semaphore, #tpu.memory_space<semaphore_mem>>) src(%dma_wait3A_718 : memref<16x128xf32, #tpu.memory_space<hbm>>) dst(%dma_wait3A_715 : memref<16x128xf32, #tpu.memory_space<vmem>>)
      %dma_wait3A_719 = arith.constant 5 : i32
      %dma_wait3A_720 = arith.constant 0 : i32
      %dma_wait3A_721 = arith.constant 0 : i32
      %dma_wait3A_722 = tpu.memref_slice %arg9[%dma_wait3A_719, %dma_wait3A_720, %dma_wait3A_721] : memref<16x16x128xf32, #tpu.memory_space<vmem>> -> memref<1x16x128xf32, #tpu.memory_space<vmem>>
      %dma_wait3A_723 = tpu.memref_squeeze %dma_wait3A_722 : memref<1x16x128xf32, #tpu.memory_space<vmem>> -> memref<16x128xf32, #tpu.memory_space<vmem>>
      %dma_wait3A_724 = arith.constant 0 : i32
      %dma_wait3A_725 = arith.constant 0 : i32
      %dma_wait3A_726 = tpu.memref_slice %arg4[%dma_wait3A_724, %dma_wait3A_725] : memref<16x1000000xf32, #tpu.memory_space<hbm>> -> memref<16x128xf32, #tpu.memory_space<hbm>>
      %dma_wait3A_727 = arith.constant 0 : i32
      %dma_wait3A_728 = arith.constant 0 : i32
      %dma_wait3A_729 = tpu.memref_slice %arg9[%dma_wait3A_719, %dma_wait3A_727, %dma_wait3A_728] : memref<16x16x128xf32, #tpu.memory_space<vmem>> -> memref<1x16x128xf32, #tpu.memory_space<vmem>>
      %dma_wait3A_730 = tpu.memref_squeeze %dma_wait3A_729 : memref<1x16x128xf32, #tpu.memory_space<vmem>> -> memref<16x128xf32, #tpu.memory_space<vmem>>
      %dma_wait3A_731 = arith.constant 0 : i32
      %dma_wait3A_732 = arith.constant 0 : i32
      %dma_wait3A_733 = tpu.memref_slice %arg4[%dma_wait3A_731, %dma_wait3A_732] : memref<16x1000000xf32, #tpu.memory_space<hbm>> -> memref<16x128xf32, #tpu.memory_space<hbm>>
      tpu.wait_dma2 semaphore(%arg12 : memref<!tpu.dma_semaphore, #tpu.memory_space<semaphore_mem>>) src(%dma_wait3A_733 : memref<16x128xf32, #tpu.memory_space<hbm>>) dst(%dma_wait3A_730 : memref<16x128xf32, #tpu.memory_space<vmem>>)
      %dma_wait3A_734 = arith.constant 5 : i32
      %dma_wait3A_735 = arith.constant 0 : i32
      %dma_wait3A_736 = arith.constant 0 : i32
      %dma_wait3A_737 = tpu.memref_slice %arg10[%dma_wait3A_734, %dma_wait3A_735, %dma_wait3A_736] : memref<16x16x128xf32, #tpu.memory_space<vmem>> -> memref<1x16x128xf32, #tpu.memory_space<vmem>>
      %dma_wait3A_738 = tpu.memref_squeeze %dma_wait3A_737 : memref<1x16x128xf32, #tpu.memory_space<vmem>> -> memref<16x128xf32, #tpu.memory_space<vmem>>
      %dma_wait3A_739 = arith.constant 0 : i32
      %dma_wait3A_740 = arith.constant 0 : i32
      %dma_wait3A_741 = tpu.memref_slice %arg5[%dma_wait3A_739, %dma_wait3A_740] : memref<16x1000000xf32, #tpu.memory_space<hbm>> -> memref<16x128xf32, #tpu.memory_space<hbm>>
      %dma_wait3A_742 = arith.constant 0 : i32
      %dma_wait3A_743 = arith.constant 0 : i32
      %dma_wait3A_744 = tpu.memref_slice %arg10[%dma_wait3A_734, %dma_wait3A_742, %dma_wait3A_743] : memref<16x16x128xf32, #tpu.memory_space<vmem>> -> memref<1x16x128xf32, #tpu.memory_space<vmem>>
      %dma_wait3A_745 = tpu.memref_squeeze %dma_wait3A_744 : memref<1x16x128xf32, #tpu.memory_space<vmem>> -> memref<16x128xf32, #tpu.memory_space<vmem>>
      %dma_wait3A_746 = arith.constant 0 : i32
      %dma_wait3A_747 = arith.constant 0 : i32
      %dma_wait3A_748 = tpu.memref_slice %arg5[%dma_wait3A_746, %dma_wait3A_747] : memref<16x1000000xf32, #tpu.memory_space<hbm>> -> memref<16x128xf32, #tpu.memory_space<hbm>>
      tpu.wait_dma2 semaphore(%arg13 : memref<!tpu.dma_semaphore, #tpu.memory_space<semaphore_mem>>) src(%dma_wait3A_748 : memref<16x128xf32, #tpu.memory_space<hbm>>) dst(%dma_wait3A_745 : memref<16x128xf32, #tpu.memory_space<vmem>>)
      %dma_wait3A_749 = arith.constant 6 : i32
      %dma_wait3A_750 = arith.constant 0 : i32
      %dma_wait3A_751 = arith.constant 0 : i32
      %dma_wait3A_752 = tpu.memref_slice %arg9[%dma_wait3A_749, %dma_wait3A_750, %dma_wait3A_751] : memref<16x16x128xf32, #tpu.memory_space<vmem>> -> memref<1x16x128xf32, #tpu.memory_space<vmem>>
      %dma_wait3A_753 = tpu.memref_squeeze %dma_wait3A_752 : memref<1x16x128xf32, #tpu.memory_space<vmem>> -> memref<16x128xf32, #tpu.memory_space<vmem>>
      %dma_wait3A_754 = arith.constant 0 : i32
      %dma_wait3A_755 = arith.constant 0 : i32
      %dma_wait3A_756 = tpu.memref_slice %arg4[%dma_wait3A_754, %dma_wait3A_755] : memref<16x1000000xf32, #tpu.memory_space<hbm>> -> memref<16x128xf32, #tpu.memory_space<hbm>>
      %dma_wait3A_757 = arith.constant 0 : i32
      %dma_wait3A_758 = arith.constant 0 : i32
      %dma_wait3A_759 = tpu.memref_slice %arg9[%dma_wait3A_749, %dma_wait3A_757, %dma_wait3A_758] : memref<16x16x128xf32, #tpu.memory_space<vmem>> -> memref<1x16x128xf32, #tpu.memory_space<vmem>>
      %dma_wait3A_760 = tpu.memref_squeeze %dma_wait3A_759 : memref<1x16x128xf32, #tpu.memory_space<vmem>> -> memref<16x128xf32, #tpu.memory_space<vmem>>
      %dma_wait3A_761 = arith.constant 0 : i32
      %dma_wait3A_762 = arith.constant 0 : i32
      %dma_wait3A_763 = tpu.memref_slice %arg4[%dma_wait3A_761, %dma_wait3A_762] : memref<16x1000000xf32, #tpu.memory_space<hbm>> -> memref<16x128xf32, #tpu.memory_space<hbm>>
      tpu.wait_dma2 semaphore(%arg12 : memref<!tpu.dma_semaphore, #tpu.memory_space<semaphore_mem>>) src(%dma_wait3A_763 : memref<16x128xf32, #tpu.memory_space<hbm>>) dst(%dma_wait3A_760 : memref<16x128xf32, #tpu.memory_space<vmem>>)
      %dma_wait3A_764 = arith.constant 6 : i32
      %dma_wait3A_765 = arith.constant 0 : i32
      %dma_wait3A_766 = arith.constant 0 : i32
      %dma_wait3A_767 = tpu.memref_slice %arg10[%dma_wait3A_764, %dma_wait3A_765, %dma_wait3A_766] : memref<16x16x128xf32, #tpu.memory_space<vmem>> -> memref<1x16x128xf32, #tpu.memory_space<vmem>>
      %dma_wait3A_768 = tpu.memref_squeeze %dma_wait3A_767 : memref<1x16x128xf32, #tpu.memory_space<vmem>> -> memref<16x128xf32, #tpu.memory_space<vmem>>
      %dma_wait3A_769 = arith.constant 0 : i32
      %dma_wait3A_770 = arith.constant 0 : i32
      %dma_wait3A_771 = tpu.memref_slice %arg5[%dma_wait3A_769, %dma_wait3A_770] : memref<16x1000000xf32, #tpu.memory_space<hbm>> -> memref<16x128xf32, #tpu.memory_space<hbm>>
      %dma_wait3A_772 = arith.constant 0 : i32
      %dma_wait3A_773 = arith.constant 0 : i32
      %dma_wait3A_774 = tpu.memref_slice %arg10[%dma_wait3A_764, %dma_wait3A_772, %dma_wait3A_773] : memref<16x16x128xf32, #tpu.memory_space<vmem>> -> memref<1x16x128xf32, #tpu.memory_space<vmem>>
      %dma_wait3A_775 = tpu.memref_squeeze %dma_wait3A_774 : memref<1x16x128xf32, #tpu.memory_space<vmem>> -> memref<16x128xf32, #tpu.memory_space<vmem>>
      %dma_wait3A_776 = arith.constant 0 : i32
      %dma_wait3A_777 = arith.constant 0 : i32
      %dma_wait3A_778 = tpu.memref_slice %arg5[%dma_wait3A_776, %dma_wait3A_777] : memref<16x1000000xf32, #tpu.memory_space<hbm>> -> memref<16x128xf32, #tpu.memory_space<hbm>>
      tpu.wait_dma2 semaphore(%arg13 : memref<!tpu.dma_semaphore, #tpu.memory_space<semaphore_mem>>) src(%dma_wait3A_778 : memref<16x128xf32, #tpu.memory_space<hbm>>) dst(%dma_wait3A_775 : memref<16x128xf32, #tpu.memory_space<vmem>>)
      %dma_wait3A_779 = arith.constant 7 : i32
      %dma_wait3A_780 = arith.constant 0 : i32
      %dma_wait3A_781 = arith.constant 0 : i32
      %dma_wait3A_782 = tpu.memref_slice %arg9[%dma_wait3A_779, %dma_wait3A_780, %dma_wait3A_781] : memref<16x16x128xf32, #tpu.memory_space<vmem>> -> memref<1x16x128xf32, #tpu.memory_space<vmem>>
      %dma_wait3A_783 = tpu.memref_squeeze %dma_wait3A_782 : memref<1x16x128xf32, #tpu.memory_space<vmem>> -> memref<16x128xf32, #tpu.memory_space<vmem>>
      %dma_wait3A_784 = arith.constant 0 : i32
      %dma_wait3A_785 = arith.constant 0 : i32
      %dma_wait3A_786 = tpu.memref_slice %arg4[%dma_wait3A_784, %dma_wait3A_785] : memref<16x1000000xf32, #tpu.memory_space<hbm>> -> memref<16x128xf32, #tpu.memory_space<hbm>>
      %dma_wait3A_787 = arith.constant 0 : i32
      %dma_wait3A_788 = arith.constant 0 : i32
      %dma_wait3A_789 = tpu.memref_slice %arg9[%dma_wait3A_779, %dma_wait3A_787, %dma_wait3A_788] : memref<16x16x128xf32, #tpu.memory_space<vmem>> -> memref<1x16x128xf32, #tpu.memory_space<vmem>>
      %dma_wait3A_790 = tpu.memref_squeeze %dma_wait3A_789 : memref<1x16x128xf32, #tpu.memory_space<vmem>> -> memref<16x128xf32, #tpu.memory_space<vmem>>
      %dma_wait3A_791 = arith.constant 0 : i32
      %dma_wait3A_792 = arith.constant 0 : i32
      %dma_wait3A_793 = tpu.memref_slice %arg4[%dma_wait3A_791, %dma_wait3A_792] : memref<16x1000000xf32, #tpu.memory_space<hbm>> -> memref<16x128xf32, #tpu.memory_space<hbm>>
      tpu.wait_dma2 semaphore(%arg12 : memref<!tpu.dma_semaphore, #tpu.memory_space<semaphore_mem>>) src(%dma_wait3A_793 : memref<16x128xf32, #tpu.memory_space<hbm>>) dst(%dma_wait3A_790 : memref<16x128xf32, #tpu.memory_space<vmem>>)
      %dma_wait3A_794 = arith.constant 7 : i32
      %dma_wait3A_795 = arith.constant 0 : i32
      %dma_wait3A_796 = arith.constant 0 : i32
      %dma_wait3A_797 = tpu.memref_slice %arg10[%dma_wait3A_794, %dma_wait3A_795, %dma_wait3A_796] : memref<16x16x128xf32, #tpu.memory_space<vmem>> -> memref<1x16x128xf32, #tpu.memory_space<vmem>>
      %dma_wait3A_798 = tpu.memref_squeeze %dma_wait3A_797 : memref<1x16x128xf32, #tpu.memory_space<vmem>> -> memref<16x128xf32, #tpu.memory_space<vmem>>
      %dma_wait3A_799 = arith.constant 0 : i32
      %dma_wait3A_800 = arith.constant 0 : i32
      %dma_wait3A_801 = tpu.memref_slice %arg5[%dma_wait3A_799, %dma_wait3A_800] : memref<16x1000000xf32, #tpu.memory_space<hbm>> -> memref<16x128xf32, #tpu.memory_space<hbm>>
      %dma_wait3A_802 = arith.constant 0 : i32
      %dma_wait3A_803 = arith.constant 0 : i32
      %dma_wait3A_804 = tpu.memref_slice %arg10[%dma_wait3A_794, %dma_wait3A_802, %dma_wait3A_803] : memref<16x16x128xf32, #tpu.memory_space<vmem>> -> memref<1x16x128xf32, #tpu.memory_space<vmem>>
      %dma_wait3A_805 = tpu.memref_squeeze %dma_wait3A_804 : memref<1x16x128xf32, #tpu.memory_space<vmem>> -> memref<16x128xf32, #tpu.memory_space<vmem>>
      %dma_wait3A_806 = arith.constant 0 : i32
      %dma_wait3A_807 = arith.constant 0 : i32
      %dma_wait3A_808 = tpu.memref_slice %arg5[%dma_wait3A_806, %dma_wait3A_807] : memref<16x1000000xf32, #tpu.memory_space<hbm>> -> memref<16x128xf32, #tpu.memory_space<hbm>>
      tpu.wait_dma2 semaphore(%arg13 : memref<!tpu.dma_semaphore, #tpu.memory_space<semaphore_mem>>) src(%dma_wait3A_808 : memref<16x128xf32, #tpu.memory_space<hbm>>) dst(%dma_wait3A_805 : memref<16x128xf32, #tpu.memory_space<vmem>>)
      %dma_wait3A_809 = arith.constant 8 : i32
      %dma_wait3A_810 = arith.constant 0 : i32
      %dma_wait3A_811 = arith.constant 0 : i32
      %dma_wait3A_812 = tpu.memref_slice %arg9[%dma_wait3A_809, %dma_wait3A_810, %dma_wait3A_811] : memref<16x16x128xf32, #tpu.memory_space<vmem>> -> memref<1x16x128xf32, #tpu.memory_space<vmem>>
      %dma_wait3A_813 = tpu.memref_squeeze %dma_wait3A_812 : memref<1x16x128xf32, #tpu.memory_space<vmem>> -> memref<16x128xf32, #tpu.memory_space<vmem>>
      %dma_wait3A_814 = arith.constant 0 : i32
      %dma_wait3A_815 = arith.constant 0 : i32
      %dma_wait3A_816 = tpu.memref_slice %arg4[%dma_wait3A_814, %dma_wait3A_815] : memref<16x1000000xf32, #tpu.memory_space<hbm>> -> memref<16x128xf32, #tpu.memory_space<hbm>>
      %dma_wait3A_817 = arith.constant 0 : i32
      %dma_wait3A_818 = arith.constant 0 : i32
      %dma_wait3A_819 = tpu.memref_slice %arg9[%dma_wait3A_809, %dma_wait3A_817, %dma_wait3A_818] : memref<16x16x128xf32, #tpu.memory_space<vmem>> -> memref<1x16x128xf32, #tpu.memory_space<vmem>>
      %dma_wait3A_820 = tpu.memref_squeeze %dma_wait3A_819 : memref<1x16x128xf32, #tpu.memory_space<vmem>> -> memref<16x128xf32, #tpu.memory_space<vmem>>
      %dma_wait3A_821 = arith.constant 0 : i32
      %dma_wait3A_822 = arith.constant 0 : i32
      %dma_wait3A_823 = tpu.memref_slice %arg4[%dma_wait3A_821, %dma_wait3A_822] : memref<16x1000000xf32, #tpu.memory_space<hbm>> -> memref<16x128xf32, #tpu.memory_space<hbm>>
      tpu.wait_dma2 semaphore(%arg12 : memref<!tpu.dma_semaphore, #tpu.memory_space<semaphore_mem>>) src(%dma_wait3A_823 : memref<16x128xf32, #tpu.memory_space<hbm>>) dst(%dma_wait3A_820 : memref<16x128xf32, #tpu.memory_space<vmem>>)
      %dma_wait3A_824 = arith.constant 8 : i32
      %dma_wait3A_825 = arith.constant 0 : i32
      %dma_wait3A_826 = arith.constant 0 : i32
      %dma_wait3A_827 = tpu.memref_slice %arg10[%dma_wait3A_824, %dma_wait3A_825, %dma_wait3A_826] : memref<16x16x128xf32, #tpu.memory_space<vmem>> -> memref<1x16x128xf32, #tpu.memory_space<vmem>>
      %dma_wait3A_828 = tpu.memref_squeeze %dma_wait3A_827 : memref<1x16x128xf32, #tpu.memory_space<vmem>> -> memref<16x128xf32, #tpu.memory_space<vmem>>
      %dma_wait3A_829 = arith.constant 0 : i32
      %dma_wait3A_830 = arith.constant 0 : i32
      %dma_wait3A_831 = tpu.memref_slice %arg5[%dma_wait3A_829, %dma_wait3A_830] : memref<16x1000000xf32, #tpu.memory_space<hbm>> -> memref<16x128xf32, #tpu.memory_space<hbm>>
      %dma_wait3A_832 = arith.constant 0 : i32
      %dma_wait3A_833 = arith.constant 0 : i32
      %dma_wait3A_834 = tpu.memref_slice %arg10[%dma_wait3A_824, %dma_wait3A_832, %dma_wait3A_833] : memref<16x16x128xf32, #tpu.memory_space<vmem>> -> memref<1x16x128xf32, #tpu.memory_space<vmem>>
      %dma_wait3A_835 = tpu.memref_squeeze %dma_wait3A_834 : memref<1x16x128xf32, #tpu.memory_space<vmem>> -> memref<16x128xf32, #tpu.memory_space<vmem>>
      %dma_wait3A_836 = arith.constant 0 : i32
      %dma_wait3A_837 = arith.constant 0 : i32
      %dma_wait3A_838 = tpu.memref_slice %arg5[%dma_wait3A_836, %dma_wait3A_837] : memref<16x1000000xf32, #tpu.memory_space<hbm>> -> memref<16x128xf32, #tpu.memory_space<hbm>>
      tpu.wait_dma2 semaphore(%arg13 : memref<!tpu.dma_semaphore, #tpu.memory_space<semaphore_mem>>) src(%dma_wait3A_838 : memref<16x128xf32, #tpu.memory_space<hbm>>) dst(%dma_wait3A_835 : memref<16x128xf32, #tpu.memory_space<vmem>>)
      %dma_wait3A_839 = arith.constant 9 : i32
      %dma_wait3A_840 = arith.constant 0 : i32
      %dma_wait3A_841 = arith.constant 0 : i32
      %dma_wait3A_842 = tpu.memref_slice %arg9[%dma_wait3A_839, %dma_wait3A_840, %dma_wait3A_841] : memref<16x16x128xf32, #tpu.memory_space<vmem>> -> memref<1x16x128xf32, #tpu.memory_space<vmem>>
      %dma_wait3A_843 = tpu.memref_squeeze %dma_wait3A_842 : memref<1x16x128xf32, #tpu.memory_space<vmem>> -> memref<16x128xf32, #tpu.memory_space<vmem>>
      %dma_wait3A_844 = arith.constant 0 : i32
      %dma_wait3A_845 = arith.constant 0 : i32
      %dma_wait3A_846 = tpu.memref_slice %arg4[%dma_wait3A_844, %dma_wait3A_845] : memref<16x1000000xf32, #tpu.memory_space<hbm>> -> memref<16x128xf32, #tpu.memory_space<hbm>>
      %dma_wait3A_847 = arith.constant 0 : i32
      %dma_wait3A_848 = arith.constant 0 : i32
      %dma_wait3A_849 = tpu.memref_slice %arg9[%dma_wait3A_839, %dma_wait3A_847, %dma_wait3A_848] : memref<16x16x128xf32, #tpu.memory_space<vmem>> -> memref<1x16x128xf32, #tpu.memory_space<vmem>>
      %dma_wait3A_850 = tpu.memref_squeeze %dma_wait3A_849 : memref<1x16x128xf32, #tpu.memory_space<vmem>> -> memref<16x128xf32, #tpu.memory_space<vmem>>
      %dma_wait3A_851 = arith.constant 0 : i32
      %dma_wait3A_852 = arith.constant 0 : i32
      %dma_wait3A_853 = tpu.memref_slice %arg4[%dma_wait3A_851, %dma_wait3A_852] : memref<16x1000000xf32, #tpu.memory_space<hbm>> -> memref<16x128xf32, #tpu.memory_space<hbm>>
      tpu.wait_dma2 semaphore(%arg12 : memref<!tpu.dma_semaphore, #tpu.memory_space<semaphore_mem>>) src(%dma_wait3A_853 : memref<16x128xf32, #tpu.memory_space<hbm>>) dst(%dma_wait3A_850 : memref<16x128xf32, #tpu.memory_space<vmem>>)
      %dma_wait3A_854 = arith.constant 9 : i32
      %dma_wait3A_855 = arith.constant 0 : i32
      %dma_wait3A_856 = arith.constant 0 : i32
      %dma_wait3A_857 = tpu.memref_slice %arg10[%dma_wait3A_854, %dma_wait3A_855, %dma_wait3A_856] : memref<16x16x128xf32, #tpu.memory_space<vmem>> -> memref<1x16x128xf32, #tpu.memory_space<vmem>>
      %dma_wait3A_858 = tpu.memref_squeeze %dma_wait3A_857 : memref<1x16x128xf32, #tpu.memory_space<vmem>> -> memref<16x128xf32, #tpu.memory_space<vmem>>
      %dma_wait3A_859 = arith.constant 0 : i32
      %dma_wait3A_860 = arith.constant 0 : i32
      %dma_wait3A_861 = tpu.memref_slice %arg5[%dma_wait3A_859, %dma_wait3A_860] : memref<16x1000000xf32, #tpu.memory_space<hbm>> -> memref<16x128xf32, #tpu.memory_space<hbm>>
      %dma_wait3A_862 = arith.constant 0 : i32
      %dma_wait3A_863 = arith.constant 0 : i32
      %dma_wait3A_864 = tpu.memref_slice %arg10[%dma_wait3A_854, %dma_wait3A_862, %dma_wait3A_863] : memref<16x16x128xf32, #tpu.memory_space<vmem>> -> memref<1x16x128xf32, #tpu.memory_space<vmem>>
      %dma_wait3A_865 = tpu.memref_squeeze %dma_wait3A_864 : memref<1x16x128xf32, #tpu.memory_space<vmem>> -> memref<16x128xf32, #tpu.memory_space<vmem>>
      %dma_wait3A_866 = arith.constant 0 : i32
      %dma_wait3A_867 = arith.constant 0 : i32
      %dma_wait3A_868 = tpu.memref_slice %arg5[%dma_wait3A_866, %dma_wait3A_867] : memref<16x1000000xf32, #tpu.memory_space<hbm>> -> memref<16x128xf32, #tpu.memory_space<hbm>>
      tpu.wait_dma2 semaphore(%arg13 : memref<!tpu.dma_semaphore, #tpu.memory_space<semaphore_mem>>) src(%dma_wait3A_868 : memref<16x128xf32, #tpu.memory_space<hbm>>) dst(%dma_wait3A_865 : memref<16x128xf32, #tpu.memory_space<vmem>>)
      %dma_wait3A_869 = arith.constant 10 : i32
      %dma_wait3A_870 = arith.constant 0 : i32
      %dma_wait3A_871 = arith.constant 0 : i32
      %dma_wait3A_872 = tpu.memref_slice %arg9[%dma_wait3A_869, %dma_wait3A_870, %dma_wait3A_871] : memref<16x16x128xf32, #tpu.memory_space<vmem>> -> memref<1x16x128xf32, #tpu.memory_space<vmem>>
      %dma_wait3A_873 = tpu.memref_squeeze %dma_wait3A_872 : memref<1x16x128xf32, #tpu.memory_space<vmem>> -> memref<16x128xf32, #tpu.memory_space<vmem>>
      %dma_wait3A_874 = arith.constant 0 : i32
      %dma_wait3A_875 = arith.constant 0 : i32
      %dma_wait3A_876 = tpu.memref_slice %arg4[%dma_wait3A_874, %dma_wait3A_875] : memref<16x1000000xf32, #tpu.memory_space<hbm>> -> memref<16x128xf32, #tpu.memory_space<hbm>>
      %dma_wait3A_877 = arith.constant 0 : i32
      %dma_wait3A_878 = arith.constant 0 : i32
      %dma_wait3A_879 = tpu.memref_slice %arg9[%dma_wait3A_869, %dma_wait3A_877, %dma_wait3A_878] : memref<16x16x128xf32, #tpu.memory_space<vmem>> -> memref<1x16x128xf32, #tpu.memory_space<vmem>>
      %dma_wait3A_880 = tpu.memref_squeeze %dma_wait3A_879 : memref<1x16x128xf32, #tpu.memory_space<vmem>> -> memref<16x128xf32, #tpu.memory_space<vmem>>
      %dma_wait3A_881 = arith.constant 0 : i32
      %dma_wait3A_882 = arith.constant 0 : i32
      %dma_wait3A_883 = tpu.memref_slice %arg4[%dma_wait3A_881, %dma_wait3A_882] : memref<16x1000000xf32, #tpu.memory_space<hbm>> -> memref<16x128xf32, #tpu.memory_space<hbm>>
      tpu.wait_dma2 semaphore(%arg12 : memref<!tpu.dma_semaphore, #tpu.memory_space<semaphore_mem>>) src(%dma_wait3A_883 : memref<16x128xf32, #tpu.memory_space<hbm>>) dst(%dma_wait3A_880 : memref<16x128xf32, #tpu.memory_space<vmem>>)
      %dma_wait3A_884 = arith.constant 10 : i32
      %dma_wait3A_885 = arith.constant 0 : i32
      %dma_wait3A_886 = arith.constant 0 : i32
      %dma_wait3A_887 = tpu.memref_slice %arg10[%dma_wait3A_884, %dma_wait3A_885, %dma_wait3A_886] : memref<16x16x128xf32, #tpu.memory_space<vmem>> -> memref<1x16x128xf32, #tpu.memory_space<vmem>>
      %dma_wait3A_888 = tpu.memref_squeeze %dma_wait3A_887 : memref<1x16x128xf32, #tpu.memory_space<vmem>> -> memref<16x128xf32, #tpu.memory_space<vmem>>
      %dma_wait3A_889 = arith.constant 0 : i32
      %dma_wait3A_890 = arith.constant 0 : i32
      %dma_wait3A_891 = tpu.memref_slice %arg5[%dma_wait3A_889, %dma_wait3A_890] : memref<16x1000000xf32, #tpu.memory_space<hbm>> -> memref<16x128xf32, #tpu.memory_space<hbm>>
      %dma_wait3A_892 = arith.constant 0 : i32
      %dma_wait3A_893 = arith.constant 0 : i32
      %dma_wait3A_894 = tpu.memref_slice %arg10[%dma_wait3A_884, %dma_wait3A_892, %dma_wait3A_893] : memref<16x16x128xf32, #tpu.memory_space<vmem>> -> memref<1x16x128xf32, #tpu.memory_space<vmem>>
      %dma_wait3A_895 = tpu.memref_squeeze %dma_wait3A_894 : memref<1x16x128xf32, #tpu.memory_space<vmem>> -> memref<16x128xf32, #tpu.memory_space<vmem>>
      %dma_wait3A_896 = arith.constant 0 : i32
      %dma_wait3A_897 = arith.constant 0 : i32
      %dma_wait3A_898 = tpu.memref_slice %arg5[%dma_wait3A_896, %dma_wait3A_897] : memref<16x1000000xf32, #tpu.memory_space<hbm>> -> memref<16x128xf32, #tpu.memory_space<hbm>>
      tpu.wait_dma2 semaphore(%arg13 : memref<!tpu.dma_semaphore, #tpu.memory_space<semaphore_mem>>) src(%dma_wait3A_898 : memref<16x128xf32, #tpu.memory_space<hbm>>) dst(%dma_wait3A_895 : memref<16x128xf32, #tpu.memory_space<vmem>>)
      %dma_wait3A_899 = arith.constant 11 : i32
      %dma_wait3A_900 = arith.constant 0 : i32
      %dma_wait3A_901 = arith.constant 0 : i32
      %dma_wait3A_902 = tpu.memref_slice %arg9[%dma_wait3A_899, %dma_wait3A_900, %dma_wait3A_901] : memref<16x16x128xf32, #tpu.memory_space<vmem>> -> memref<1x16x128xf32, #tpu.memory_space<vmem>>
      %dma_wait3A_903 = tpu.memref_squeeze %dma_wait3A_902 : memref<1x16x128xf32, #tpu.memory_space<vmem>> -> memref<16x128xf32, #tpu.memory_space<vmem>>
      %dma_wait3A_904 = arith.constant 0 : i32
      %dma_wait3A_905 = arith.constant 0 : i32
      %dma_wait3A_906 = tpu.memref_slice %arg4[%dma_wait3A_904, %dma_wait3A_905] : memref<16x1000000xf32, #tpu.memory_space<hbm>> -> memref<16x128xf32, #tpu.memory_space<hbm>>
      %dma_wait3A_907 = arith.constant 0 : i32
      %dma_wait3A_908 = arith.constant 0 : i32
      %dma_wait3A_909 = tpu.memref_slice %arg9[%dma_wait3A_899, %dma_wait3A_907, %dma_wait3A_908] : memref<16x16x128xf32, #tpu.memory_space<vmem>> -> memref<1x16x128xf32, #tpu.memory_space<vmem>>
      %dma_wait3A_910 = tpu.memref_squeeze %dma_wait3A_909 : memref<1x16x128xf32, #tpu.memory_space<vmem>> -> memref<16x128xf32, #tpu.memory_space<vmem>>
      %dma_wait3A_911 = arith.constant 0 : i32
      %dma_wait3A_912 = arith.constant 0 : i32
      %dma_wait3A_913 = tpu.memref_slice %arg4[%dma_wait3A_911, %dma_wait3A_912] : memref<16x1000000xf32, #tpu.memory_space<hbm>> -> memref<16x128xf32, #tpu.memory_space<hbm>>
      tpu.wait_dma2 semaphore(%arg12 : memref<!tpu.dma_semaphore, #tpu.memory_space<semaphore_mem>>) src(%dma_wait3A_913 : memref<16x128xf32, #tpu.memory_space<hbm>>) dst(%dma_wait3A_910 : memref<16x128xf32, #tpu.memory_space<vmem>>)
      %dma_wait3A_914 = arith.constant 11 : i32
      %dma_wait3A_915 = arith.constant 0 : i32
      %dma_wait3A_916 = arith.constant 0 : i32
      %dma_wait3A_917 = tpu.memref_slice %arg10[%dma_wait3A_914, %dma_wait3A_915, %dma_wait3A_916] : memref<16x16x128xf32, #tpu.memory_space<vmem>> -> memref<1x16x128xf32, #tpu.memory_space<vmem>>
      %dma_wait3A_918 = tpu.memref_squeeze %dma_wait3A_917 : memref<1x16x128xf32, #tpu.memory_space<vmem>> -> memref<16x128xf32, #tpu.memory_space<vmem>>
      %dma_wait3A_919 = arith.constant 0 : i32
      %dma_wait3A_920 = arith.constant 0 : i32
      %dma_wait3A_921 = tpu.memref_slice %arg5[%dma_wait3A_919, %dma_wait3A_920] : memref<16x1000000xf32, #tpu.memory_space<hbm>> -> memref<16x128xf32, #tpu.memory_space<hbm>>
      %dma_wait3A_922 = arith.constant 0 : i32
      %dma_wait3A_923 = arith.constant 0 : i32
      %dma_wait3A_924 = tpu.memref_slice %arg10[%dma_wait3A_914, %dma_wait3A_922, %dma_wait3A_923] : memref<16x16x128xf32, #tpu.memory_space<vmem>> -> memref<1x16x128xf32, #tpu.memory_space<vmem>>
      %dma_wait3A_925 = tpu.memref_squeeze %dma_wait3A_924 : memref<1x16x128xf32, #tpu.memory_space<vmem>> -> memref<16x128xf32, #tpu.memory_space<vmem>>
      %dma_wait3A_926 = arith.constant 0 : i32
      %dma_wait3A_927 = arith.constant 0 : i32
      %dma_wait3A_928 = tpu.memref_slice %arg5[%dma_wait3A_926, %dma_wait3A_927] : memref<16x1000000xf32, #tpu.memory_space<hbm>> -> memref<16x128xf32, #tpu.memory_space<hbm>>
      tpu.wait_dma2 semaphore(%arg13 : memref<!tpu.dma_semaphore, #tpu.memory_space<semaphore_mem>>) src(%dma_wait3A_928 : memref<16x128xf32, #tpu.memory_space<hbm>>) dst(%dma_wait3A_925 : memref<16x128xf32, #tpu.memory_space<vmem>>)
      %dma_wait3A_929 = arith.constant 12 : i32
      %dma_wait3A_930 = arith.constant 0 : i32
      %dma_wait3A_931 = arith.constant 0 : i32
      %dma_wait3A_932 = tpu.memref_slice %arg9[%dma_wait3A_929, %dma_wait3A_930, %dma_wait3A_931] : memref<16x16x128xf32, #tpu.memory_space<vmem>> -> memref<1x16x128xf32, #tpu.memory_space<vmem>>
      %dma_wait3A_933 = tpu.memref_squeeze %dma_wait3A_932 : memref<1x16x128xf32, #tpu.memory_space<vmem>> -> memref<16x128xf32, #tpu.memory_space<vmem>>
      %dma_wait3A_934 = arith.constant 0 : i32
      %dma_wait3A_935 = arith.constant 0 : i32
      %dma_wait3A_936 = tpu.memref_slice %arg4[%dma_wait3A_934, %dma_wait3A_935] : memref<16x1000000xf32, #tpu.memory_space<hbm>> -> memref<16x128xf32, #tpu.memory_space<hbm>>
      %dma_wait3A_937 = arith.constant 0 : i32
      %dma_wait3A_938 = arith.constant 0 : i32
      %dma_wait3A_939 = tpu.memref_slice %arg9[%dma_wait3A_929, %dma_wait3A_937, %dma_wait3A_938] : memref<16x16x128xf32, #tpu.memory_space<vmem>> -> memref<1x16x128xf32, #tpu.memory_space<vmem>>
      %dma_wait3A_940 = tpu.memref_squeeze %dma_wait3A_939 : memref<1x16x128xf32, #tpu.memory_space<vmem>> -> memref<16x128xf32, #tpu.memory_space<vmem>>
      %dma_wait3A_941 = arith.constant 0 : i32
      %dma_wait3A_942 = arith.constant 0 : i32
      %dma_wait3A_943 = tpu.memref_slice %arg4[%dma_wait3A_941, %dma_wait3A_942] : memref<16x1000000xf32, #tpu.memory_space<hbm>> -> memref<16x128xf32, #tpu.memory_space<hbm>>
      tpu.wait_dma2 semaphore(%arg12 : memref<!tpu.dma_semaphore, #tpu.memory_space<semaphore_mem>>) src(%dma_wait3A_943 : memref<16x128xf32, #tpu.memory_space<hbm>>) dst(%dma_wait3A_940 : memref<16x128xf32, #tpu.memory_space<vmem>>)
      %dma_wait3A_944 = arith.constant 12 : i32
      %dma_wait3A_945 = arith.constant 0 : i32
      %dma_wait3A_946 = arith.constant 0 : i32
      %dma_wait3A_947 = tpu.memref_slice %arg10[%dma_wait3A_944, %dma_wait3A_945, %dma_wait3A_946] : memref<16x16x128xf32, #tpu.memory_space<vmem>> -> memref<1x16x128xf32, #tpu.memory_space<vmem>>
      %dma_wait3A_948 = tpu.memref_squeeze %dma_wait3A_947 : memref<1x16x128xf32, #tpu.memory_space<vmem>> -> memref<16x128xf32, #tpu.memory_space<vmem>>
      %dma_wait3A_949 = arith.constant 0 : i32
      %dma_wait3A_950 = arith.constant 0 : i32
      %dma_wait3A_951 = tpu.memref_slice %arg5[%dma_wait3A_949, %dma_wait3A_950] : memref<16x1000000xf32, #tpu.memory_space<hbm>> -> memref<16x128xf32, #tpu.memory_space<hbm>>
      %dma_wait3A_952 = arith.constant 0 : i32
      %dma_wait3A_953 = arith.constant 0 : i32
      %dma_wait3A_954 = tpu.memref_slice %arg10[%dma_wait3A_944, %dma_wait3A_952, %dma_wait3A_953] : memref<16x16x128xf32, #tpu.memory_space<vmem>> -> memref<1x16x128xf32, #tpu.memory_space<vmem>>
      %dma_wait3A_955 = tpu.memref_squeeze %dma_wait3A_954 : memref<1x16x128xf32, #tpu.memory_space<vmem>> -> memref<16x128xf32, #tpu.memory_space<vmem>>
      %dma_wait3A_956 = arith.constant 0 : i32
      %dma_wait3A_957 = arith.constant 0 : i32
      %dma_wait3A_958 = tpu.memref_slice %arg5[%dma_wait3A_956, %dma_wait3A_957] : memref<16x1000000xf32, #tpu.memory_space<hbm>> -> memref<16x128xf32, #tpu.memory_space<hbm>>
      tpu.wait_dma2 semaphore(%arg13 : memref<!tpu.dma_semaphore, #tpu.memory_space<semaphore_mem>>) src(%dma_wait3A_958 : memref<16x128xf32, #tpu.memory_space<hbm>>) dst(%dma_wait3A_955 : memref<16x128xf32, #tpu.memory_space<vmem>>)
      %dma_wait3A_959 = arith.constant 13 : i32
      %dma_wait3A_960 = arith.constant 0 : i32
      %dma_wait3A_961 = arith.constant 0 : i32
      %dma_wait3A_962 = tpu.memref_slice %arg9[%dma_wait3A_959, %dma_wait3A_960, %dma_wait3A_961] : memref<16x16x128xf32, #tpu.memory_space<vmem>> -> memref<1x16x128xf32, #tpu.memory_space<vmem>>
      %dma_wait3A_963 = tpu.memref_squeeze %dma_wait3A_962 : memref<1x16x128xf32, #tpu.memory_space<vmem>> -> memref<16x128xf32, #tpu.memory_space<vmem>>
      %dma_wait3A_964 = arith.constant 0 : i32
      %dma_wait3A_965 = arith.constant 0 : i32
      %dma_wait3A_966 = tpu.memref_slice %arg4[%dma_wait3A_964, %dma_wait3A_965] : memref<16x1000000xf32, #tpu.memory_space<hbm>> -> memref<16x128xf32, #tpu.memory_space<hbm>>
      %dma_wait3A_967 = arith.constant 0 : i32
      %dma_wait3A_968 = arith.constant 0 : i32
      %dma_wait3A_969 = tpu.memref_slice %arg9[%dma_wait3A_959, %dma_wait3A_967, %dma_wait3A_968] : memref<16x16x128xf32, #tpu.memory_space<vmem>> -> memref<1x16x128xf32, #tpu.memory_space<vmem>>
      %dma_wait3A_970 = tpu.memref_squeeze %dma_wait3A_969 : memref<1x16x128xf32, #tpu.memory_space<vmem>> -> memref<16x128xf32, #tpu.memory_space<vmem>>
      %dma_wait3A_971 = arith.constant 0 : i32
      %dma_wait3A_972 = arith.constant 0 : i32
      %dma_wait3A_973 = tpu.memref_slice %arg4[%dma_wait3A_971, %dma_wait3A_972] : memref<16x1000000xf32, #tpu.memory_space<hbm>> -> memref<16x128xf32, #tpu.memory_space<hbm>>
      tpu.wait_dma2 semaphore(%arg12 : memref<!tpu.dma_semaphore, #tpu.memory_space<semaphore_mem>>) src(%dma_wait3A_973 : memref<16x128xf32, #tpu.memory_space<hbm>>) dst(%dma_wait3A_970 : memref<16x128xf32, #tpu.memory_space<vmem>>)
      %dma_wait3A_974 = arith.constant 13 : i32
      %dma_wait3A_975 = arith.constant 0 : i32
      %dma_wait3A_976 = arith.constant 0 : i32
      %dma_wait3A_977 = tpu.memref_slice %arg10[%dma_wait3A_974, %dma_wait3A_975, %dma_wait3A_976] : memref<16x16x128xf32, #tpu.memory_space<vmem>> -> memref<1x16x128xf32, #tpu.memory_space<vmem>>
      %dma_wait3A_978 = tpu.memref_squeeze %dma_wait3A_977 : memref<1x16x128xf32, #tpu.memory_space<vmem>> -> memref<16x128xf32, #tpu.memory_space<vmem>>
      %dma_wait3A_979 = arith.constant 0 : i32
      %dma_wait3A_980 = arith.constant 0 : i32
      %dma_wait3A_981 = tpu.memref_slice %arg5[%dma_wait3A_979, %dma_wait3A_980] : memref<16x1000000xf32, #tpu.memory_space<hbm>> -> memref<16x128xf32, #tpu.memory_space<hbm>>
      %dma_wait3A_982 = arith.constant 0 : i32
      %dma_wait3A_983 = arith.constant 0 : i32
      %dma_wait3A_984 = tpu.memref_slice %arg10[%dma_wait3A_974, %dma_wait3A_982, %dma_wait3A_983] : memref<16x16x128xf32, #tpu.memory_space<vmem>> -> memref<1x16x128xf32, #tpu.memory_space<vmem>>
      %dma_wait3A_985 = tpu.memref_squeeze %dma_wait3A_984 : memref<1x16x128xf32, #tpu.memory_space<vmem>> -> memref<16x128xf32, #tpu.memory_space<vmem>>
      %dma_wait3A_986 = arith.constant 0 : i32
      %dma_wait3A_987 = arith.constant 0 : i32
      %dma_wait3A_988 = tpu.memref_slice %arg5[%dma_wait3A_986, %dma_wait3A_987] : memref<16x1000000xf32, #tpu.memory_space<hbm>> -> memref<16x128xf32, #tpu.memory_space<hbm>>
      tpu.wait_dma2 semaphore(%arg13 : memref<!tpu.dma_semaphore, #tpu.memory_space<semaphore_mem>>) src(%dma_wait3A_988 : memref<16x128xf32, #tpu.memory_space<hbm>>) dst(%dma_wait3A_985 : memref<16x128xf32, #tpu.memory_space<vmem>>)
      %dma_wait3A_989 = arith.constant 14 : i32
      %dma_wait3A_990 = arith.constant 0 : i32
      %dma_wait3A_991 = arith.constant 0 : i32
      %dma_wait3A_992 = tpu.memref_slice %arg9[%dma_wait3A_989, %dma_wait3A_990, %dma_wait3A_991] : memref<16x16x128xf32, #tpu.memory_space<vmem>> -> memref<1x16x128xf32, #tpu.memory_space<vmem>>
      %dma_wait3A_993 = tpu.memref_squeeze %dma_wait3A_992 : memref<1x16x128xf32, #tpu.memory_space<vmem>> -> memref<16x128xf32, #tpu.memory_space<vmem>>
      %dma_wait3A_994 = arith.constant 0 : i32
      %dma_wait3A_995 = arith.constant 0 : i32
      %dma_wait3A_996 = tpu.memref_slice %arg4[%dma_wait3A_994, %dma_wait3A_995] : memref<16x1000000xf32, #tpu.memory_space<hbm>> -> memref<16x128xf32, #tpu.memory_space<hbm>>
      %dma_wait3A_997 = arith.constant 0 : i32
      %dma_wait3A_998 = arith.constant 0 : i32
      %dma_wait3A_999 = tpu.memref_slice %arg9[%dma_wait3A_989, %dma_wait3A_997, %dma_wait3A_998] : memref<16x16x128xf32, #tpu.memory_space<vmem>> -> memref<1x16x128xf32, #tpu.memory_space<vmem>>
      %dma_wait3A_1000 = tpu.memref_squeeze %dma_wait3A_999 : memref<1x16x128xf32, #tpu.memory_space<vmem>> -> memref<16x128xf32, #tpu.memory_space<vmem>>
      %dma_wait3A_1001 = arith.constant 0 : i32
      %dma_wait3A_1002 = arith.constant 0 : i32
      %dma_wait3A_1003 = tpu.memref_slice %arg4[%dma_wait3A_1001, %dma_wait3A_1002] : memref<16x1000000xf32, #tpu.memory_space<hbm>> -> memref<16x128xf32, #tpu.memory_space<hbm>>
      tpu.wait_dma2 semaphore(%arg12 : memref<!tpu.dma_semaphore, #tpu.memory_space<semaphore_mem>>) src(%dma_wait3A_1003 : memref<16x128xf32, #tpu.memory_space<hbm>>) dst(%dma_wait3A_1000 : memref<16x128xf32, #tpu.memory_space<vmem>>)
      %dma_wait3A_1004 = arith.constant 14 : i32
      %dma_wait3A_1005 = arith.constant 0 : i32
      %dma_wait3A_1006 = arith.constant 0 : i32
      %dma_wait3A_1007 = tpu.memref_slice %arg10[%dma_wait3A_1004, %dma_wait3A_1005, %dma_wait3A_1006] : memref<16x16x128xf32, #tpu.memory_space<vmem>> -> memref<1x16x128xf32, #tpu.memory_space<vmem>>
      %dma_wait3A_1008 = tpu.memref_squeeze %dma_wait3A_1007 : memref<1x16x128xf32, #tpu.memory_space<vmem>> -> memref<16x128xf32, #tpu.memory_space<vmem>>
      %dma_wait3A_1009 = arith.constant 0 : i32
      %dma_wait3A_1010 = arith.constant 0 : i32
      %dma_wait3A_1011 = tpu.memref_slice %arg5[%dma_wait3A_1009, %dma_wait3A_1010] : memref<16x1000000xf32, #tpu.memory_space<hbm>> -> memref<16x128xf32, #tpu.memory_space<hbm>>
      %dma_wait3A_1012 = arith.constant 0 : i32
      %dma_wait3A_1013 = arith.constant 0 : i32
      %dma_wait3A_1014 = tpu.memref_slice %arg10[%dma_wait3A_1004, %dma_wait3A_1012, %dma_wait3A_1013] : memref<16x16x128xf32, #tpu.memory_space<vmem>> -> memref<1x16x128xf32, #tpu.memory_space<vmem>>
      %dma_wait3A_1015 = tpu.memref_squeeze %dma_wait3A_1014 : memref<1x16x128xf32, #tpu.memory_space<vmem>> -> memref<16x128xf32, #tpu.memory_space<vmem>>
      %dma_wait3A_1016 = arith.constant 0 : i32
      %dma_wait3A_1017 = arith.constant 0 : i32
      %dma_wait3A_1018 = tpu.memref_slice %arg5[%dma_wait3A_1016, %dma_wait3A_1017] : memref<16x1000000xf32, #tpu.memory_space<hbm>> -> memref<16x128xf32, #tpu.memory_space<hbm>>
      tpu.wait_dma2 semaphore(%arg13 : memref<!tpu.dma_semaphore, #tpu.memory_space<semaphore_mem>>) src(%dma_wait3A_1018 : memref<16x128xf32, #tpu.memory_space<hbm>>) dst(%dma_wait3A_1015 : memref<16x128xf32, #tpu.memory_space<vmem>>)
      %dma_wait3A_1019 = arith.constant 15 : i32
      %dma_wait3A_1020 = arith.constant 0 : i32
      %dma_wait3A_1021 = arith.constant 0 : i32
      %dma_wait3A_1022 = tpu.memref_slice %arg9[%dma_wait3A_1019, %dma_wait3A_1020, %dma_wait3A_1021] : memref<16x16x128xf32, #tpu.memory_space<vmem>> -> memref<1x16x128xf32, #tpu.memory_space<vmem>>
      %dma_wait3A_1023 = tpu.memref_squeeze %dma_wait3A_1022 : memref<1x16x128xf32, #tpu.memory_space<vmem>> -> memref<16x128xf32, #tpu.memory_space<vmem>>
      %dma_wait3A_1024 = arith.constant 0 : i32
      %dma_wait3A_1025 = arith.constant 0 : i32
      %dma_wait3A_1026 = tpu.memref_slice %arg4[%dma_wait3A_1024, %dma_wait3A_1025] : memref<16x1000000xf32, #tpu.memory_space<hbm>> -> memref<16x128xf32, #tpu.memory_space<hbm>>
      %dma_wait3A_1027 = arith.constant 0 : i32
      %dma_wait3A_1028 = arith.constant 0 : i32
      %dma_wait3A_1029 = tpu.memref_slice %arg9[%dma_wait3A_1019, %dma_wait3A_1027, %dma_wait3A_1028] : memref<16x16x128xf32, #tpu.memory_space<vmem>> -> memref<1x16x128xf32, #tpu.memory_space<vmem>>
      %dma_wait3A_1030 = tpu.memref_squeeze %dma_wait3A_1029 : memref<1x16x128xf32, #tpu.memory_space<vmem>> -> memref<16x128xf32, #tpu.memory_space<vmem>>
      %dma_wait3A_1031 = arith.constant 0 : i32
      %dma_wait3A_1032 = arith.constant 0 : i32
      %dma_wait3A_1033 = tpu.memref_slice %arg4[%dma_wait3A_1031, %dma_wait3A_1032] : memref<16x1000000xf32, #tpu.memory_space<hbm>> -> memref<16x128xf32, #tpu.memory_space<hbm>>
      tpu.wait_dma2 semaphore(%arg12 : memref<!tpu.dma_semaphore, #tpu.memory_space<semaphore_mem>>) src(%dma_wait3A_1033 : memref<16x128xf32, #tpu.memory_space<hbm>>) dst(%dma_wait3A_1030 : memref<16x128xf32, #tpu.memory_space<vmem>>)
      %dma_wait3A_1034 = arith.constant 15 : i32
      %dma_wait3A_1035 = arith.constant 0 : i32
      %dma_wait3A_1036 = arith.constant 0 : i32
      %dma_wait3A_1037 = tpu.memref_slice %arg10[%dma_wait3A_1034, %dma_wait3A_1035, %dma_wait3A_1036] : memref<16x16x128xf32, #tpu.memory_space<vmem>> -> memref<1x16x128xf32, #tpu.memory_space<vmem>>
      %dma_wait3A_1038 = tpu.memref_squeeze %dma_wait3A_1037 : memref<1x16x128xf32, #tpu.memory_space<vmem>> -> memref<16x128xf32, #tpu.memory_space<vmem>>
      %dma_wait3A_1039 = arith.constant 0 : i32
      %dma_wait3A_1040 = arith.constant 0 : i32
      %dma_wait3A_1041 = tpu.memref_slice %arg5[%dma_wait3A_1039, %dma_wait3A_1040] : memref<16x1000000xf32, #tpu.memory_space<hbm>> -> memref<16x128xf32, #tpu.memory_space<hbm>>
      %dma_wait3A_1042 = arith.constant 0 : i32
      %dma_wait3A_1043 = arith.constant 0 : i32
      %dma_wait3A_1044 = tpu.memref_slice %arg10[%dma_wait3A_1034, %dma_wait3A_1042, %dma_wait3A_1043] : memref<16x16x128xf32, #tpu.memory_space<vmem>> -> memref<1x16x128xf32, #tpu.memory_space<vmem>>
      %dma_wait3A_1045 = tpu.memref_squeeze %dma_wait3A_1044 : memref<1x16x128xf32, #tpu.memory_space<vmem>> -> memref<16x128xf32, #tpu.memory_space<vmem>>
      %dma_wait3A_1046 = arith.constant 0 : i32
      %dma_wait3A_1047 = arith.constant 0 : i32
      %dma_wait3A_1048 = tpu.memref_slice %arg5[%dma_wait3A_1046, %dma_wait3A_1047] : memref<16x1000000xf32, #tpu.memory_space<hbm>> -> memref<16x128xf32, #tpu.memory_space<hbm>>
      tpu.wait_dma2 semaphore(%arg13 : memref<!tpu.dma_semaphore, #tpu.memory_space<semaphore_mem>>) src(%dma_wait3A_1048 : memref<16x128xf32, #tpu.memory_space<hbm>>) dst(%dma_wait3A_1045 : memref<16x128xf32, #tpu.memory_space<vmem>>)
      %broadcast_in_dim3A = arith.constant 0 : i32
      %broadcast_in_dim3A_1049 = vector.broadcast %broadcast_in_dim3A : i32 to vector<16xi32>
      %slice3A_1050 = vector.extract_strided_slice %and3A_58 {offsets = [0], sizes = [1], strides = [1]} : vector<16xi32> to vector<1xi32>
      %squeeze3A_1051 = vector.extract %slice3A_1050[0] : i32 from vector<1xi32>
      %broadcast_in_dim3A_1052 = vector.broadcast %squeeze3A_1051 : i32 to vector<16xi32>
      %gather3A = tpu.vector_load_idx %arg9[%broadcast_in_dim3A_1049, %iota3A, %broadcast_in_dim3A_1052] : memref<16x16x128xf32, #tpu.memory_space<vmem>>[vector<16xi32>, vector<16xi32>, vector<16xi32>], vector<16xf32>,
      %slice3A_1053 = vector.extract_strided_slice %and3A_61 {offsets = [0], sizes = [1], strides = [1]} : vector<16xi32> to vector<1xi32>
      %squeeze3A_1054 = vector.extract %slice3A_1053[0] : i32 from vector<1xi32>
      %broadcast_in_dim3A_1055 = vector.broadcast %squeeze3A_1054 : i32 to vector<16xi32>
      %gather3A_1056 = tpu.vector_load_idx %arg10[%broadcast_in_dim3A_1049, %iota3A, %broadcast_in_dim3A_1055] : memref<16x16x128xf32, #tpu.memory_space<vmem>>[vector<16xi32>, vector<16xi32>, vector<16xi32>], vector<16xf32>,
      %mul3A_1057 = arith.constant 16 : i32
      %mul3A_1058 = arith.muli %scan3A_39, %mul3A_1057 : i32
      %add3A_1059 = arith.constant 0 : i32
      %add3A_1060 = arith.addi %mul3A_1058, %add3A_1059 : i32
      %broadcast_in_dim3A_1061 = vector.broadcast %add3A_1060 : i32 to vector<16xi32>
      %mul3A_1062 = arith.mulf %gather3A, %gather3A_1056 : vector<16xf32>
      tpu.vector_store_idx %arg11[%iota3A, %broadcast_in_dim3A_1061], %mul3A_1062 : memref<16x512xf32, #tpu.memory_space<vmem>>[vector<16xi32>, vector<16xi32>], vector<16xf32>,
      %broadcast_in_dim3A_1063 = arith.constant 1 : i32
      %broadcast_in_dim3A_1064 = vector.broadcast %broadcast_in_dim3A_1063 : i32 to vector<16xi32>
      %slice3A_1065 = vector.extract_strided_slice %and3A_58 {offsets = [1], sizes = [1], strides = [1]} : vector<16xi32> to vector<1xi32>
      %squeeze3A_1066 = vector.extract %slice3A_1065[0] : i32 from vector<1xi32>
      %broadcast_in_dim3A_1067 = vector.broadcast %squeeze3A_1066 : i32 to vector<16xi32>
      %gather3A_1068 = tpu.vector_load_idx %arg9[%broadcast_in_dim3A_1064, %iota3A, %broadcast_in_dim3A_1067] : memref<16x16x128xf32, #tpu.memory_space<vmem>>[vector<16xi32>, vector<16xi32>, vector<16xi32>], vector<16xf32>,
      %slice3A_1069 = vector.extract_strided_slice %and3A_61 {offsets = [1], sizes = [1], strides = [1]} : vector<16xi32> to vector<1xi32>
      %squeeze3A_1070 = vector.extract %slice3A_1069[0] : i32 from vector<1xi32>
      %broadcast_in_dim3A_1071 = vector.broadcast %squeeze3A_1070 : i32 to vector<16xi32>
      %gather3A_1072 = tpu.vector_load_idx %arg10[%broadcast_in_dim3A_1064, %iota3A, %broadcast_in_dim3A_1071] : memref<16x16x128xf32, #tpu.memory_space<vmem>>[vector<16xi32>, vector<16xi32>, vector<16xi32>], vector<16xf32>,
      %mul3A_1073 = arith.constant 16 : i32
      %mul3A_1074 = arith.muli %scan3A_39, %mul3A_1073 : i32
      %add3A_1075 = arith.constant 1 : i32
      %add3A_1076 = arith.addi %mul3A_1074, %add3A_1075 : i32
      %broadcast_in_dim3A_1077 = vector.broadcast %add3A_1076 : i32 to vector<16xi32>
      %mul3A_1078 = arith.mulf %gather3A_1068, %gather3A_1072 : vector<16xf32>
      tpu.vector_store_idx %arg11[%iota3A, %broadcast_in_dim3A_1077], %mul3A_1078 : memref<16x512xf32, #tpu.memory_space<vmem>>[vector<16xi32>, vector<16xi32>], vector<16xf32>,
      %broadcast_in_dim3A_1079 = arith.constant 2 : i32
      %broadcast_in_dim3A_1080 = vector.broadcast %broadcast_in_dim3A_1079 : i32 to vector<16xi32>
      %slice3A_1081 = vector.extract_strided_slice %and3A_58 {offsets = [2], sizes = [1], strides = [1]} : vector<16xi32> to vector<1xi32>
      %squeeze3A_1082 = vector.extract %slice3A_1081[0] : i32 from vector<1xi32>
      %broadcast_in_dim3A_1083 = vector.broadcast %squeeze3A_1082 : i32 to vector<16xi32>
      %gather3A_1084 = tpu.vector_load_idx %arg9[%broadcast_in_dim3A_1080, %iota3A, %broadcast_in_dim3A_1083] : memref<16x16x128xf32, #tpu.memory_space<vmem>>[vector<16xi32>, vector<16xi32>, vector<16xi32>], vector<16xf32>,
      %slice3A_1085 = vector.extract_strided_slice %and3A_61 {offsets = [2], sizes = [1], strides = [1]} : vector<16xi32> to vector<1xi32>
      %squeeze3A_1086 = vector.extract %slice3A_1085[0] : i32 from vector<1xi32>
      %broadcast_in_dim3A_1087 = vector.broadcast %squeeze3A_1086 : i32 to vector<16xi32>
      %gather3A_1088 = tpu.vector_load_idx %arg10[%broadcast_in_dim3A_1080, %iota3A, %broadcast_in_dim3A_1087] : memref<16x16x128xf32, #tpu.memory_space<vmem>>[vector<16xi32>, vector<16xi32>, vector<16xi32>], vector<16xf32>,
      %mul3A_1089 = arith.constant 16 : i32
      %mul3A_1090 = arith.muli %scan3A_39, %mul3A_1089 : i32
      %add3A_1091 = arith.constant 2 : i32
      %add3A_1092 = arith.addi %mul3A_1090, %add3A_1091 : i32
      %broadcast_in_dim3A_1093 = vector.broadcast %add3A_1092 : i32 to vector<16xi32>
      %mul3A_1094 = arith.mulf %gather3A_1084, %gather3A_1088 : vector<16xf32>
      tpu.vector_store_idx %arg11[%iota3A, %broadcast_in_dim3A_1093], %mul3A_1094 : memref<16x512xf32, #tpu.memory_space<vmem>>[vector<16xi32>, vector<16xi32>], vector<16xf32>,
      %broadcast_in_dim3A_1095 = arith.constant 3 : i32
      %broadcast_in_dim3A_1096 = vector.broadcast %broadcast_in_dim3A_1095 : i32 to vector<16xi32>
      %slice3A_1097 = vector.extract_strided_slice %and3A_58 {offsets = [3], sizes = [1], strides = [1]} : vector<16xi32> to vector<1xi32>
      %squeeze3A_1098 = vector.extract %slice3A_1097[0] : i32 from vector<1xi32>
      %broadcast_in_dim3A_1099 = vector.broadcast %squeeze3A_1098 : i32 to vector<16xi32>
      %gather3A_1100 = tpu.vector_load_idx %arg9[%broadcast_in_dim3A_1096, %iota3A, %broadcast_in_dim3A_1099] : memref<16x16x128xf32, #tpu.memory_space<vmem>>[vector<16xi32>, vector<16xi32>, vector<16xi32>], vector<16xf32>,
      %slice3A_1101 = vector.extract_strided_slice %and3A_61 {offsets = [3], sizes = [1], strides = [1]} : vector<16xi32> to vector<1xi32>
      %squeeze3A_1102 = vector.extract %slice3A_1101[0] : i32 from vector<1xi32>
      %broadcast_in_dim3A_1103 = vector.broadcast %squeeze3A_1102 : i32 to vector<16xi32>
      %gather3A_1104 = tpu.vector_load_idx %arg10[%broadcast_in_dim3A_1096, %iota3A, %broadcast_in_dim3A_1103] : memref<16x16x128xf32, #tpu.memory_space<vmem>>[vector<16xi32>, vector<16xi32>, vector<16xi32>], vector<16xf32>,
      %mul3A_1105 = arith.constant 16 : i32
      %mul3A_1106 = arith.muli %scan3A_39, %mul3A_1105 : i32
      %add3A_1107 = arith.constant 3 : i32
      %add3A_1108 = arith.addi %mul3A_1106, %add3A_1107 : i32
      %broadcast_in_dim3A_1109 = vector.broadcast %add3A_1108 : i32 to vector<16xi32>
      %mul3A_1110 = arith.mulf %gather3A_1100, %gather3A_1104 : vector<16xf32>
      tpu.vector_store_idx %arg11[%iota3A, %broadcast_in_dim3A_1109], %mul3A_1110 : memref<16x512xf32, #tpu.memory_space<vmem>>[vector<16xi32>, vector<16xi32>], vector<16xf32>,
      %broadcast_in_dim3A_1111 = arith.constant 4 : i32
      %broadcast_in_dim3A_1112 = vector.broadcast %broadcast_in_dim3A_1111 : i32 to vector<16xi32>
      %slice3A_1113 = vector.extract_strided_slice %and3A_58 {offsets = [4], sizes = [1], strides = [1]} : vector<16xi32> to vector<1xi32>
      %squeeze3A_1114 = vector.extract %slice3A_1113[0] : i32 from vector<1xi32>
      %broadcast_in_dim3A_1115 = vector.broadcast %squeeze3A_1114 : i32 to vector<16xi32>
      %gather3A_1116 = tpu.vector_load_idx %arg9[%broadcast_in_dim3A_1112, %iota3A, %broadcast_in_dim3A_1115] : memref<16x16x128xf32, #tpu.memory_space<vmem>>[vector<16xi32>, vector<16xi32>, vector<16xi32>], vector<16xf32>,
      %slice3A_1117 = vector.extract_strided_slice %and3A_61 {offsets = [4], sizes = [1], strides = [1]} : vector<16xi32> to vector<1xi32>
      %squeeze3A_1118 = vector.extract %slice3A_1117[0] : i32 from vector<1xi32>
      %broadcast_in_dim3A_1119 = vector.broadcast %squeeze3A_1118 : i32 to vector<16xi32>
      %gather3A_1120 = tpu.vector_load_idx %arg10[%broadcast_in_dim3A_1112, %iota3A, %broadcast_in_dim3A_1119] : memref<16x16x128xf32, #tpu.memory_space<vmem>>[vector<16xi32>, vector<16xi32>, vector<16xi32>], vector<16xf32>,
      %mul3A_1121 = arith.constant 16 : i32
      %mul3A_1122 = arith.muli %scan3A_39, %mul3A_1121 : i32
      %add3A_1123 = arith.constant 4 : i32
      %add3A_1124 = arith.addi %mul3A_1122, %add3A_1123 : i32
      %broadcast_in_dim3A_1125 = vector.broadcast %add3A_1124 : i32 to vector<16xi32>
      %mul3A_1126 = arith.mulf %gather3A_1116, %gather3A_1120 : vector<16xf32>
      tpu.vector_store_idx %arg11[%iota3A, %broadcast_in_dim3A_1125], %mul3A_1126 : memref<16x512xf32, #tpu.memory_space<vmem>>[vector<16xi32>, vector<16xi32>], vector<16xf32>,
      %broadcast_in_dim3A_1127 = arith.constant 5 : i32
      %broadcast_in_dim3A_1128 = vector.broadcast %broadcast_in_dim3A_1127 : i32 to vector<16xi32>
      %slice3A_1129 = vector.extract_strided_slice %and3A_58 {offsets = [5], sizes = [1], strides = [1]} : vector<16xi32> to vector<1xi32>
      %squeeze3A_1130 = vector.extract %slice3A_1129[0] : i32 from vector<1xi32>
      %broadcast_in_dim3A_1131 = vector.broadcast %squeeze3A_1130 : i32 to vector<16xi32>
      %gather3A_1132 = tpu.vector_load_idx %arg9[%broadcast_in_dim3A_1128, %iota3A, %broadcast_in_dim3A_1131] : memref<16x16x128xf32, #tpu.memory_space<vmem>>[vector<16xi32>, vector<16xi32>, vector<16xi32>], vector<16xf32>,
      %slice3A_1133 = vector.extract_strided_slice %and3A_61 {offsets = [5], sizes = [1], strides = [1]} : vector<16xi32> to vector<1xi32>
      %squeeze3A_1134 = vector.extract %slice3A_1133[0] : i32 from vector<1xi32>
      %broadcast_in_dim3A_1135 = vector.broadcast %squeeze3A_1134 : i32 to vector<16xi32>
      %gather3A_1136 = tpu.vector_load_idx %arg10[%broadcast_in_dim3A_1128, %iota3A, %broadcast_in_dim3A_1135] : memref<16x16x128xf32, #tpu.memory_space<vmem>>[vector<16xi32>, vector<16xi32>, vector<16xi32>], vector<16xf32>,
      %mul3A_1137 = arith.constant 16 : i32
      %mul3A_1138 = arith.muli %scan3A_39, %mul3A_1137 : i32
      %add3A_1139 = arith.constant 5 : i32
      %add3A_1140 = arith.addi %mul3A_1138, %add3A_1139 : i32
      %broadcast_in_dim3A_1141 = vector.broadcast %add3A_1140 : i32 to vector<16xi32>
      %mul3A_1142 = arith.mulf %gather3A_1132, %gather3A_1136 : vector<16xf32>
      tpu.vector_store_idx %arg11[%iota3A, %broadcast_in_dim3A_1141], %mul3A_1142 : memref<16x512xf32, #tpu.memory_space<vmem>>[vector<16xi32>, vector<16xi32>], vector<16xf32>,
      %broadcast_in_dim3A_1143 = arith.constant 6 : i32
      %broadcast_in_dim3A_1144 = vector.broadcast %broadcast_in_dim3A_1143 : i32 to vector<16xi32>
      %slice3A_1145 = vector.extract_strided_slice %and3A_58 {offsets = [6], sizes = [1], strides = [1]} : vector<16xi32> to vector<1xi32>
      %squeeze3A_1146 = vector.extract %slice3A_1145[0] : i32 from vector<1xi32>
      %broadcast_in_dim3A_1147 = vector.broadcast %squeeze3A_1146 : i32 to vector<16xi32>
      %gather3A_1148 = tpu.vector_load_idx %arg9[%broadcast_in_dim3A_1144, %iota3A, %broadcast_in_dim3A_1147] : memref<16x16x128xf32, #tpu.memory_space<vmem>>[vector<16xi32>, vector<16xi32>, vector<16xi32>], vector<16xf32>,
      %slice3A_1149 = vector.extract_strided_slice %and3A_61 {offsets = [6], sizes = [1], strides = [1]} : vector<16xi32> to vector<1xi32>
      %squeeze3A_1150 = vector.extract %slice3A_1149[0] : i32 from vector<1xi32>
      %broadcast_in_dim3A_1151 = vector.broadcast %squeeze3A_1150 : i32 to vector<16xi32>
      %gather3A_1152 = tpu.vector_load_idx %arg10[%broadcast_in_dim3A_1144, %iota3A, %broadcast_in_dim3A_1151] : memref<16x16x128xf32, #tpu.memory_space<vmem>>[vector<16xi32>, vector<16xi32>, vector<16xi32>], vector<16xf32>,
      %mul3A_1153 = arith.constant 16 : i32
      %mul3A_1154 = arith.muli %scan3A_39, %mul3A_1153 : i32
      %add3A_1155 = arith.constant 6 : i32
      %add3A_1156 = arith.addi %mul3A_1154, %add3A_1155 : i32
      %broadcast_in_dim3A_1157 = vector.broadcast %add3A_1156 : i32 to vector<16xi32>
      %mul3A_1158 = arith.mulf %gather3A_1148, %gather3A_1152 : vector<16xf32>
      tpu.vector_store_idx %arg11[%iota3A, %broadcast_in_dim3A_1157], %mul3A_1158 : memref<16x512xf32, #tpu.memory_space<vmem>>[vector<16xi32>, vector<16xi32>], vector<16xf32>,
      %broadcast_in_dim3A_1159 = arith.constant 7 : i32
      %broadcast_in_dim3A_1160 = vector.broadcast %broadcast_in_dim3A_1159 : i32 to vector<16xi32>
      %slice3A_1161 = vector.extract_strided_slice %and3A_58 {offsets = [7], sizes = [1], strides = [1]} : vector<16xi32> to vector<1xi32>
      %squeeze3A_1162 = vector.extract %slice3A_1161[0] : i32 from vector<1xi32>
      %broadcast_in_dim3A_1163 = vector.broadcast %squeeze3A_1162 : i32 to vector<16xi32>
      %gather3A_1164 = tpu.vector_load_idx %arg9[%broadcast_in_dim3A_1160, %iota3A, %broadcast_in_dim3A_1163] : memref<16x16x128xf32, #tpu.memory_space<vmem>>[vector<16xi32>, vector<16xi32>, vector<16xi32>], vector<16xf32>,
      %slice3A_1165 = vector.extract_strided_slice %and3A_61 {offsets = [7], sizes = [1], strides = [1]} : vector<16xi32> to vector<1xi32>
      %squeeze3A_1166 = vector.extract %slice3A_1165[0] : i32 from vector<1xi32>
      %broadcast_in_dim3A_1167 = vector.broadcast %squeeze3A_1166 : i32 to vector<16xi32>
      %gather3A_1168 = tpu.vector_load_idx %arg10[%broadcast_in_dim3A_1160, %iota3A, %broadcast_in_dim3A_1167] : memref<16x16x128xf32, #tpu.memory_space<vmem>>[vector<16xi32>, vector<16xi32>, vector<16xi32>], vector<16xf32>,
      %mul3A_1169 = arith.constant 16 : i32
      %mul3A_1170 = arith.muli %scan3A_39, %mul3A_1169 : i32
      %add3A_1171 = arith.constant 7 : i32
      %add3A_1172 = arith.addi %mul3A_1170, %add3A_1171 : i32
      %broadcast_in_dim3A_1173 = vector.broadcast %add3A_1172 : i32 to vector<16xi32>
      %mul3A_1174 = arith.mulf %gather3A_1164, %gather3A_1168 : vector<16xf32>
      tpu.vector_store_idx %arg11[%iota3A, %broadcast_in_dim3A_1173], %mul3A_1174 : memref<16x512xf32, #tpu.memory_space<vmem>>[vector<16xi32>, vector<16xi32>], vector<16xf32>,
      %broadcast_in_dim3A_1175 = arith.constant 8 : i32
      %broadcast_in_dim3A_1176 = vector.broadcast %broadcast_in_dim3A_1175 : i32 to vector<16xi32>
      %slice3A_1177 = vector.extract_strided_slice %and3A_58 {offsets = [8], sizes = [1], strides = [1]} : vector<16xi32> to vector<1xi32>
      %squeeze3A_1178 = vector.extract %slice3A_1177[0] : i32 from vector<1xi32>
      %broadcast_in_dim3A_1179 = vector.broadcast %squeeze3A_1178 : i32 to vector<16xi32>
      %gather3A_1180 = tpu.vector_load_idx %arg9[%broadcast_in_dim3A_1176, %iota3A, %broadcast_in_dim3A_1179] : memref<16x16x128xf32, #tpu.memory_space<vmem>>[vector<16xi32>, vector<16xi32>, vector<16xi32>], vector<16xf32>,
      %slice3A_1181 = vector.extract_strided_slice %and3A_61 {offsets = [8], sizes = [1], strides = [1]} : vector<16xi32> to vector<1xi32>
      %squeeze3A_1182 = vector.extract %slice3A_1181[0] : i32 from vector<1xi32>
      %broadcast_in_dim3A_1183 = vector.broadcast %squeeze3A_1182 : i32 to vector<16xi32>
      %gather3A_1184 = tpu.vector_load_idx %arg10[%broadcast_in_dim3A_1176, %iota3A, %broadcast_in_dim3A_1183] : memref<16x16x128xf32, #tpu.memory_space<vmem>>[vector<16xi32>, vector<16xi32>, vector<16xi32>], vector<16xf32>,
      %mul3A_1185 = arith.constant 16 : i32
      %mul3A_1186 = arith.muli %scan3A_39, %mul3A_1185 : i32
      %add3A_1187 = arith.constant 8 : i32
      %add3A_1188 = arith.addi %mul3A_1186, %add3A_1187 : i32
      %broadcast_in_dim3A_1189 = vector.broadcast %add3A_1188 : i32 to vector<16xi32>
      %mul3A_1190 = arith.mulf %gather3A_1180, %gather3A_1184 : vector<16xf32>
      tpu.vector_store_idx %arg11[%iota3A, %broadcast_in_dim3A_1189], %mul3A_1190 : memref<16x512xf32, #tpu.memory_space<vmem>>[vector<16xi32>, vector<16xi32>], vector<16xf32>,
      %broadcast_in_dim3A_1191 = arith.constant 9 : i32
      %broadcast_in_dim3A_1192 = vector.broadcast %broadcast_in_dim3A_1191 : i32 to vector<16xi32>
      %slice3A_1193 = vector.extract_strided_slice %and3A_58 {offsets = [9], sizes = [1], strides = [1]} : vector<16xi32> to vector<1xi32>
      %squeeze3A_1194 = vector.extract %slice3A_1193[0] : i32 from vector<1xi32>
      %broadcast_in_dim3A_1195 = vector.broadcast %squeeze3A_1194 : i32 to vector<16xi32>
      %gather3A_1196 = tpu.vector_load_idx %arg9[%broadcast_in_dim3A_1192, %iota3A, %broadcast_in_dim3A_1195] : memref<16x16x128xf32, #tpu.memory_space<vmem>>[vector<16xi32>, vector<16xi32>, vector<16xi32>], vector<16xf32>,
      %slice3A_1197 = vector.extract_strided_slice %and3A_61 {offsets = [9], sizes = [1], strides = [1]} : vector<16xi32> to vector<1xi32>
      %squeeze3A_1198 = vector.extract %slice3A_1197[0] : i32 from vector<1xi32>
      %broadcast_in_dim3A_1199 = vector.broadcast %squeeze3A_1198 : i32 to vector<16xi32>
      %gather3A_1200 = tpu.vector_load_idx %arg10[%broadcast_in_dim3A_1192, %iota3A, %broadcast_in_dim3A_1199] : memref<16x16x128xf32, #tpu.memory_space<vmem>>[vector<16xi32>, vector<16xi32>, vector<16xi32>], vector<16xf32>,
      %mul3A_1201 = arith.constant 16 : i32
      %mul3A_1202 = arith.muli %scan3A_39, %mul3A_1201 : i32
      %add3A_1203 = arith.constant 9 : i32
      %add3A_1204 = arith.addi %mul3A_1202, %add3A_1203 : i32
      %broadcast_in_dim3A_1205 = vector.broadcast %add3A_1204 : i32 to vector<16xi32>
      %mul3A_1206 = arith.mulf %gather3A_1196, %gather3A_1200 : vector<16xf32>
      tpu.vector_store_idx %arg11[%iota3A, %broadcast_in_dim3A_1205], %mul3A_1206 : memref<16x512xf32, #tpu.memory_space<vmem>>[vector<16xi32>, vector<16xi32>], vector<16xf32>,
      %broadcast_in_dim3A_1207 = arith.constant 10 : i32
      %broadcast_in_dim3A_1208 = vector.broadcast %broadcast_in_dim3A_1207 : i32 to vector<16xi32>
      %slice3A_1209 = vector.extract_strided_slice %and3A_58 {offsets = [10], sizes = [1], strides = [1]} : vector<16xi32> to vector<1xi32>
      %squeeze3A_1210 = vector.extract %slice3A_1209[0] : i32 from vector<1xi32>
      %broadcast_in_dim3A_1211 = vector.broadcast %squeeze3A_1210 : i32 to vector<16xi32>
      %gather3A_1212 = tpu.vector_load_idx %arg9[%broadcast_in_dim3A_1208, %iota3A, %broadcast_in_dim3A_1211] : memref<16x16x128xf32, #tpu.memory_space<vmem>>[vector<16xi32>, vector<16xi32>, vector<16xi32>], vector<16xf32>,
      %slice3A_1213 = vector.extract_strided_slice %and3A_61 {offsets = [10], sizes = [1], strides = [1]} : vector<16xi32> to vector<1xi32>
      %squeeze3A_1214 = vector.extract %slice3A_1213[0] : i32 from vector<1xi32>
      %broadcast_in_dim3A_1215 = vector.broadcast %squeeze3A_1214 : i32 to vector<16xi32>
      %gather3A_1216 = tpu.vector_load_idx %arg10[%broadcast_in_dim3A_1208, %iota3A, %broadcast_in_dim3A_1215] : memref<16x16x128xf32, #tpu.memory_space<vmem>>[vector<16xi32>, vector<16xi32>, vector<16xi32>], vector<16xf32>,
      %mul3A_1217 = arith.constant 16 : i32
      %mul3A_1218 = arith.muli %scan3A_39, %mul3A_1217 : i32
      %add3A_1219 = arith.constant 10 : i32
      %add3A_1220 = arith.addi %mul3A_1218, %add3A_1219 : i32
      %broadcast_in_dim3A_1221 = vector.broadcast %add3A_1220 : i32 to vector<16xi32>
      %mul3A_1222 = arith.mulf %gather3A_1212, %gather3A_1216 : vector<16xf32>
      tpu.vector_store_idx %arg11[%iota3A, %broadcast_in_dim3A_1221], %mul3A_1222 : memref<16x512xf32, #tpu.memory_space<vmem>>[vector<16xi32>, vector<16xi32>], vector<16xf32>,
      %broadcast_in_dim3A_1223 = arith.constant 11 : i32
      %broadcast_in_dim3A_1224 = vector.broadcast %broadcast_in_dim3A_1223 : i32 to vector<16xi32>
      %slice3A_1225 = vector.extract_strided_slice %and3A_58 {offsets = [11], sizes = [1], strides = [1]} : vector<16xi32> to vector<1xi32>
      %squeeze3A_1226 = vector.extract %slice3A_1225[0] : i32 from vector<1xi32>
      %broadcast_in_dim3A_1227 = vector.broadcast %squeeze3A_1226 : i32 to vector<16xi32>
      %gather3A_1228 = tpu.vector_load_idx %arg9[%broadcast_in_dim3A_1224, %iota3A, %broadcast_in_dim3A_1227] : memref<16x16x128xf32, #tpu.memory_space<vmem>>[vector<16xi32>, vector<16xi32>, vector<16xi32>], vector<16xf32>,
      %slice3A_1229 = vector.extract_strided_slice %and3A_61 {offsets = [11], sizes = [1], strides = [1]} : vector<16xi32> to vector<1xi32>
      %squeeze3A_1230 = vector.extract %slice3A_1229[0] : i32 from vector<1xi32>
      %broadcast_in_dim3A_1231 = vector.broadcast %squeeze3A_1230 : i32 to vector<16xi32>
      %gather3A_1232 = tpu.vector_load_idx %arg10[%broadcast_in_dim3A_1224, %iota3A, %broadcast_in_dim3A_1231] : memref<16x16x128xf32, #tpu.memory_space<vmem>>[vector<16xi32>, vector<16xi32>, vector<16xi32>], vector<16xf32>,
      %mul3A_1233 = arith.constant 16 : i32
      %mul3A_1234 = arith.muli %scan3A_39, %mul3A_1233 : i32
      %add3A_1235 = arith.constant 11 : i32
      %add3A_1236 = arith.addi %mul3A_1234, %add3A_1235 : i32
      %broadcast_in_dim3A_1237 = vector.broadcast %add3A_1236 : i32 to vector<16xi32>
      %mul3A_1238 = arith.mulf %gather3A_1228, %gather3A_1232 : vector<16xf32>
      tpu.vector_store_idx %arg11[%iota3A, %broadcast_in_dim3A_1237], %mul3A_1238 : memref<16x512xf32, #tpu.memory_space<vmem>>[vector<16xi32>, vector<16xi32>], vector<16xf32>,
      %broadcast_in_dim3A_1239 = arith.constant 12 : i32
      %broadcast_in_dim3A_1240 = vector.broadcast %broadcast_in_dim3A_1239 : i32 to vector<16xi32>
      %slice3A_1241 = vector.extract_strided_slice %and3A_58 {offsets = [12], sizes = [1], strides = [1]} : vector<16xi32> to vector<1xi32>
      %squeeze3A_1242 = vector.extract %slice3A_1241[0] : i32 from vector<1xi32>
      %broadcast_in_dim3A_1243 = vector.broadcast %squeeze3A_1242 : i32 to vector<16xi32>
      %gather3A_1244 = tpu.vector_load_idx %arg9[%broadcast_in_dim3A_1240, %iota3A, %broadcast_in_dim3A_1243] : memref<16x16x128xf32, #tpu.memory_space<vmem>>[vector<16xi32>, vector<16xi32>, vector<16xi32>], vector<16xf32>,
      %slice3A_1245 = vector.extract_strided_slice %and3A_61 {offsets = [12], sizes = [1], strides = [1]} : vector<16xi32> to vector<1xi32>
      %squeeze3A_1246 = vector.extract %slice3A_1245[0] : i32 from vector<1xi32>
      %broadcast_in_dim3A_1247 = vector.broadcast %squeeze3A_1246 : i32 to vector<16xi32>
      %gather3A_1248 = tpu.vector_load_idx %arg10[%broadcast_in_dim3A_1240, %iota3A, %broadcast_in_dim3A_1247] : memref<16x16x128xf32, #tpu.memory_space<vmem>>[vector<16xi32>, vector<16xi32>, vector<16xi32>], vector<16xf32>,
      %mul3A_1249 = arith.constant 16 : i32
      %mul3A_1250 = arith.muli %scan3A_39, %mul3A_1249 : i32
      %add3A_1251 = arith.constant 12 : i32
      %add3A_1252 = arith.addi %mul3A_1250, %add3A_1251 : i32
      %broadcast_in_dim3A_1253 = vector.broadcast %add3A_1252 : i32 to vector<16xi32>
      %mul3A_1254 = arith.mulf %gather3A_1244, %gather3A_1248 : vector<16xf32>
      tpu.vector_store_idx %arg11[%iota3A, %broadcast_in_dim3A_1253], %mul3A_1254 : memref<16x512xf32, #tpu.memory_space<vmem>>[vector<16xi32>, vector<16xi32>], vector<16xf32>,
      %broadcast_in_dim3A_1255 = arith.constant 13 : i32
      %broadcast_in_dim3A_1256 = vector.broadcast %broadcast_in_dim3A_1255 : i32 to vector<16xi32>
      %slice3A_1257 = vector.extract_strided_slice %and3A_58 {offsets = [13], sizes = [1], strides = [1]} : vector<16xi32> to vector<1xi32>
      %squeeze3A_1258 = vector.extract %slice3A_1257[0] : i32 from vector<1xi32>
      %broadcast_in_dim3A_1259 = vector.broadcast %squeeze3A_1258 : i32 to vector<16xi32>
      %gather3A_1260 = tpu.vector_load_idx %arg9[%broadcast_in_dim3A_1256, %iota3A, %broadcast_in_dim3A_1259] : memref<16x16x128xf32, #tpu.memory_space<vmem>>[vector<16xi32>, vector<16xi32>, vector<16xi32>], vector<16xf32>,
      %slice3A_1261 = vector.extract_strided_slice %and3A_61 {offsets = [13], sizes = [1], strides = [1]} : vector<16xi32> to vector<1xi32>
      %squeeze3A_1262 = vector.extract %slice3A_1261[0] : i32 from vector<1xi32>
      %broadcast_in_dim3A_1263 = vector.broadcast %squeeze3A_1262 : i32 to vector<16xi32>
      %gather3A_1264 = tpu.vector_load_idx %arg10[%broadcast_in_dim3A_1256, %iota3A, %broadcast_in_dim3A_1263] : memref<16x16x128xf32, #tpu.memory_space<vmem>>[vector<16xi32>, vector<16xi32>, vector<16xi32>], vector<16xf32>,
      %mul3A_1265 = arith.constant 16 : i32
      %mul3A_1266 = arith.muli %scan3A_39, %mul3A_1265 : i32
      %add3A_1267 = arith.constant 13 : i32
      %add3A_1268 = arith.addi %mul3A_1266, %add3A_1267 : i32
      %broadcast_in_dim3A_1269 = vector.broadcast %add3A_1268 : i32 to vector<16xi32>
      %mul3A_1270 = arith.mulf %gather3A_1260, %gather3A_1264 : vector<16xf32>
      tpu.vector_store_idx %arg11[%iota3A, %broadcast_in_dim3A_1269], %mul3A_1270 : memref<16x512xf32, #tpu.memory_space<vmem>>[vector<16xi32>, vector<16xi32>], vector<16xf32>,
      %broadcast_in_dim3A_1271 = arith.constant 14 : i32
      %broadcast_in_dim3A_1272 = vector.broadcast %broadcast_in_dim3A_1271 : i32 to vector<16xi32>
      %slice3A_1273 = vector.extract_strided_slice %and3A_58 {offsets = [14], sizes = [1], strides = [1]} : vector<16xi32> to vector<1xi32>
      %squeeze3A_1274 = vector.extract %slice3A_1273[0] : i32 from vector<1xi32>
      %broadcast_in_dim3A_1275 = vector.broadcast %squeeze3A_1274 : i32 to vector<16xi32>
      %gather3A_1276 = tpu.vector_load_idx %arg9[%broadcast_in_dim3A_1272, %iota3A, %broadcast_in_dim3A_1275] : memref<16x16x128xf32, #tpu.memory_space<vmem>>[vector<16xi32>, vector<16xi32>, vector<16xi32>], vector<16xf32>,
      %slice3A_1277 = vector.extract_strided_slice %and3A_61 {offsets = [14], sizes = [1], strides = [1]} : vector<16xi32> to vector<1xi32>
      %squeeze3A_1278 = vector.extract %slice3A_1277[0] : i32 from vector<1xi32>
      %broadcast_in_dim3A_1279 = vector.broadcast %squeeze3A_1278 : i32 to vector<16xi32>
      %gather3A_1280 = tpu.vector_load_idx %arg10[%broadcast_in_dim3A_1272, %iota3A, %broadcast_in_dim3A_1279] : memref<16x16x128xf32, #tpu.memory_space<vmem>>[vector<16xi32>, vector<16xi32>, vector<16xi32>], vector<16xf32>,
      %mul3A_1281 = arith.constant 16 : i32
      %mul3A_1282 = arith.muli %scan3A_39, %mul3A_1281 : i32
      %add3A_1283 = arith.constant 14 : i32
      %add3A_1284 = arith.addi %mul3A_1282, %add3A_1283 : i32
      %broadcast_in_dim3A_1285 = vector.broadcast %add3A_1284 : i32 to vector<16xi32>
      %mul3A_1286 = arith.mulf %gather3A_1276, %gather3A_1280 : vector<16xf32>
      tpu.vector_store_idx %arg11[%iota3A, %broadcast_in_dim3A_1285], %mul3A_1286 : memref<16x512xf32, #tpu.memory_space<vmem>>[vector<16xi32>, vector<16xi32>], vector<16xf32>,
      %broadcast_in_dim3A_1287 = arith.constant 15 : i32
      %broadcast_in_dim3A_1288 = vector.broadcast %broadcast_in_dim3A_1287 : i32 to vector<16xi32>
      %slice3A_1289 = vector.extract_strided_slice %and3A_58 {offsets = [15], sizes = [1], strides = [1]} : vector<16xi32> to vector<1xi32>
      %squeeze3A_1290 = vector.extract %slice3A_1289[0] : i32 from vector<1xi32>
      %broadcast_in_dim3A_1291 = vector.broadcast %squeeze3A_1290 : i32 to vector<16xi32>
      %gather3A_1292 = tpu.vector_load_idx %arg9[%broadcast_in_dim3A_1288, %iota3A, %broadcast_in_dim3A_1291] : memref<16x16x128xf32, #tpu.memory_space<vmem>>[vector<16xi32>, vector<16xi32>, vector<16xi32>], vector<16xf32>,
      %slice3A_1293 = vector.extract_strided_slice %and3A_61 {offsets = [15], sizes = [1], strides = [1]} : vector<16xi32> to vector<1xi32>
      %squeeze3A_1294 = vector.extract %slice3A_1293[0] : i32 from vector<1xi32>
      %broadcast_in_dim3A_1295 = vector.broadcast %squeeze3A_1294 : i32 to vector<16xi32>
      %gather3A_1296 = tpu.vector_load_idx %arg10[%broadcast_in_dim3A_1288, %iota3A, %broadcast_in_dim3A_1295] : memref<16x16x128xf32, #tpu.memory_space<vmem>>[vector<16xi32>, vector<16xi32>, vector<16xi32>], vector<16xf32>,
      %mul3A_1297 = arith.constant 16 : i32
      %mul3A_1298 = arith.muli %scan3A_39, %mul3A_1297 : i32
      %add3A_1299 = arith.constant 15 : i32
      %add3A_1300 = arith.addi %mul3A_1298, %add3A_1299 : i32
      %broadcast_in_dim3A_1301 = vector.broadcast %add3A_1300 : i32 to vector<16xi32>
      %mul3A_1302 = arith.mulf %gather3A_1292, %gather3A_1296 : vector<16xf32>
      tpu.vector_store_idx %arg11[%iota3A, %broadcast_in_dim3A_1301], %mul3A_1302 : memref<16x512xf32, #tpu.memory_space<vmem>>[vector<16xi32>, vector<16xi32>], vector<16xf32>,
    }
    %scan3A_7 = arith.constant 32 : i32
    %run_scoped3A = arith.constant 0 : i32
    %run_scoped3A_8 = arith.constant 0 : i32
    "tpu.region"() ({
      %run_scoped3A_39 = tpu.sem_alloc : memref<!tpu.dma_semaphore, #tpu.memory_space<semaphore_mem>>
      %dma_start3A = arith.constant 0 : i32
      %dma_start3A_40 = tpu.memref_slice %arg11[%run_scoped3A, %dma_start3A] : memref<16x512xf32, #tpu.memory_space<vmem>> -> memref<1x512xf32, #tpu.memory_space<vmem>>
      %dma_start3A_41 = tpu.memref_squeeze %dma_start3A_40 : memref<1x512xf32, #tpu.memory_space<vmem>> -> memref<512xf32, #tpu.memory_space<vmem>>
      %dma_start3A_42 = tpu.memref_slice %arg6[%run_scoped3A_8, %mul3A_2] : memref<16x16384xf32, #tpu.memory_space<hbm>> -> memref<1x512xf32, #tpu.memory_space<hbm>>
      %dma_start3A_43 = tpu.memref_squeeze %dma_start3A_42 : memref<1x512xf32, #tpu.memory_space<hbm>> -> memref<512xf32, #tpu.memory_space<hbm>>
      %dma_start3A_44 = tpu.memref_slice %arg6[%run_scoped3A_8, %mul3A_2] : memref<16x16384xf32, #tpu.memory_space<hbm>> -> memref<1x512xf32, #tpu.memory_space<hbm>>
      %dma_start3A_45 = tpu.memref_squeeze %dma_start3A_44 : memref<1x512xf32, #tpu.memory_space<hbm>> -> memref<512xf32, #tpu.memory_space<hbm>>
      %dma_start3A_46 = arith.constant 0 : i32
      %dma_start3A_47 = tpu.memref_slice %arg11[%run_scoped3A, %dma_start3A_46] : memref<16x512xf32, #tpu.memory_space<vmem>> -> memref<1x512xf32, #tpu.memory_space<vmem>>
      %dma_start3A_48 = tpu.memref_squeeze %dma_start3A_47 : memref<1x512xf32, #tpu.memory_space<vmem>> -> memref<512xf32, #tpu.memory_space<vmem>>
      tpu.enqueue_dma source(%dma_start3A_48 : memref<512xf32, #tpu.memory_space<vmem>>) target(%dma_start3A_45 : memref<512xf32, #tpu.memory_space<hbm>>) target_semaphore(%run_scoped3A_39 : memref<!tpu.dma_semaphore, #tpu.memory_space<semaphore_mem>>)
      %dma_wait3A = arith.constant 0 : i32
      %dma_wait3A_49 = tpu.memref_slice %arg11[%run_scoped3A, %dma_wait3A] : memref<16x512xf32, #tpu.memory_space<vmem>> -> memref<1x512xf32, #tpu.memory_space<vmem>>
      %dma_wait3A_50 = tpu.memref_squeeze %dma_wait3A_49 : memref<1x512xf32, #tpu.memory_space<vmem>> -> memref<512xf32, #tpu.memory_space<vmem>>
      %dma_wait3A_51 = tpu.memref_slice %arg6[%run_scoped3A_8, %mul3A_2] : memref<16x16384xf32, #tpu.memory_space<hbm>> -> memref<1x512xf32, #tpu.memory_space<hbm>>
      %dma_wait3A_52 = tpu.memref_squeeze %dma_wait3A_51 : memref<1x512xf32, #tpu.memory_space<hbm>> -> memref<512xf32, #tpu.memory_space<hbm>>
      %dma_wait3A_53 = tpu.memref_slice %arg6[%run_scoped3A_8, %mul3A_2] : memref<16x16384xf32, #tpu.memory_space<hbm>> -> memref<1x512xf32, #tpu.memory_space<hbm>>
      %dma_wait3A_54 = tpu.memref_squeeze %dma_wait3A_53 : memref<1x512xf32, #tpu.memory_space<hbm>> -> memref<512xf32, #tpu.memory_space<hbm>>
      %dma_wait3A_55 = arith.constant 0 : i32
      %dma_wait3A_56 = tpu.memref_slice %arg11[%run_scoped3A, %dma_wait3A_55] : memref<16x512xf32, #tpu.memory_space<vmem>> -> memref<1x512xf32, #tpu.memory_space<vmem>>
      %dma_wait3A_57 = tpu.memref_squeeze %dma_wait3A_56 : memref<1x512xf32, #tpu.memory_space<vmem>> -> memref<512xf32, #tpu.memory_space<vmem>>
      tpu.wait_dma2 semaphore(%run_scoped3A_39 : memref<!tpu.dma_semaphore, #tpu.memory_space<semaphore_mem>>) src(%dma_wait3A_57 : memref<512xf32, #tpu.memory_space<vmem>>) dst(%dma_wait3A_54 : memref<512xf32, #tpu.memory_space<hbm>>)
      tpu.yield
    }) : () -> ()
    %run_scoped3A_9 = arith.constant 1 : i32
    %run_scoped3A_10 = arith.constant 1 : i32
    "tpu.region"() ({
      %run_scoped3A_39 = tpu.sem_alloc : memref<!tpu.dma_semaphore, #tpu.memory_space<semaphore_mem>>
      %dma_start3A = arith.constant 0 : i32
      %dma_start3A_40 = tpu.memref_slice %arg11[%run_scoped3A_9, %dma_start3A] : memref<16x512xf32, #tpu.memory_space<vmem>> -> memref<1x512xf32, #tpu.memory_space<vmem>>
      %dma_start3A_41 = tpu.memref_squeeze %dma_start3A_40 : memref<1x512xf32, #tpu.memory_space<vmem>> -> memref<512xf32, #tpu.memory_space<vmem>>
      %dma_start3A_42 = tpu.memref_slice %arg6[%run_scoped3A_10, %mul3A_2] : memref<16x16384xf32, #tpu.memory_space<hbm>> -> memref<1x512xf32, #tpu.memory_space<hbm>>
      %dma_start3A_43 = tpu.memref_squeeze %dma_start3A_42 : memref<1x512xf32, #tpu.memory_space<hbm>> -> memref<512xf32, #tpu.memory_space<hbm>>
      %dma_start3A_44 = tpu.memref_slice %arg6[%run_scoped3A_10, %mul3A_2] : memref<16x16384xf32, #tpu.memory_space<hbm>> -> memref<1x512xf32, #tpu.memory_space<hbm>>
      %dma_start3A_45 = tpu.memref_squeeze %dma_start3A_44 : memref<1x512xf32, #tpu.memory_space<hbm>> -> memref<512xf32, #tpu.memory_space<hbm>>
      %dma_start3A_46 = arith.constant 0 : i32
      %dma_start3A_47 = tpu.memref_slice %arg11[%run_scoped3A_9, %dma_start3A_46] : memref<16x512xf32, #tpu.memory_space<vmem>> -> memref<1x512xf32, #tpu.memory_space<vmem>>
      %dma_start3A_48 = tpu.memref_squeeze %dma_start3A_47 : memref<1x512xf32, #tpu.memory_space<vmem>> -> memref<512xf32, #tpu.memory_space<vmem>>
      tpu.enqueue_dma source(%dma_start3A_48 : memref<512xf32, #tpu.memory_space<vmem>>) target(%dma_start3A_45 : memref<512xf32, #tpu.memory_space<hbm>>) target_semaphore(%run_scoped3A_39 : memref<!tpu.dma_semaphore, #tpu.memory_space<semaphore_mem>>)
      %dma_wait3A = arith.constant 0 : i32
      %dma_wait3A_49 = tpu.memref_slice %arg11[%run_scoped3A_9, %dma_wait3A] : memref<16x512xf32, #tpu.memory_space<vmem>> -> memref<1x512xf32, #tpu.memory_space<vmem>>
      %dma_wait3A_50 = tpu.memref_squeeze %dma_wait3A_49 : memref<1x512xf32, #tpu.memory_space<vmem>> -> memref<512xf32, #tpu.memory_space<vmem>>
      %dma_wait3A_51 = tpu.memref_slice %arg6[%run_scoped3A_10, %mul3A_2] : memref<16x16384xf32, #tpu.memory_space<hbm>> -> memref<1x512xf32, #tpu.memory_space<hbm>>
      %dma_wait3A_52 = tpu.memref_squeeze %dma_wait3A_51 : memref<1x512xf32, #tpu.memory_space<hbm>> -> memref<512xf32, #tpu.memory_space<hbm>>
      %dma_wait3A_53 = tpu.memref_slice %arg6[%run_scoped3A_10, %mul3A_2] : memref<16x16384xf32, #tpu.memory_space<hbm>> -> memref<1x512xf32, #tpu.memory_space<hbm>>
      %dma_wait3A_54 = tpu.memref_squeeze %dma_wait3A_53 : memref<1x512xf32, #tpu.memory_space<hbm>> -> memref<512xf32, #tpu.memory_space<hbm>>
      %dma_wait3A_55 = arith.constant 0 : i32
      %dma_wait3A_56 = tpu.memref_slice %arg11[%run_scoped3A_9, %dma_wait3A_55] : memref<16x512xf32, #tpu.memory_space<vmem>> -> memref<1x512xf32, #tpu.memory_space<vmem>>
      %dma_wait3A_57 = tpu.memref_squeeze %dma_wait3A_56 : memref<1x512xf32, #tpu.memory_space<vmem>> -> memref<512xf32, #tpu.memory_space<vmem>>
      tpu.wait_dma2 semaphore(%run_scoped3A_39 : memref<!tpu.dma_semaphore, #tpu.memory_space<semaphore_mem>>) src(%dma_wait3A_57 : memref<512xf32, #tpu.memory_space<vmem>>) dst(%dma_wait3A_54 : memref<512xf32, #tpu.memory_space<hbm>>)
      tpu.yield
    }) : () -> ()
    %run_scoped3A_11 = arith.constant 2 : i32
    %run_scoped3A_12 = arith.constant 2 : i32
    "tpu.region"() ({
      %run_scoped3A_39 = tpu.sem_alloc : memref<!tpu.dma_semaphore, #tpu.memory_space<semaphore_mem>>
      %dma_start3A = arith.constant 0 : i32
      %dma_start3A_40 = tpu.memref_slice %arg11[%run_scoped3A_11, %dma_start3A] : memref<16x512xf32, #tpu.memory_space<vmem>> -> memref<1x512xf32, #tpu.memory_space<vmem>>
      %dma_start3A_41 = tpu.memref_squeeze %dma_start3A_40 : memref<1x512xf32, #tpu.memory_space<vmem>> -> memref<512xf32, #tpu.memory_space<vmem>>
      %dma_start3A_42 = tpu.memref_slice %arg6[%run_scoped3A_12, %mul3A_2] : memref<16x16384xf32, #tpu.memory_space<hbm>> -> memref<1x512xf32, #tpu.memory_space<hbm>>
      %dma_start3A_43 = tpu.memref_squeeze %dma_start3A_42 : memref<1x512xf32, #tpu.memory_space<hbm>> -> memref<512xf32, #tpu.memory_space<hbm>>
      %dma_start3A_44 = tpu.memref_slice %arg6[%run_scoped3A_12, %mul3A_2] : memref<16x16384xf32, #tpu.memory_space<hbm>> -> memref<1x512xf32, #tpu.memory_space<hbm>>
      %dma_start3A_45 = tpu.memref_squeeze %dma_start3A_44 : memref<1x512xf32, #tpu.memory_space<hbm>> -> memref<512xf32, #tpu.memory_space<hbm>>
      %dma_start3A_46 = arith.constant 0 : i32
      %dma_start3A_47 = tpu.memref_slice %arg11[%run_scoped3A_11, %dma_start3A_46] : memref<16x512xf32, #tpu.memory_space<vmem>> -> memref<1x512xf32, #tpu.memory_space<vmem>>
      %dma_start3A_48 = tpu.memref_squeeze %dma_start3A_47 : memref<1x512xf32, #tpu.memory_space<vmem>> -> memref<512xf32, #tpu.memory_space<vmem>>
      tpu.enqueue_dma source(%dma_start3A_48 : memref<512xf32, #tpu.memory_space<vmem>>) target(%dma_start3A_45 : memref<512xf32, #tpu.memory_space<hbm>>) target_semaphore(%run_scoped3A_39 : memref<!tpu.dma_semaphore, #tpu.memory_space<semaphore_mem>>)
      %dma_wait3A = arith.constant 0 : i32
      %dma_wait3A_49 = tpu.memref_slice %arg11[%run_scoped3A_11, %dma_wait3A] : memref<16x512xf32, #tpu.memory_space<vmem>> -> memref<1x512xf32, #tpu.memory_space<vmem>>
      %dma_wait3A_50 = tpu.memref_squeeze %dma_wait3A_49 : memref<1x512xf32, #tpu.memory_space<vmem>> -> memref<512xf32, #tpu.memory_space<vmem>>
      %dma_wait3A_51 = tpu.memref_slice %arg6[%run_scoped3A_12, %mul3A_2] : memref<16x16384xf32, #tpu.memory_space<hbm>> -> memref<1x512xf32, #tpu.memory_space<hbm>>
      %dma_wait3A_52 = tpu.memref_squeeze %dma_wait3A_51 : memref<1x512xf32, #tpu.memory_space<hbm>> -> memref<512xf32, #tpu.memory_space<hbm>>
      %dma_wait3A_53 = tpu.memref_slice %arg6[%run_scoped3A_12, %mul3A_2] : memref<16x16384xf32, #tpu.memory_space<hbm>> -> memref<1x512xf32, #tpu.memory_space<hbm>>
      %dma_wait3A_54 = tpu.memref_squeeze %dma_wait3A_53 : memref<1x512xf32, #tpu.memory_space<hbm>> -> memref<512xf32, #tpu.memory_space<hbm>>
      %dma_wait3A_55 = arith.constant 0 : i32
      %dma_wait3A_56 = tpu.memref_slice %arg11[%run_scoped3A_11, %dma_wait3A_55] : memref<16x512xf32, #tpu.memory_space<vmem>> -> memref<1x512xf32, #tpu.memory_space<vmem>>
      %dma_wait3A_57 = tpu.memref_squeeze %dma_wait3A_56 : memref<1x512xf32, #tpu.memory_space<vmem>> -> memref<512xf32, #tpu.memory_space<vmem>>
      tpu.wait_dma2 semaphore(%run_scoped3A_39 : memref<!tpu.dma_semaphore, #tpu.memory_space<semaphore_mem>>) src(%dma_wait3A_57 : memref<512xf32, #tpu.memory_space<vmem>>) dst(%dma_wait3A_54 : memref<512xf32, #tpu.memory_space<hbm>>)
      tpu.yield
    }) : () -> ()
    %run_scoped3A_13 = arith.constant 3 : i32
    %run_scoped3A_14 = arith.constant 3 : i32
    "tpu.region"() ({
      %run_scoped3A_39 = tpu.sem_alloc : memref<!tpu.dma_semaphore, #tpu.memory_space<semaphore_mem>>
      %dma_start3A = arith.constant 0 : i32
      %dma_start3A_40 = tpu.memref_slice %arg11[%run_scoped3A_13, %dma_start3A] : memref<16x512xf32, #tpu.memory_space<vmem>> -> memref<1x512xf32, #tpu.memory_space<vmem>>
      %dma_start3A_41 = tpu.memref_squeeze %dma_start3A_40 : memref<1x512xf32, #tpu.memory_space<vmem>> -> memref<512xf32, #tpu.memory_space<vmem>>
      %dma_start3A_42 = tpu.memref_slice %arg6[%run_scoped3A_14, %mul3A_2] : memref<16x16384xf32, #tpu.memory_space<hbm>> -> memref<1x512xf32, #tpu.memory_space<hbm>>
      %dma_start3A_43 = tpu.memref_squeeze %dma_start3A_42 : memref<1x512xf32, #tpu.memory_space<hbm>> -> memref<512xf32, #tpu.memory_space<hbm>>
      %dma_start3A_44 = tpu.memref_slice %arg6[%run_scoped3A_14, %mul3A_2] : memref<16x16384xf32, #tpu.memory_space<hbm>> -> memref<1x512xf32, #tpu.memory_space<hbm>>
      %dma_start3A_45 = tpu.memref_squeeze %dma_start3A_44 : memref<1x512xf32, #tpu.memory_space<hbm>> -> memref<512xf32, #tpu.memory_space<hbm>>
      %dma_start3A_46 = arith.constant 0 : i32
      %dma_start3A_47 = tpu.memref_slice %arg11[%run_scoped3A_13, %dma_start3A_46] : memref<16x512xf32, #tpu.memory_space<vmem>> -> memref<1x512xf32, #tpu.memory_space<vmem>>
      %dma_start3A_48 = tpu.memref_squeeze %dma_start3A_47 : memref<1x512xf32, #tpu.memory_space<vmem>> -> memref<512xf32, #tpu.memory_space<vmem>>
      tpu.enqueue_dma source(%dma_start3A_48 : memref<512xf32, #tpu.memory_space<vmem>>) target(%dma_start3A_45 : memref<512xf32, #tpu.memory_space<hbm>>) target_semaphore(%run_scoped3A_39 : memref<!tpu.dma_semaphore, #tpu.memory_space<semaphore_mem>>)
      %dma_wait3A = arith.constant 0 : i32
      %dma_wait3A_49 = tpu.memref_slice %arg11[%run_scoped3A_13, %dma_wait3A] : memref<16x512xf32, #tpu.memory_space<vmem>> -> memref<1x512xf32, #tpu.memory_space<vmem>>
      %dma_wait3A_50 = tpu.memref_squeeze %dma_wait3A_49 : memref<1x512xf32, #tpu.memory_space<vmem>> -> memref<512xf32, #tpu.memory_space<vmem>>
      %dma_wait3A_51 = tpu.memref_slice %arg6[%run_scoped3A_14, %mul3A_2] : memref<16x16384xf32, #tpu.memory_space<hbm>> -> memref<1x512xf32, #tpu.memory_space<hbm>>
      %dma_wait3A_52 = tpu.memref_squeeze %dma_wait3A_51 : memref<1x512xf32, #tpu.memory_space<hbm>> -> memref<512xf32, #tpu.memory_space<hbm>>
      %dma_wait3A_53 = tpu.memref_slice %arg6[%run_scoped3A_14, %mul3A_2] : memref<16x16384xf32, #tpu.memory_space<hbm>> -> memref<1x512xf32, #tpu.memory_space<hbm>>
      %dma_wait3A_54 = tpu.memref_squeeze %dma_wait3A_53 : memref<1x512xf32, #tpu.memory_space<hbm>> -> memref<512xf32, #tpu.memory_space<hbm>>
      %dma_wait3A_55 = arith.constant 0 : i32
      %dma_wait3A_56 = tpu.memref_slice %arg11[%run_scoped3A_13, %dma_wait3A_55] : memref<16x512xf32, #tpu.memory_space<vmem>> -> memref<1x512xf32, #tpu.memory_space<vmem>>
      %dma_wait3A_57 = tpu.memref_squeeze %dma_wait3A_56 : memref<1x512xf32, #tpu.memory_space<vmem>> -> memref<512xf32, #tpu.memory_space<vmem>>
      tpu.wait_dma2 semaphore(%run_scoped3A_39 : memref<!tpu.dma_semaphore, #tpu.memory_space<semaphore_mem>>) src(%dma_wait3A_57 : memref<512xf32, #tpu.memory_space<vmem>>) dst(%dma_wait3A_54 : memref<512xf32, #tpu.memory_space<hbm>>)
      tpu.yield
    }) : () -> ()
    %run_scoped3A_15 = arith.constant 4 : i32
    %run_scoped3A_16 = arith.constant 4 : i32
    "tpu.region"() ({
      %run_scoped3A_39 = tpu.sem_alloc : memref<!tpu.dma_semaphore, #tpu.memory_space<semaphore_mem>>
      %dma_start3A = arith.constant 0 : i32
      %dma_start3A_40 = tpu.memref_slice %arg11[%run_scoped3A_15, %dma_start3A] : memref<16x512xf32, #tpu.memory_space<vmem>> -> memref<1x512xf32, #tpu.memory_space<vmem>>
      %dma_start3A_41 = tpu.memref_squeeze %dma_start3A_40 : memref<1x512xf32, #tpu.memory_space<vmem>> -> memref<512xf32, #tpu.memory_space<vmem>>
      %dma_start3A_42 = tpu.memref_slice %arg6[%run_scoped3A_16, %mul3A_2] : memref<16x16384xf32, #tpu.memory_space<hbm>> -> memref<1x512xf32, #tpu.memory_space<hbm>>
      %dma_start3A_43 = tpu.memref_squeeze %dma_start3A_42 : memref<1x512xf32, #tpu.memory_space<hbm>> -> memref<512xf32, #tpu.memory_space<hbm>>
      %dma_start3A_44 = tpu.memref_slice %arg6[%run_scoped3A_16, %mul3A_2] : memref<16x16384xf32, #tpu.memory_space<hbm>> -> memref<1x512xf32, #tpu.memory_space<hbm>>
      %dma_start3A_45 = tpu.memref_squeeze %dma_start3A_44 : memref<1x512xf32, #tpu.memory_space<hbm>> -> memref<512xf32, #tpu.memory_space<hbm>>
      %dma_start3A_46 = arith.constant 0 : i32
      %dma_start3A_47 = tpu.memref_slice %arg11[%run_scoped3A_15, %dma_start3A_46] : memref<16x512xf32, #tpu.memory_space<vmem>> -> memref<1x512xf32, #tpu.memory_space<vmem>>
      %dma_start3A_48 = tpu.memref_squeeze %dma_start3A_47 : memref<1x512xf32, #tpu.memory_space<vmem>> -> memref<512xf32, #tpu.memory_space<vmem>>
      tpu.enqueue_dma source(%dma_start3A_48 : memref<512xf32, #tpu.memory_space<vmem>>) target(%dma_start3A_45 : memref<512xf32, #tpu.memory_space<hbm>>) target_semaphore(%run_scoped3A_39 : memref<!tpu.dma_semaphore, #tpu.memory_space<semaphore_mem>>)
      %dma_wait3A = arith.constant 0 : i32
      %dma_wait3A_49 = tpu.memref_slice %arg11[%run_scoped3A_15, %dma_wait3A] : memref<16x512xf32, #tpu.memory_space<vmem>> -> memref<1x512xf32, #tpu.memory_space<vmem>>
      %dma_wait3A_50 = tpu.memref_squeeze %dma_wait3A_49 : memref<1x512xf32, #tpu.memory_space<vmem>> -> memref<512xf32, #tpu.memory_space<vmem>>
      %dma_wait3A_51 = tpu.memref_slice %arg6[%run_scoped3A_16, %mul3A_2] : memref<16x16384xf32, #tpu.memory_space<hbm>> -> memref<1x512xf32, #tpu.memory_space<hbm>>
      %dma_wait3A_52 = tpu.memref_squeeze %dma_wait3A_51 : memref<1x512xf32, #tpu.memory_space<hbm>> -> memref<512xf32, #tpu.memory_space<hbm>>
      %dma_wait3A_53 = tpu.memref_slice %arg6[%run_scoped3A_16, %mul3A_2] : memref<16x16384xf32, #tpu.memory_space<hbm>> -> memref<1x512xf32, #tpu.memory_space<hbm>>
      %dma_wait3A_54 = tpu.memref_squeeze %dma_wait3A_53 : memref<1x512xf32, #tpu.memory_space<hbm>> -> memref<512xf32, #tpu.memory_space<hbm>>
      %dma_wait3A_55 = arith.constant 0 : i32
      %dma_wait3A_56 = tpu.memref_slice %arg11[%run_scoped3A_15, %dma_wait3A_55] : memref<16x512xf32, #tpu.memory_space<vmem>> -> memref<1x512xf32, #tpu.memory_space<vmem>>
      %dma_wait3A_57 = tpu.memref_squeeze %dma_wait3A_56 : memref<1x512xf32, #tpu.memory_space<vmem>> -> memref<512xf32, #tpu.memory_space<vmem>>
      tpu.wait_dma2 semaphore(%run_scoped3A_39 : memref<!tpu.dma_semaphore, #tpu.memory_space<semaphore_mem>>) src(%dma_wait3A_57 : memref<512xf32, #tpu.memory_space<vmem>>) dst(%dma_wait3A_54 : memref<512xf32, #tpu.memory_space<hbm>>)
      tpu.yield
    }) : () -> ()
    %run_scoped3A_17 = arith.constant 5 : i32
    %run_scoped3A_18 = arith.constant 5 : i32
    "tpu.region"() ({
      %run_scoped3A_39 = tpu.sem_alloc : memref<!tpu.dma_semaphore, #tpu.memory_space<semaphore_mem>>
      %dma_start3A = arith.constant 0 : i32
      %dma_start3A_40 = tpu.memref_slice %arg11[%run_scoped3A_17, %dma_start3A] : memref<16x512xf32, #tpu.memory_space<vmem>> -> memref<1x512xf32, #tpu.memory_space<vmem>>
      %dma_start3A_41 = tpu.memref_squeeze %dma_start3A_40 : memref<1x512xf32, #tpu.memory_space<vmem>> -> memref<512xf32, #tpu.memory_space<vmem>>
      %dma_start3A_42 = tpu.memref_slice %arg6[%run_scoped3A_18, %mul3A_2] : memref<16x16384xf32, #tpu.memory_space<hbm>> -> memref<1x512xf32, #tpu.memory_space<hbm>>
      %dma_start3A_43 = tpu.memref_squeeze %dma_start3A_42 : memref<1x512xf32, #tpu.memory_space<hbm>> -> memref<512xf32, #tpu.memory_space<hbm>>
      %dma_start3A_44 = tpu.memref_slice %arg6[%run_scoped3A_18, %mul3A_2] : memref<16x16384xf32, #tpu.memory_space<hbm>> -> memref<1x512xf32, #tpu.memory_space<hbm>>
      %dma_start3A_45 = tpu.memref_squeeze %dma_start3A_44 : memref<1x512xf32, #tpu.memory_space<hbm>> -> memref<512xf32, #tpu.memory_space<hbm>>
      %dma_start3A_46 = arith.constant 0 : i32
      %dma_start3A_47 = tpu.memref_slice %arg11[%run_scoped3A_17, %dma_start3A_46] : memref<16x512xf32, #tpu.memory_space<vmem>> -> memref<1x512xf32, #tpu.memory_space<vmem>>
      %dma_start3A_48 = tpu.memref_squeeze %dma_start3A_47 : memref<1x512xf32, #tpu.memory_space<vmem>> -> memref<512xf32, #tpu.memory_space<vmem>>
      tpu.enqueue_dma source(%dma_start3A_48 : memref<512xf32, #tpu.memory_space<vmem>>) target(%dma_start3A_45 : memref<512xf32, #tpu.memory_space<hbm>>) target_semaphore(%run_scoped3A_39 : memref<!tpu.dma_semaphore, #tpu.memory_space<semaphore_mem>>)
      %dma_wait3A = arith.constant 0 : i32
      %dma_wait3A_49 = tpu.memref_slice %arg11[%run_scoped3A_17, %dma_wait3A] : memref<16x512xf32, #tpu.memory_space<vmem>> -> memref<1x512xf32, #tpu.memory_space<vmem>>
      %dma_wait3A_50 = tpu.memref_squeeze %dma_wait3A_49 : memref<1x512xf32, #tpu.memory_space<vmem>> -> memref<512xf32, #tpu.memory_space<vmem>>
      %dma_wait3A_51 = tpu.memref_slice %arg6[%run_scoped3A_18, %mul3A_2] : memref<16x16384xf32, #tpu.memory_space<hbm>> -> memref<1x512xf32, #tpu.memory_space<hbm>>
      %dma_wait3A_52 = tpu.memref_squeeze %dma_wait3A_51 : memref<1x512xf32, #tpu.memory_space<hbm>> -> memref<512xf32, #tpu.memory_space<hbm>>
      %dma_wait3A_53 = tpu.memref_slice %arg6[%run_scoped3A_18, %mul3A_2] : memref<16x16384xf32, #tpu.memory_space<hbm>> -> memref<1x512xf32, #tpu.memory_space<hbm>>
      %dma_wait3A_54 = tpu.memref_squeeze %dma_wait3A_53 : memref<1x512xf32, #tpu.memory_space<hbm>> -> memref<512xf32, #tpu.memory_space<hbm>>
      %dma_wait3A_55 = arith.constant 0 : i32
      %dma_wait3A_56 = tpu.memref_slice %arg11[%run_scoped3A_17, %dma_wait3A_55] : memref<16x512xf32, #tpu.memory_space<vmem>> -> memref<1x512xf32, #tpu.memory_space<vmem>>
      %dma_wait3A_57 = tpu.memref_squeeze %dma_wait3A_56 : memref<1x512xf32, #tpu.memory_space<vmem>> -> memref<512xf32, #tpu.memory_space<vmem>>
      tpu.wait_dma2 semaphore(%run_scoped3A_39 : memref<!tpu.dma_semaphore, #tpu.memory_space<semaphore_mem>>) src(%dma_wait3A_57 : memref<512xf32, #tpu.memory_space<vmem>>) dst(%dma_wait3A_54 : memref<512xf32, #tpu.memory_space<hbm>>)
      tpu.yield
    }) : () -> ()
    %run_scoped3A_19 = arith.constant 6 : i32
    %run_scoped3A_20 = arith.constant 6 : i32
    "tpu.region"() ({
      %run_scoped3A_39 = tpu.sem_alloc : memref<!tpu.dma_semaphore, #tpu.memory_space<semaphore_mem>>
      %dma_start3A = arith.constant 0 : i32
      %dma_start3A_40 = tpu.memref_slice %arg11[%run_scoped3A_19, %dma_start3A] : memref<16x512xf32, #tpu.memory_space<vmem>> -> memref<1x512xf32, #tpu.memory_space<vmem>>
      %dma_start3A_41 = tpu.memref_squeeze %dma_start3A_40 : memref<1x512xf32, #tpu.memory_space<vmem>> -> memref<512xf32, #tpu.memory_space<vmem>>
      %dma_start3A_42 = tpu.memref_slice %arg6[%run_scoped3A_20, %mul3A_2] : memref<16x16384xf32, #tpu.memory_space<hbm>> -> memref<1x512xf32, #tpu.memory_space<hbm>>
      %dma_start3A_43 = tpu.memref_squeeze %dma_start3A_42 : memref<1x512xf32, #tpu.memory_space<hbm>> -> memref<512xf32, #tpu.memory_space<hbm>>
      %dma_start3A_44 = tpu.memref_slice %arg6[%run_scoped3A_20, %mul3A_2] : memref<16x16384xf32, #tpu.memory_space<hbm>> -> memref<1x512xf32, #tpu.memory_space<hbm>>
      %dma_start3A_45 = tpu.memref_squeeze %dma_start3A_44 : memref<1x512xf32, #tpu.memory_space<hbm>> -> memref<512xf32, #tpu.memory_space<hbm>>
      %dma_start3A_46 = arith.constant 0 : i32
      %dma_start3A_47 = tpu.memref_slice %arg11[%run_scoped3A_19, %dma_start3A_46] : memref<16x512xf32, #tpu.memory_space<vmem>> -> memref<1x512xf32, #tpu.memory_space<vmem>>
      %dma_start3A_48 = tpu.memref_squeeze %dma_start3A_47 : memref<1x512xf32, #tpu.memory_space<vmem>> -> memref<512xf32, #tpu.memory_space<vmem>>
      tpu.enqueue_dma source(%dma_start3A_48 : memref<512xf32, #tpu.memory_space<vmem>>) target(%dma_start3A_45 : memref<512xf32, #tpu.memory_space<hbm>>) target_semaphore(%run_scoped3A_39 : memref<!tpu.dma_semaphore, #tpu.memory_space<semaphore_mem>>)
      %dma_wait3A = arith.constant 0 : i32
      %dma_wait3A_49 = tpu.memref_slice %arg11[%run_scoped3A_19, %dma_wait3A] : memref<16x512xf32, #tpu.memory_space<vmem>> -> memref<1x512xf32, #tpu.memory_space<vmem>>
      %dma_wait3A_50 = tpu.memref_squeeze %dma_wait3A_49 : memref<1x512xf32, #tpu.memory_space<vmem>> -> memref<512xf32, #tpu.memory_space<vmem>>
      %dma_wait3A_51 = tpu.memref_slice %arg6[%run_scoped3A_20, %mul3A_2] : memref<16x16384xf32, #tpu.memory_space<hbm>> -> memref<1x512xf32, #tpu.memory_space<hbm>>
      %dma_wait3A_52 = tpu.memref_squeeze %dma_wait3A_51 : memref<1x512xf32, #tpu.memory_space<hbm>> -> memref<512xf32, #tpu.memory_space<hbm>>
      %dma_wait3A_53 = tpu.memref_slice %arg6[%run_scoped3A_20, %mul3A_2] : memref<16x16384xf32, #tpu.memory_space<hbm>> -> memref<1x512xf32, #tpu.memory_space<hbm>>
      %dma_wait3A_54 = tpu.memref_squeeze %dma_wait3A_53 : memref<1x512xf32, #tpu.memory_space<hbm>> -> memref<512xf32, #tpu.memory_space<hbm>>
      %dma_wait3A_55 = arith.constant 0 : i32
      %dma_wait3A_56 = tpu.memref_slice %arg11[%run_scoped3A_19, %dma_wait3A_55] : memref<16x512xf32, #tpu.memory_space<vmem>> -> memref<1x512xf32, #tpu.memory_space<vmem>>
      %dma_wait3A_57 = tpu.memref_squeeze %dma_wait3A_56 : memref<1x512xf32, #tpu.memory_space<vmem>> -> memref<512xf32, #tpu.memory_space<vmem>>
      tpu.wait_dma2 semaphore(%run_scoped3A_39 : memref<!tpu.dma_semaphore, #tpu.memory_space<semaphore_mem>>) src(%dma_wait3A_57 : memref<512xf32, #tpu.memory_space<vmem>>) dst(%dma_wait3A_54 : memref<512xf32, #tpu.memory_space<hbm>>)
      tpu.yield
    }) : () -> ()
    %run_scoped3A_21 = arith.constant 7 : i32
    %run_scoped3A_22 = arith.constant 7 : i32
    "tpu.region"() ({
      %run_scoped3A_39 = tpu.sem_alloc : memref<!tpu.dma_semaphore, #tpu.memory_space<semaphore_mem>>
      %dma_start3A = arith.constant 0 : i32
      %dma_start3A_40 = tpu.memref_slice %arg11[%run_scoped3A_21, %dma_start3A] : memref<16x512xf32, #tpu.memory_space<vmem>> -> memref<1x512xf32, #tpu.memory_space<vmem>>
      %dma_start3A_41 = tpu.memref_squeeze %dma_start3A_40 : memref<1x512xf32, #tpu.memory_space<vmem>> -> memref<512xf32, #tpu.memory_space<vmem>>
      %dma_start3A_42 = tpu.memref_slice %arg6[%run_scoped3A_22, %mul3A_2] : memref<16x16384xf32, #tpu.memory_space<hbm>> -> memref<1x512xf32, #tpu.memory_space<hbm>>
      %dma_start3A_43 = tpu.memref_squeeze %dma_start3A_42 : memref<1x512xf32, #tpu.memory_space<hbm>> -> memref<512xf32, #tpu.memory_space<hbm>>
      %dma_start3A_44 = tpu.memref_slice %arg6[%run_scoped3A_22, %mul3A_2] : memref<16x16384xf32, #tpu.memory_space<hbm>> -> memref<1x512xf32, #tpu.memory_space<hbm>>
      %dma_start3A_45 = tpu.memref_squeeze %dma_start3A_44 : memref<1x512xf32, #tpu.memory_space<hbm>> -> memref<512xf32, #tpu.memory_space<hbm>>
      %dma_start3A_46 = arith.constant 0 : i32
      %dma_start3A_47 = tpu.memref_slice %arg11[%run_scoped3A_21, %dma_start3A_46] : memref<16x512xf32, #tpu.memory_space<vmem>> -> memref<1x512xf32, #tpu.memory_space<vmem>>
      %dma_start3A_48 = tpu.memref_squeeze %dma_start3A_47 : memref<1x512xf32, #tpu.memory_space<vmem>> -> memref<512xf32, #tpu.memory_space<vmem>>
      tpu.enqueue_dma source(%dma_start3A_48 : memref<512xf32, #tpu.memory_space<vmem>>) target(%dma_start3A_45 : memref<512xf32, #tpu.memory_space<hbm>>) target_semaphore(%run_scoped3A_39 : memref<!tpu.dma_semaphore, #tpu.memory_space<semaphore_mem>>)
      %dma_wait3A = arith.constant 0 : i32
      %dma_wait3A_49 = tpu.memref_slice %arg11[%run_scoped3A_21, %dma_wait3A] : memref<16x512xf32, #tpu.memory_space<vmem>> -> memref<1x512xf32, #tpu.memory_space<vmem>>
      %dma_wait3A_50 = tpu.memref_squeeze %dma_wait3A_49 : memref<1x512xf32, #tpu.memory_space<vmem>> -> memref<512xf32, #tpu.memory_space<vmem>>
      %dma_wait3A_51 = tpu.memref_slice %arg6[%run_scoped3A_22, %mul3A_2] : memref<16x16384xf32, #tpu.memory_space<hbm>> -> memref<1x512xf32, #tpu.memory_space<hbm>>
      %dma_wait3A_52 = tpu.memref_squeeze %dma_wait3A_51 : memref<1x512xf32, #tpu.memory_space<hbm>> -> memref<512xf32, #tpu.memory_space<hbm>>
      %dma_wait3A_53 = tpu.memref_slice %arg6[%run_scoped3A_22, %mul3A_2] : memref<16x16384xf32, #tpu.memory_space<hbm>> -> memref<1x512xf32, #tpu.memory_space<hbm>>
      %dma_wait3A_54 = tpu.memref_squeeze %dma_wait3A_53 : memref<1x512xf32, #tpu.memory_space<hbm>> -> memref<512xf32, #tpu.memory_space<hbm>>
      %dma_wait3A_55 = arith.constant 0 : i32
      %dma_wait3A_56 = tpu.memref_slice %arg11[%run_scoped3A_21, %dma_wait3A_55] : memref<16x512xf32, #tpu.memory_space<vmem>> -> memref<1x512xf32, #tpu.memory_space<vmem>>
      %dma_wait3A_57 = tpu.memref_squeeze %dma_wait3A_56 : memref<1x512xf32, #tpu.memory_space<vmem>> -> memref<512xf32, #tpu.memory_space<vmem>>
      tpu.wait_dma2 semaphore(%run_scoped3A_39 : memref<!tpu.dma_semaphore, #tpu.memory_space<semaphore_mem>>) src(%dma_wait3A_57 : memref<512xf32, #tpu.memory_space<vmem>>) dst(%dma_wait3A_54 : memref<512xf32, #tpu.memory_space<hbm>>)
      tpu.yield
    }) : () -> ()
    %run_scoped3A_23 = arith.constant 8 : i32
    %run_scoped3A_24 = arith.constant 8 : i32
    "tpu.region"() ({
      %run_scoped3A_39 = tpu.sem_alloc : memref<!tpu.dma_semaphore, #tpu.memory_space<semaphore_mem>>
      %dma_start3A = arith.constant 0 : i32
      %dma_start3A_40 = tpu.memref_slice %arg11[%run_scoped3A_23, %dma_start3A] : memref<16x512xf32, #tpu.memory_space<vmem>> -> memref<1x512xf32, #tpu.memory_space<vmem>>
      %dma_start3A_41 = tpu.memref_squeeze %dma_start3A_40 : memref<1x512xf32, #tpu.memory_space<vmem>> -> memref<512xf32, #tpu.memory_space<vmem>>
      %dma_start3A_42 = tpu.memref_slice %arg6[%run_scoped3A_24, %mul3A_2] : memref<16x16384xf32, #tpu.memory_space<hbm>> -> memref<1x512xf32, #tpu.memory_space<hbm>>
      %dma_start3A_43 = tpu.memref_squeeze %dma_start3A_42 : memref<1x512xf32, #tpu.memory_space<hbm>> -> memref<512xf32, #tpu.memory_space<hbm>>
      %dma_start3A_44 = tpu.memref_slice %arg6[%run_scoped3A_24, %mul3A_2] : memref<16x16384xf32, #tpu.memory_space<hbm>> -> memref<1x512xf32, #tpu.memory_space<hbm>>
      %dma_start3A_45 = tpu.memref_squeeze %dma_start3A_44 : memref<1x512xf32, #tpu.memory_space<hbm>> -> memref<512xf32, #tpu.memory_space<hbm>>
      %dma_start3A_46 = arith.constant 0 : i32
      %dma_start3A_47 = tpu.memref_slice %arg11[%run_scoped3A_23, %dma_start3A_46] : memref<16x512xf32, #tpu.memory_space<vmem>> -> memref<1x512xf32, #tpu.memory_space<vmem>>
      %dma_start3A_48 = tpu.memref_squeeze %dma_start3A_47 : memref<1x512xf32, #tpu.memory_space<vmem>> -> memref<512xf32, #tpu.memory_space<vmem>>
      tpu.enqueue_dma source(%dma_start3A_48 : memref<512xf32, #tpu.memory_space<vmem>>) target(%dma_start3A_45 : memref<512xf32, #tpu.memory_space<hbm>>) target_semaphore(%run_scoped3A_39 : memref<!tpu.dma_semaphore, #tpu.memory_space<semaphore_mem>>)
      %dma_wait3A = arith.constant 0 : i32
      %dma_wait3A_49 = tpu.memref_slice %arg11[%run_scoped3A_23, %dma_wait3A] : memref<16x512xf32, #tpu.memory_space<vmem>> -> memref<1x512xf32, #tpu.memory_space<vmem>>
      %dma_wait3A_50 = tpu.memref_squeeze %dma_wait3A_49 : memref<1x512xf32, #tpu.memory_space<vmem>> -> memref<512xf32, #tpu.memory_space<vmem>>
      %dma_wait3A_51 = tpu.memref_slice %arg6[%run_scoped3A_24, %mul3A_2] : memref<16x16384xf32, #tpu.memory_space<hbm>> -> memref<1x512xf32, #tpu.memory_space<hbm>>
      %dma_wait3A_52 = tpu.memref_squeeze %dma_wait3A_51 : memref<1x512xf32, #tpu.memory_space<hbm>> -> memref<512xf32, #tpu.memory_space<hbm>>
      %dma_wait3A_53 = tpu.memref_slice %arg6[%run_scoped3A_24, %mul3A_2] : memref<16x16384xf32, #tpu.memory_space<hbm>> -> memref<1x512xf32, #tpu.memory_space<hbm>>
      %dma_wait3A_54 = tpu.memref_squeeze %dma_wait3A_53 : memref<1x512xf32, #tpu.memory_space<hbm>> -> memref<512xf32, #tpu.memory_space<hbm>>
      %dma_wait3A_55 = arith.constant 0 : i32
      %dma_wait3A_56 = tpu.memref_slice %arg11[%run_scoped3A_23, %dma_wait3A_55] : memref<16x512xf32, #tpu.memory_space<vmem>> -> memref<1x512xf32, #tpu.memory_space<vmem>>
      %dma_wait3A_57 = tpu.memref_squeeze %dma_wait3A_56 : memref<1x512xf32, #tpu.memory_space<vmem>> -> memref<512xf32, #tpu.memory_space<vmem>>
      tpu.wait_dma2 semaphore(%run_scoped3A_39 : memref<!tpu.dma_semaphore, #tpu.memory_space<semaphore_mem>>) src(%dma_wait3A_57 : memref<512xf32, #tpu.memory_space<vmem>>) dst(%dma_wait3A_54 : memref<512xf32, #tpu.memory_space<hbm>>)
      tpu.yield
    }) : () -> ()
    %run_scoped3A_25 = arith.constant 9 : i32
    %run_scoped3A_26 = arith.constant 9 : i32
    "tpu.region"() ({
      %run_scoped3A_39 = tpu.sem_alloc : memref<!tpu.dma_semaphore, #tpu.memory_space<semaphore_mem>>
      %dma_start3A = arith.constant 0 : i32
      %dma_start3A_40 = tpu.memref_slice %arg11[%run_scoped3A_25, %dma_start3A] : memref<16x512xf32, #tpu.memory_space<vmem>> -> memref<1x512xf32, #tpu.memory_space<vmem>>
      %dma_start3A_41 = tpu.memref_squeeze %dma_start3A_40 : memref<1x512xf32, #tpu.memory_space<vmem>> -> memref<512xf32, #tpu.memory_space<vmem>>
      %dma_start3A_42 = tpu.memref_slice %arg6[%run_scoped3A_26, %mul3A_2] : memref<16x16384xf32, #tpu.memory_space<hbm>> -> memref<1x512xf32, #tpu.memory_space<hbm>>
      %dma_start3A_43 = tpu.memref_squeeze %dma_start3A_42 : memref<1x512xf32, #tpu.memory_space<hbm>> -> memref<512xf32, #tpu.memory_space<hbm>>
      %dma_start3A_44 = tpu.memref_slice %arg6[%run_scoped3A_26, %mul3A_2] : memref<16x16384xf32, #tpu.memory_space<hbm>> -> memref<1x512xf32, #tpu.memory_space<hbm>>
      %dma_start3A_45 = tpu.memref_squeeze %dma_start3A_44 : memref<1x512xf32, #tpu.memory_space<hbm>> -> memref<512xf32, #tpu.memory_space<hbm>>
      %dma_start3A_46 = arith.constant 0 : i32
      %dma_start3A_47 = tpu.memref_slice %arg11[%run_scoped3A_25, %dma_start3A_46] : memref<16x512xf32, #tpu.memory_space<vmem>> -> memref<1x512xf32, #tpu.memory_space<vmem>>
      %dma_start3A_48 = tpu.memref_squeeze %dma_start3A_47 : memref<1x512xf32, #tpu.memory_space<vmem>> -> memref<512xf32, #tpu.memory_space<vmem>>
      tpu.enqueue_dma source(%dma_start3A_48 : memref<512xf32, #tpu.memory_space<vmem>>) target(%dma_start3A_45 : memref<512xf32, #tpu.memory_space<hbm>>) target_semaphore(%run_scoped3A_39 : memref<!tpu.dma_semaphore, #tpu.memory_space<semaphore_mem>>)
      %dma_wait3A = arith.constant 0 : i32
      %dma_wait3A_49 = tpu.memref_slice %arg11[%run_scoped3A_25, %dma_wait3A] : memref<16x512xf32, #tpu.memory_space<vmem>> -> memref<1x512xf32, #tpu.memory_space<vmem>>
      %dma_wait3A_50 = tpu.memref_squeeze %dma_wait3A_49 : memref<1x512xf32, #tpu.memory_space<vmem>> -> memref<512xf32, #tpu.memory_space<vmem>>
      %dma_wait3A_51 = tpu.memref_slice %arg6[%run_scoped3A_26, %mul3A_2] : memref<16x16384xf32, #tpu.memory_space<hbm>> -> memref<1x512xf32, #tpu.memory_space<hbm>>
      %dma_wait3A_52 = tpu.memref_squeeze %dma_wait3A_51 : memref<1x512xf32, #tpu.memory_space<hbm>> -> memref<512xf32, #tpu.memory_space<hbm>>
      %dma_wait3A_53 = tpu.memref_slice %arg6[%run_scoped3A_26, %mul3A_2] : memref<16x16384xf32, #tpu.memory_space<hbm>> -> memref<1x512xf32, #tpu.memory_space<hbm>>
      %dma_wait3A_54 = tpu.memref_squeeze %dma_wait3A_53 : memref<1x512xf32, #tpu.memory_space<hbm>> -> memref<512xf32, #tpu.memory_space<hbm>>
      %dma_wait3A_55 = arith.constant 0 : i32
      %dma_wait3A_56 = tpu.memref_slice %arg11[%run_scoped3A_25, %dma_wait3A_55] : memref<16x512xf32, #tpu.memory_space<vmem>> -> memref<1x512xf32, #tpu.memory_space<vmem>>
      %dma_wait3A_57 = tpu.memref_squeeze %dma_wait3A_56 : memref<1x512xf32, #tpu.memory_space<vmem>> -> memref<512xf32, #tpu.memory_space<vmem>>
      tpu.wait_dma2 semaphore(%run_scoped3A_39 : memref<!tpu.dma_semaphore, #tpu.memory_space<semaphore_mem>>) src(%dma_wait3A_57 : memref<512xf32, #tpu.memory_space<vmem>>) dst(%dma_wait3A_54 : memref<512xf32, #tpu.memory_space<hbm>>)
      tpu.yield
    }) : () -> ()
    %run_scoped3A_27 = arith.constant 10 : i32
    %run_scoped3A_28 = arith.constant 10 : i32
    "tpu.region"() ({
      %run_scoped3A_39 = tpu.sem_alloc : memref<!tpu.dma_semaphore, #tpu.memory_space<semaphore_mem>>
      %dma_start3A = arith.constant 0 : i32
      %dma_start3A_40 = tpu.memref_slice %arg11[%run_scoped3A_27, %dma_start3A] : memref<16x512xf32, #tpu.memory_space<vmem>> -> memref<1x512xf32, #tpu.memory_space<vmem>>
      %dma_start3A_41 = tpu.memref_squeeze %dma_start3A_40 : memref<1x512xf32, #tpu.memory_space<vmem>> -> memref<512xf32, #tpu.memory_space<vmem>>
      %dma_start3A_42 = tpu.memref_slice %arg6[%run_scoped3A_28, %mul3A_2] : memref<16x16384xf32, #tpu.memory_space<hbm>> -> memref<1x512xf32, #tpu.memory_space<hbm>>
      %dma_start3A_43 = tpu.memref_squeeze %dma_start3A_42 : memref<1x512xf32, #tpu.memory_space<hbm>> -> memref<512xf32, #tpu.memory_space<hbm>>
      %dma_start3A_44 = tpu.memref_slice %arg6[%run_scoped3A_28, %mul3A_2] : memref<16x16384xf32, #tpu.memory_space<hbm>> -> memref<1x512xf32, #tpu.memory_space<hbm>>
      %dma_start3A_45 = tpu.memref_squeeze %dma_start3A_44 : memref<1x512xf32, #tpu.memory_space<hbm>> -> memref<512xf32, #tpu.memory_space<hbm>>
      %dma_start3A_46 = arith.constant 0 : i32
      %dma_start3A_47 = tpu.memref_slice %arg11[%run_scoped3A_27, %dma_start3A_46] : memref<16x512xf32, #tpu.memory_space<vmem>> -> memref<1x512xf32, #tpu.memory_space<vmem>>
      %dma_start3A_48 = tpu.memref_squeeze %dma_start3A_47 : memref<1x512xf32, #tpu.memory_space<vmem>> -> memref<512xf32, #tpu.memory_space<vmem>>
      tpu.enqueue_dma source(%dma_start3A_48 : memref<512xf32, #tpu.memory_space<vmem>>) target(%dma_start3A_45 : memref<512xf32, #tpu.memory_space<hbm>>) target_semaphore(%run_scoped3A_39 : memref<!tpu.dma_semaphore, #tpu.memory_space<semaphore_mem>>)
      %dma_wait3A = arith.constant 0 : i32
      %dma_wait3A_49 = tpu.memref_slice %arg11[%run_scoped3A_27, %dma_wait3A] : memref<16x512xf32, #tpu.memory_space<vmem>> -> memref<1x512xf32, #tpu.memory_space<vmem>>
      %dma_wait3A_50 = tpu.memref_squeeze %dma_wait3A_49 : memref<1x512xf32, #tpu.memory_space<vmem>> -> memref<512xf32, #tpu.memory_space<vmem>>
      %dma_wait3A_51 = tpu.memref_slice %arg6[%run_scoped3A_28, %mul3A_2] : memref<16x16384xf32, #tpu.memory_space<hbm>> -> memref<1x512xf32, #tpu.memory_space<hbm>>
      %dma_wait3A_52 = tpu.memref_squeeze %dma_wait3A_51 : memref<1x512xf32, #tpu.memory_space<hbm>> -> memref<512xf32, #tpu.memory_space<hbm>>
      %dma_wait3A_53 = tpu.memref_slice %arg6[%run_scoped3A_28, %mul3A_2] : memref<16x16384xf32, #tpu.memory_space<hbm>> -> memref<1x512xf32, #tpu.memory_space<hbm>>
      %dma_wait3A_54 = tpu.memref_squeeze %dma_wait3A_53 : memref<1x512xf32, #tpu.memory_space<hbm>> -> memref<512xf32, #tpu.memory_space<hbm>>
      %dma_wait3A_55 = arith.constant 0 : i32
      %dma_wait3A_56 = tpu.memref_slice %arg11[%run_scoped3A_27, %dma_wait3A_55] : memref<16x512xf32, #tpu.memory_space<vmem>> -> memref<1x512xf32, #tpu.memory_space<vmem>>
      %dma_wait3A_57 = tpu.memref_squeeze %dma_wait3A_56 : memref<1x512xf32, #tpu.memory_space<vmem>> -> memref<512xf32, #tpu.memory_space<vmem>>
      tpu.wait_dma2 semaphore(%run_scoped3A_39 : memref<!tpu.dma_semaphore, #tpu.memory_space<semaphore_mem>>) src(%dma_wait3A_57 : memref<512xf32, #tpu.memory_space<vmem>>) dst(%dma_wait3A_54 : memref<512xf32, #tpu.memory_space<hbm>>)
      tpu.yield
    }) : () -> ()
    %run_scoped3A_29 = arith.constant 11 : i32
    %run_scoped3A_30 = arith.constant 11 : i32
    "tpu.region"() ({
      %run_scoped3A_39 = tpu.sem_alloc : memref<!tpu.dma_semaphore, #tpu.memory_space<semaphore_mem>>
      %dma_start3A = arith.constant 0 : i32
      %dma_start3A_40 = tpu.memref_slice %arg11[%run_scoped3A_29, %dma_start3A] : memref<16x512xf32, #tpu.memory_space<vmem>> -> memref<1x512xf32, #tpu.memory_space<vmem>>
      %dma_start3A_41 = tpu.memref_squeeze %dma_start3A_40 : memref<1x512xf32, #tpu.memory_space<vmem>> -> memref<512xf32, #tpu.memory_space<vmem>>
      %dma_start3A_42 = tpu.memref_slice %arg6[%run_scoped3A_30, %mul3A_2] : memref<16x16384xf32, #tpu.memory_space<hbm>> -> memref<1x512xf32, #tpu.memory_space<hbm>>
      %dma_start3A_43 = tpu.memref_squeeze %dma_start3A_42 : memref<1x512xf32, #tpu.memory_space<hbm>> -> memref<512xf32, #tpu.memory_space<hbm>>
      %dma_start3A_44 = tpu.memref_slice %arg6[%run_scoped3A_30, %mul3A_2] : memref<16x16384xf32, #tpu.memory_space<hbm>> -> memref<1x512xf32, #tpu.memory_space<hbm>>
      %dma_start3A_45 = tpu.memref_squeeze %dma_start3A_44 : memref<1x512xf32, #tpu.memory_space<hbm>> -> memref<512xf32, #tpu.memory_space<hbm>>
      %dma_start3A_46 = arith.constant 0 : i32
      %dma_start3A_47 = tpu.memref_slice %arg11[%run_scoped3A_29, %dma_start3A_46] : memref<16x512xf32, #tpu.memory_space<vmem>> -> memref<1x512xf32, #tpu.memory_space<vmem>>
      %dma_start3A_48 = tpu.memref_squeeze %dma_start3A_47 : memref<1x512xf32, #tpu.memory_space<vmem>> -> memref<512xf32, #tpu.memory_space<vmem>>
      tpu.enqueue_dma source(%dma_start3A_48 : memref<512xf32, #tpu.memory_space<vmem>>) target(%dma_start3A_45 : memref<512xf32, #tpu.memory_space<hbm>>) target_semaphore(%run_scoped3A_39 : memref<!tpu.dma_semaphore, #tpu.memory_space<semaphore_mem>>)
      %dma_wait3A = arith.constant 0 : i32
      %dma_wait3A_49 = tpu.memref_slice %arg11[%run_scoped3A_29, %dma_wait3A] : memref<16x512xf32, #tpu.memory_space<vmem>> -> memref<1x512xf32, #tpu.memory_space<vmem>>
      %dma_wait3A_50 = tpu.memref_squeeze %dma_wait3A_49 : memref<1x512xf32, #tpu.memory_space<vmem>> -> memref<512xf32, #tpu.memory_space<vmem>>
      %dma_wait3A_51 = tpu.memref_slice %arg6[%run_scoped3A_30, %mul3A_2] : memref<16x16384xf32, #tpu.memory_space<hbm>> -> memref<1x512xf32, #tpu.memory_space<hbm>>
      %dma_wait3A_52 = tpu.memref_squeeze %dma_wait3A_51 : memref<1x512xf32, #tpu.memory_space<hbm>> -> memref<512xf32, #tpu.memory_space<hbm>>
      %dma_wait3A_53 = tpu.memref_slice %arg6[%run_scoped3A_30, %mul3A_2] : memref<16x16384xf32, #tpu.memory_space<hbm>> -> memref<1x512xf32, #tpu.memory_space<hbm>>
      %dma_wait3A_54 = tpu.memref_squeeze %dma_wait3A_53 : memref<1x512xf32, #tpu.memory_space<hbm>> -> memref<512xf32, #tpu.memory_space<hbm>>
      %dma_wait3A_55 = arith.constant 0 : i32
      %dma_wait3A_56 = tpu.memref_slice %arg11[%run_scoped3A_29, %dma_wait3A_55] : memref<16x512xf32, #tpu.memory_space<vmem>> -> memref<1x512xf32, #tpu.memory_space<vmem>>
      %dma_wait3A_57 = tpu.memref_squeeze %dma_wait3A_56 : memref<1x512xf32, #tpu.memory_space<vmem>> -> memref<512xf32, #tpu.memory_space<vmem>>
      tpu.wait_dma2 semaphore(%run_scoped3A_39 : memref<!tpu.dma_semaphore, #tpu.memory_space<semaphore_mem>>) src(%dma_wait3A_57 : memref<512xf32, #tpu.memory_space<vmem>>) dst(%dma_wait3A_54 : memref<512xf32, #tpu.memory_space<hbm>>)
      tpu.yield
    }) : () -> ()
    %run_scoped3A_31 = arith.constant 12 : i32
    %run_scoped3A_32 = arith.constant 12 : i32
    "tpu.region"() ({
      %run_scoped3A_39 = tpu.sem_alloc : memref<!tpu.dma_semaphore, #tpu.memory_space<semaphore_mem>>
      %dma_start3A = arith.constant 0 : i32
      %dma_start3A_40 = tpu.memref_slice %arg11[%run_scoped3A_31, %dma_start3A] : memref<16x512xf32, #tpu.memory_space<vmem>> -> memref<1x512xf32, #tpu.memory_space<vmem>>
      %dma_start3A_41 = tpu.memref_squeeze %dma_start3A_40 : memref<1x512xf32, #tpu.memory_space<vmem>> -> memref<512xf32, #tpu.memory_space<vmem>>
      %dma_start3A_42 = tpu.memref_slice %arg6[%run_scoped3A_32, %mul3A_2] : memref<16x16384xf32, #tpu.memory_space<hbm>> -> memref<1x512xf32, #tpu.memory_space<hbm>>
      %dma_start3A_43 = tpu.memref_squeeze %dma_start3A_42 : memref<1x512xf32, #tpu.memory_space<hbm>> -> memref<512xf32, #tpu.memory_space<hbm>>
      %dma_start3A_44 = tpu.memref_slice %arg6[%run_scoped3A_32, %mul3A_2] : memref<16x16384xf32, #tpu.memory_space<hbm>> -> memref<1x512xf32, #tpu.memory_space<hbm>>
      %dma_start3A_45 = tpu.memref_squeeze %dma_start3A_44 : memref<1x512xf32, #tpu.memory_space<hbm>> -> memref<512xf32, #tpu.memory_space<hbm>>
      %dma_start3A_46 = arith.constant 0 : i32
      %dma_start3A_47 = tpu.memref_slice %arg11[%run_scoped3A_31, %dma_start3A_46] : memref<16x512xf32, #tpu.memory_space<vmem>> -> memref<1x512xf32, #tpu.memory_space<vmem>>
      %dma_start3A_48 = tpu.memref_squeeze %dma_start3A_47 : memref<1x512xf32, #tpu.memory_space<vmem>> -> memref<512xf32, #tpu.memory_space<vmem>>
      tpu.enqueue_dma source(%dma_start3A_48 : memref<512xf32, #tpu.memory_space<vmem>>) target(%dma_start3A_45 : memref<512xf32, #tpu.memory_space<hbm>>) target_semaphore(%run_scoped3A_39 : memref<!tpu.dma_semaphore, #tpu.memory_space<semaphore_mem>>)
      %dma_wait3A = arith.constant 0 : i32
      %dma_wait3A_49 = tpu.memref_slice %arg11[%run_scoped3A_31, %dma_wait3A] : memref<16x512xf32, #tpu.memory_space<vmem>> -> memref<1x512xf32, #tpu.memory_space<vmem>>
      %dma_wait3A_50 = tpu.memref_squeeze %dma_wait3A_49 : memref<1x512xf32, #tpu.memory_space<vmem>> -> memref<512xf32, #tpu.memory_space<vmem>>
      %dma_wait3A_51 = tpu.memref_slice %arg6[%run_scoped3A_32, %mul3A_2] : memref<16x16384xf32, #tpu.memory_space<hbm>> -> memref<1x512xf32, #tpu.memory_space<hbm>>
      %dma_wait3A_52 = tpu.memref_squeeze %dma_wait3A_51 : memref<1x512xf32, #tpu.memory_space<hbm>> -> memref<512xf32, #tpu.memory_space<hbm>>
      %dma_wait3A_53 = tpu.memref_slice %arg6[%run_scoped3A_32, %mul3A_2] : memref<16x16384xf32, #tpu.memory_space<hbm>> -> memref<1x512xf32, #tpu.memory_space<hbm>>
      %dma_wait3A_54 = tpu.memref_squeeze %dma_wait3A_53 : memref<1x512xf32, #tpu.memory_space<hbm>> -> memref<512xf32, #tpu.memory_space<hbm>>
      %dma_wait3A_55 = arith.constant 0 : i32
      %dma_wait3A_56 = tpu.memref_slice %arg11[%run_scoped3A_31, %dma_wait3A_55] : memref<16x512xf32, #tpu.memory_space<vmem>> -> memref<1x512xf32, #tpu.memory_space<vmem>>
      %dma_wait3A_57 = tpu.memref_squeeze %dma_wait3A_56 : memref<1x512xf32, #tpu.memory_space<vmem>> -> memref<512xf32, #tpu.memory_space<vmem>>
      tpu.wait_dma2 semaphore(%run_scoped3A_39 : memref<!tpu.dma_semaphore, #tpu.memory_space<semaphore_mem>>) src(%dma_wait3A_57 : memref<512xf32, #tpu.memory_space<vmem>>) dst(%dma_wait3A_54 : memref<512xf32, #tpu.memory_space<hbm>>)
      tpu.yield
    }) : () -> ()
    %run_scoped3A_33 = arith.constant 13 : i32
    %run_scoped3A_34 = arith.constant 13 : i32
    "tpu.region"() ({
      %run_scoped3A_39 = tpu.sem_alloc : memref<!tpu.dma_semaphore, #tpu.memory_space<semaphore_mem>>
      %dma_start3A = arith.constant 0 : i32
      %dma_start3A_40 = tpu.memref_slice %arg11[%run_scoped3A_33, %dma_start3A] : memref<16x512xf32, #tpu.memory_space<vmem>> -> memref<1x512xf32, #tpu.memory_space<vmem>>
      %dma_start3A_41 = tpu.memref_squeeze %dma_start3A_40 : memref<1x512xf32, #tpu.memory_space<vmem>> -> memref<512xf32, #tpu.memory_space<vmem>>
      %dma_start3A_42 = tpu.memref_slice %arg6[%run_scoped3A_34, %mul3A_2] : memref<16x16384xf32, #tpu.memory_space<hbm>> -> memref<1x512xf32, #tpu.memory_space<hbm>>
      %dma_start3A_43 = tpu.memref_squeeze %dma_start3A_42 : memref<1x512xf32, #tpu.memory_space<hbm>> -> memref<512xf32, #tpu.memory_space<hbm>>
      %dma_start3A_44 = tpu.memref_slice %arg6[%run_scoped3A_34, %mul3A_2] : memref<16x16384xf32, #tpu.memory_space<hbm>> -> memref<1x512xf32, #tpu.memory_space<hbm>>
      %dma_start3A_45 = tpu.memref_squeeze %dma_start3A_44 : memref<1x512xf32, #tpu.memory_space<hbm>> -> memref<512xf32, #tpu.memory_space<hbm>>
      %dma_start3A_46 = arith.constant 0 : i32
      %dma_start3A_47 = tpu.memref_slice %arg11[%run_scoped3A_33, %dma_start3A_46] : memref<16x512xf32, #tpu.memory_space<vmem>> -> memref<1x512xf32, #tpu.memory_space<vmem>>
      %dma_start3A_48 = tpu.memref_squeeze %dma_start3A_47 : memref<1x512xf32, #tpu.memory_space<vmem>> -> memref<512xf32, #tpu.memory_space<vmem>>
      tpu.enqueue_dma source(%dma_start3A_48 : memref<512xf32, #tpu.memory_space<vmem>>) target(%dma_start3A_45 : memref<512xf32, #tpu.memory_space<hbm>>) target_semaphore(%run_scoped3A_39 : memref<!tpu.dma_semaphore, #tpu.memory_space<semaphore_mem>>)
      %dma_wait3A = arith.constant 0 : i32
      %dma_wait3A_49 = tpu.memref_slice %arg11[%run_scoped3A_33, %dma_wait3A] : memref<16x512xf32, #tpu.memory_space<vmem>> -> memref<1x512xf32, #tpu.memory_space<vmem>>
      %dma_wait3A_50 = tpu.memref_squeeze %dma_wait3A_49 : memref<1x512xf32, #tpu.memory_space<vmem>> -> memref<512xf32, #tpu.memory_space<vmem>>
      %dma_wait3A_51 = tpu.memref_slice %arg6[%run_scoped3A_34, %mul3A_2] : memref<16x16384xf32, #tpu.memory_space<hbm>> -> memref<1x512xf32, #tpu.memory_space<hbm>>
      %dma_wait3A_52 = tpu.memref_squeeze %dma_wait3A_51 : memref<1x512xf32, #tpu.memory_space<hbm>> -> memref<512xf32, #tpu.memory_space<hbm>>
      %dma_wait3A_53 = tpu.memref_slice %arg6[%run_scoped3A_34, %mul3A_2] : memref<16x16384xf32, #tpu.memory_space<hbm>> -> memref<1x512xf32, #tpu.memory_space<hbm>>
      %dma_wait3A_54 = tpu.memref_squeeze %dma_wait3A_53 : memref<1x512xf32, #tpu.memory_space<hbm>> -> memref<512xf32, #tpu.memory_space<hbm>>
      %dma_wait3A_55 = arith.constant 0 : i32
      %dma_wait3A_56 = tpu.memref_slice %arg11[%run_scoped3A_33, %dma_wait3A_55] : memref<16x512xf32, #tpu.memory_space<vmem>> -> memref<1x512xf32, #tpu.memory_space<vmem>>
      %dma_wait3A_57 = tpu.memref_squeeze %dma_wait3A_56 : memref<1x512xf32, #tpu.memory_space<vmem>> -> memref<512xf32, #tpu.memory_space<vmem>>
      tpu.wait_dma2 semaphore(%run_scoped3A_39 : memref<!tpu.dma_semaphore, #tpu.memory_space<semaphore_mem>>) src(%dma_wait3A_57 : memref<512xf32, #tpu.memory_space<vmem>>) dst(%dma_wait3A_54 : memref<512xf32, #tpu.memory_space<hbm>>)
      tpu.yield
    }) : () -> ()
    %run_scoped3A_35 = arith.constant 14 : i32
    %run_scoped3A_36 = arith.constant 14 : i32
    "tpu.region"() ({
      %run_scoped3A_39 = tpu.sem_alloc : memref<!tpu.dma_semaphore, #tpu.memory_space<semaphore_mem>>
      %dma_start3A = arith.constant 0 : i32
      %dma_start3A_40 = tpu.memref_slice %arg11[%run_scoped3A_35, %dma_start3A] : memref<16x512xf32, #tpu.memory_space<vmem>> -> memref<1x512xf32, #tpu.memory_space<vmem>>
      %dma_start3A_41 = tpu.memref_squeeze %dma_start3A_40 : memref<1x512xf32, #tpu.memory_space<vmem>> -> memref<512xf32, #tpu.memory_space<vmem>>
      %dma_start3A_42 = tpu.memref_slice %arg6[%run_scoped3A_36, %mul3A_2] : memref<16x16384xf32, #tpu.memory_space<hbm>> -> memref<1x512xf32, #tpu.memory_space<hbm>>
      %dma_start3A_43 = tpu.memref_squeeze %dma_start3A_42 : memref<1x512xf32, #tpu.memory_space<hbm>> -> memref<512xf32, #tpu.memory_space<hbm>>
      %dma_start3A_44 = tpu.memref_slice %arg6[%run_scoped3A_36, %mul3A_2] : memref<16x16384xf32, #tpu.memory_space<hbm>> -> memref<1x512xf32, #tpu.memory_space<hbm>>
      %dma_start3A_45 = tpu.memref_squeeze %dma_start3A_44 : memref<1x512xf32, #tpu.memory_space<hbm>> -> memref<512xf32, #tpu.memory_space<hbm>>
      %dma_start3A_46 = arith.constant 0 : i32
      %dma_start3A_47 = tpu.memref_slice %arg11[%run_scoped3A_35, %dma_start3A_46] : memref<16x512xf32, #tpu.memory_space<vmem>> -> memref<1x512xf32, #tpu.memory_space<vmem>>
      %dma_start3A_48 = tpu.memref_squeeze %dma_start3A_47 : memref<1x512xf32, #tpu.memory_space<vmem>> -> memref<512xf32, #tpu.memory_space<vmem>>
      tpu.enqueue_dma source(%dma_start3A_48 : memref<512xf32, #tpu.memory_space<vmem>>) target(%dma_start3A_45 : memref<512xf32, #tpu.memory_space<hbm>>) target_semaphore(%run_scoped3A_39 : memref<!tpu.dma_semaphore, #tpu.memory_space<semaphore_mem>>)
      %dma_wait3A = arith.constant 0 : i32
      %dma_wait3A_49 = tpu.memref_slice %arg11[%run_scoped3A_35, %dma_wait3A] : memref<16x512xf32, #tpu.memory_space<vmem>> -> memref<1x512xf32, #tpu.memory_space<vmem>>
      %dma_wait3A_50 = tpu.memref_squeeze %dma_wait3A_49 : memref<1x512xf32, #tpu.memory_space<vmem>> -> memref<512xf32, #tpu.memory_space<vmem>>
      %dma_wait3A_51 = tpu.memref_slice %arg6[%run_scoped3A_36, %mul3A_2] : memref<16x16384xf32, #tpu.memory_space<hbm>> -> memref<1x512xf32, #tpu.memory_space<hbm>>
      %dma_wait3A_52 = tpu.memref_squeeze %dma_wait3A_51 : memref<1x512xf32, #tpu.memory_space<hbm>> -> memref<512xf32, #tpu.memory_space<hbm>>
      %dma_wait3A_53 = tpu.memref_slice %arg6[%run_scoped3A_36, %mul3A_2] : memref<16x16384xf32, #tpu.memory_space<hbm>> -> memref<1x512xf32, #tpu.memory_space<hbm>>
      %dma_wait3A_54 = tpu.memref_squeeze %dma_wait3A_53 : memref<1x512xf32, #tpu.memory_space<hbm>> -> memref<512xf32, #tpu.memory_space<hbm>>
      %dma_wait3A_55 = arith.constant 0 : i32
      %dma_wait3A_56 = tpu.memref_slice %arg11[%run_scoped3A_35, %dma_wait3A_55] : memref<16x512xf32, #tpu.memory_space<vmem>> -> memref<1x512xf32, #tpu.memory_space<vmem>>
      %dma_wait3A_57 = tpu.memref_squeeze %dma_wait3A_56 : memref<1x512xf32, #tpu.memory_space<vmem>> -> memref<512xf32, #tpu.memory_space<vmem>>
      tpu.wait_dma2 semaphore(%run_scoped3A_39 : memref<!tpu.dma_semaphore, #tpu.memory_space<semaphore_mem>>) src(%dma_wait3A_57 : memref<512xf32, #tpu.memory_space<vmem>>) dst(%dma_wait3A_54 : memref<512xf32, #tpu.memory_space<hbm>>)
      tpu.yield
    }) : () -> ()
    %run_scoped3A_37 = arith.constant 15 : i32
    %run_scoped3A_38 = arith.constant 15 : i32
    "tpu.region"() ({
      %run_scoped3A_39 = tpu.sem_alloc : memref<!tpu.dma_semaphore, #tpu.memory_space<semaphore_mem>>
      %dma_start3A = arith.constant 0 : i32
      %dma_start3A_40 = tpu.memref_slice %arg11[%run_scoped3A_37, %dma_start3A] : memref<16x512xf32, #tpu.memory_space<vmem>> -> memref<1x512xf32, #tpu.memory_space<vmem>>
      %dma_start3A_41 = tpu.memref_squeeze %dma_start3A_40 : memref<1x512xf32, #tpu.memory_space<vmem>> -> memref<512xf32, #tpu.memory_space<vmem>>
      %dma_start3A_42 = tpu.memref_slice %arg6[%run_scoped3A_38, %mul3A_2] : memref<16x16384xf32, #tpu.memory_space<hbm>> -> memref<1x512xf32, #tpu.memory_space<hbm>>
      %dma_start3A_43 = tpu.memref_squeeze %dma_start3A_42 : memref<1x512xf32, #tpu.memory_space<hbm>> -> memref<512xf32, #tpu.memory_space<hbm>>
      %dma_start3A_44 = tpu.memref_slice %arg6[%run_scoped3A_38, %mul3A_2] : memref<16x16384xf32, #tpu.memory_space<hbm>> -> memref<1x512xf32, #tpu.memory_space<hbm>>
      %dma_start3A_45 = tpu.memref_squeeze %dma_start3A_44 : memref<1x512xf32, #tpu.memory_space<hbm>> -> memref<512xf32, #tpu.memory_space<hbm>>
      %dma_start3A_46 = arith.constant 0 : i32
      %dma_start3A_47 = tpu.memref_slice %arg11[%run_scoped3A_37, %dma_start3A_46] : memref<16x512xf32, #tpu.memory_space<vmem>> -> memref<1x512xf32, #tpu.memory_space<vmem>>
      %dma_start3A_48 = tpu.memref_squeeze %dma_start3A_47 : memref<1x512xf32, #tpu.memory_space<vmem>> -> memref<512xf32, #tpu.memory_space<vmem>>
      tpu.enqueue_dma source(%dma_start3A_48 : memref<512xf32, #tpu.memory_space<vmem>>) target(%dma_start3A_45 : memref<512xf32, #tpu.memory_space<hbm>>) target_semaphore(%run_scoped3A_39 : memref<!tpu.dma_semaphore, #tpu.memory_space<semaphore_mem>>)
      %dma_wait3A = arith.constant 0 : i32
      %dma_wait3A_49 = tpu.memref_slice %arg11[%run_scoped3A_37, %dma_wait3A] : memref<16x512xf32, #tpu.memory_space<vmem>> -> memref<1x512xf32, #tpu.memory_space<vmem>>
      %dma_wait3A_50 = tpu.memref_squeeze %dma_wait3A_49 : memref<1x512xf32, #tpu.memory_space<vmem>> -> memref<512xf32, #tpu.memory_space<vmem>>
      %dma_wait3A_51 = tpu.memref_slice %arg6[%run_scoped3A_38, %mul3A_2] : memref<16x16384xf32, #tpu.memory_space<hbm>> -> memref<1x512xf32, #tpu.memory_space<hbm>>
      %dma_wait3A_52 = tpu.memref_squeeze %dma_wait3A_51 : memref<1x512xf32, #tpu.memory_space<hbm>> -> memref<512xf32, #tpu.memory_space<hbm>>
      %dma_wait3A_53 = tpu.memref_slice %arg6[%run_scoped3A_38, %mul3A_2] : memref<16x16384xf32, #tpu.memory_space<hbm>> -> memref<1x512xf32, #tpu.memory_space<hbm>>
      %dma_wait3A_54 = tpu.memref_squeeze %dma_wait3A_53 : memref<1x512xf32, #tpu.memory_space<hbm>> -> memref<512xf32, #tpu.memory_space<hbm>>
      %dma_wait3A_55 = arith.constant 0 : i32
      %dma_wait3A_56 = tpu.memref_slice %arg11[%run_scoped3A_37, %dma_wait3A_55] : memref<16x512xf32, #tpu.memory_space<vmem>> -> memref<1x512xf32, #tpu.memory_space<vmem>>
      %dma_wait3A_57 = tpu.memref_squeeze %dma_wait3A_56 : memref<1x512xf32, #tpu.memory_space<vmem>> -> memref<512xf32, #tpu.memory_space<vmem>>
      tpu.wait_dma2 semaphore(%run_scoped3A_39 : memref<!tpu.dma_semaphore, #tpu.memory_space<semaphore_mem>>) src(%dma_wait3A_57 : memref<512xf32, #tpu.memory_space<vmem>>) dst(%dma_wait3A_54 : memref<512xf32, #tpu.memory_space<hbm>>)
      tpu.yield
    }) : () -> ()
    return
  }
}

</mosaic_0001>

<sc_bundles>
// kernel: kernel.3.cloned.1.call-start
scs
__scs_entry_jumppad:
0x0: {  	(pc) =	sbr.rel $0x88, $3  }
0x1: {  	(tag) =	ssettag $0x0;
	lr =	simm.s32 $0x1  }
0x2: {  	[smem:$0x3F9D] =	sst lr;
	_ =	strace $0xD0000000  }
0x3: {  	_ = 	snop  }
0x4: {  	_ = 	snop  }
0x5: {  	_ = 	snop  }
0x6: {  	_ = 	snop  }
0x7: {  	_ = 	snop  }
__scs_overlays_trampoline_lowered:
0x8: {  	[smem:$0x3FAC] =	sst s0  }
0x9: {  	[smem:$0x3FAD] =	sst s1  }
0xa: {  	[smem:$0x3FAE] =	sst s2  }
0xb: {  	[smem:$0x3FAF] =	sst s3  }
0xc: {  	[smem:$0x3FB0] =	sst s4  }
0xd: {  	[smem:$0x3FB1] =	sst s5  }
0xe: {  	[smem:$0x3FB2] =	sst s6  }
0xf: {  	[smem:$0x3FB3] =	sst s7  }
0x10: {  	[smem:$0x3FB4] =	sst s8  }
0x11: {  	[smem:$0x3FB5] =	sst s9;
	s0 =	simm.s32 @!p0 $0x0  }
0x12: {  	s1 =	sld [smem:$0x3F9B];
	s0 =	simm.s32 @p0 $0x1  }
0x13: {  	[smem:$0x3FB6] =	sst s0;
	s0 =	simm.s32 @!p1 $0x0  }
0x14: {  	s2 =	sld [smem:$0x3F9A];
	s0 =	simm.s32 @p1 $0x1  }
0x15: {  	[smem:$0x3FB7] =	sst s0;
	s0 =	simm.s32 @!p2 $0x0  }
0x16: {  	s3 =	sld [smem:$0x3FDB];
	s0 =	simm.s32 @p2 $0x1  }
0x17: {  	s4 =	simm.s32 $0x1BF5;
	[smem:$0x3FB9] =	sst s0  }
0x18: {  	s0 =	sld [smem:$0x3F9C];
	_ =	swait.ge [sflag:s4], $0x0  }
0x19: {  	s7 =	sld [smem:$0x3F9D]  }
0x1a: {  	s8 =	sadd.s32 $0xFFFFE003, lr  }
0x1b: {  	s9 =	sadd.s32 $0xFFFFFEF7, lr;
	s5 =	simm.s32 $0xFFFFFFFF;
	p2 =	slt.u32 s8, $0xFFFFF086  }
0x1c: {  	p1 =	slt.u32 s9, $0xF7A;
	s5 =	simm.s32 @!p2 $0x0  }
0x1d: {  	s5 =	simm.s32 @p1 $0x1;
	p0 =	seq.s32 s7, s2  }
0x1e: {  	s7 =	smul.u32 @!p0 $0xF7A, s2;
	p2 =	seq.s32 @!p0 s5, $0x0  }
0x1f: {  	s9 =	smul.u32 $0xF7A, s1;
	s8 =	simm.s32 @!p0 $0x1BF5;
	p2 =	por !p2, p0  }
0x20: {  	[sflag:s8] =	ssyncset.s32 @!p0 $0xFFFFF086;
	s6 =	sadd.s32 @!p0 s3, s7;
	s7 =	simm.s32 @!p0 $0x108  }
0x21: {  	s3 =	sadd.s32 s3, s9;
	s6 =	sadd.s32 @!p0 $0x88, s6;
	s7 =	simm.s32 @p2 $0x1082  }
0x22: {  	[simem:s7], [sflag:s8] =	dma.local @!p0 [hbm:s6], $0xF7A  }
0x23: {  	s9 =	sor.u32 $0xD0000000, s2;
	s6 =	simm.s32 $0x108;
	_ =	swait.ge @!p0 [sflag:s8], $0x0  }
0x24: {  	s3 =	sadd.s32 $0x88, s3;
	s6 =	simm.s32 @!p1 $0x1082;
	[sflag:s4] =	ssyncset.s32 $0xFFFFF086  }
0x25: {  	[simem:s6], [sflag:s4] =	dma.local [hbm:s3], $0xF7A  }
0x26: {  	[smem:$0x3F9D] =	sst s1;
	(tag) =	ssettag s2;
	_ =	strace s9  }
0x27: {  	s1 =	sld [smem:$0x3FAD]  }
0x28: {  	s2 =	sld [smem:$0x3FAE]  }
0x29: {  	s4 =	sld [smem:$0x3FB0]  }
0x2a: {  	p0 =	seq.s32 s5, $0x0;
	s5 =	sld [smem:$0x3FB1]  }
0x2b: {  	s6 =	sld [smem:$0x3FB2]  }
0x2c: {  	s7 =	sld [smem:$0x3FB3]  }
0x2d: {  	s3 =	simm.s32 $0x108;
	s8 =	sld [smem:$0x3FB4]  }
0x2e: {  	s3 =	simm.s32 @!p0 $0x1082;
	s9 =	sld [smem:$0x3FB5]  }
0x2f: {  	lr =	sadd.s32 s0, s3;
	s0 =	sld [smem:$0x3FAC]  }
0x30: {  	s3 =	sld [smem:$0x3FAF]  }
0x31: {  	[smem:$0x3FB8] =	sst s10  }
0x32: {  	s10 =	sld [smem:$0x3FB6];
	_ =	sdelay $0x3  }
0x33: {  	p0 =	seq.s32 s10, $0x1;
	s10 =	sld [smem:$0x3FB8];
	_ =	sdelay $0x3  }
0x34: {  	[smem:$0x3FB8] =	sst s10  }
0x35: {  	s10 =	sld [smem:$0x3FB7];
	_ =	sdelay $0x3  }
0x36: {  	p1 =	seq.s32 s10, $0x1;
	s10 =	sld [smem:$0x3FB8];
	_ =	sdelay $0x3  }
0x37: {  	[smem:$0x3FB8] =	sst s10  }
0x38: {  	s10 =	sld [smem:$0x3FB9]  }
0x39: {  	_ = 	snop;
	(pc) =	sbr.ind lr, $3  }
0x3a: {  	_ = 	snop  }
0x3b: {  	_ = 	snop  }
0x3c: {  	p2 =	seq.s32 s10, $0x1;
	s10 =	sld [smem:$0x3FB8]  }
0x3d: {  	_ =	shalt  }
0x3e: {  	_ =	shalt  }
0x3f: {  	_ =	shalt  }
0x40: {  	_ =	shalt  }
0x41: {  	_ =	shalt  }
0x42: {  	_ =	shalt  }
0x43: {  	_ =	shalt  }
0x44: {  	_ =	shalt  }
0x45: {  	_ =	shalt  }
0x46: {  	_ =	shalt  }
0x47: {  	_ =	shalt  }
0x48: {  	_ =	shalt  }
0x49: {  	_ =	shalt  }
0x4a: {  	_ =	shalt  }
0x4b: {  	_ =	shalt  }
0x4c: {  	_ =	shalt  }
0x4d: {  	_ =	shalt  }
0x4e: {  	_ =	shalt  }
0x4f: {  	_ =	shalt  }
0x50: {  	_ =	shalt  }
0x51: {  	_ =	shalt  }
0x52: {  	_ =	shalt  }
0x53: {  	_ =	shalt  }
0x54: {  	_ =	shalt  }
0x55: {  	_ =	shalt  }
0x56: {  	_ =	shalt  }
0x57: {  	_ =	shalt  }
0x58: {  	_ =	shalt  }
0x59: {  	_ =	shalt  }
0x5a: {  	_ =	shalt  }
0x5b: {  	_ =	shalt  }
0x5c: {  	_ =	shalt  }
0x5d: {  	_ =	shalt  }
0x5e: {  	_ =	shalt  }
0x5f: {  	_ =	shalt  }
0x60: {  	_ =	shalt  }
0x61: {  	_ =	shalt  }
0x62: {  	_ =	shalt  }
0x63: {  	_ =	shalt  }
0x64: {  	_ =	shalt  }
0x65: {  	_ =	shalt  }
0x66: {  	_ =	shalt  }
0x67: {  	_ =	shalt  }
0x68: {  	_ =	shalt  }
0x69: {  	_ =	shalt  }
0x6a: {  	_ =	shalt  }
0x6b: {  	_ =	shalt  }
0x6c: {  	_ =	shalt  }
0x6d: {  	_ =	shalt  }
0x6e: {  	_ =	shalt  }
0x6f: {  	_ =	shalt  }
0x70: {  	_ =	shalt  }
0x71: {  	_ =	shalt  }
0x72: {  	_ =	shalt  }
0x73: {  	_ =	shalt  }
0x74: {  	_ =	shalt  }
0x75: {  	_ =	shalt  }
0x76: {  	_ =	shalt  }
0x77: {  	_ =	shalt  }
0x78: {  	_ =	shalt  }
0x79: {  	_ =	shalt  }
0x7a: {  	_ =	shalt  }
0x7b: {  	_ =	shalt  }
0x7c: {  	_ =	shalt  }
0x7d: {  	_ =	shalt  }
0x7e: {  	_ =	shalt  }
0x7f: {  	_ =	shalt  }
0x80: {  	_ =	shalt  }
0x81: {  	_ =	shalt  }
0x82: {  	_ =	shalt  }
0x83: {  	_ =	shalt  }
0x84: {  	_ =	shalt  }
0x85: {  	_ =	shalt  }
0x86: {  	_ =	shalt  }
0x87: {  	_ =	shalt  }
.Lfunc_end0:
.L_simem_size_0:
called_computation_lowered:
.L_overlay_start_0:
0x88: {  	s2 =	sld [smem:$0x3FD9]  }
0x89: {  	s3 =	sld [smem:$0x3FFE];
	_ =	sdelay $0x1  }
0x8a: {  	s1 =	srdreg.scid  }
0x8b: {  	s0 =	sand.u32 $0x1, s1  }
0x8c: {  	s18 =	sshll.u32 s0, $0xA;
	s2 =	sadd.s32 s3, s2  }
0x8d: {  	s2 =	sadd.s32 s2, s18  }
0x8e: {  	[smem:$0x3FC4] =	sst s2  }
0x8f: {  	_ = 	snop  }
0x90: {  	s2 =	sld [smem:$0x3FC9]  }
0x91: {  	s19 =	sld [smem:$0x3FC8]  }
0x92: {  	s4 =	sld [smem:$0x3FC7]  }
0x93: {  	s5 =	sld [smem:$0x3FC6]  }
0x94: {  	s6 =	sld [smem:$0x3FD0];
	(tm) =	ssettm $0x1  }
0x95: {  	s7 =	sld [smem:$0x3FFB];
	_ =	sdelay $0x3  }
0x96: {  	_ =	strace s7  }
0x97: {  	s7 =	sld [smem:$0x3FFC];
	_ =	sdelay $0x3  }
0x98: {  	_ =	strace s7  }
0x99: {  	s7 =	sld [smem:$0x3FFD];
	_ =	sdelay $0x3  }
0x9a: {  	_ =	strace s7  }
0x9b: {  	_ =	strace $0x8FFFFFFF  }
0x9c: {  	s20 =	sld [smem:$0x3FDB];
	_ =	sdelay $0x1  }
0x9d: {  	s8 =	simm.s32 $_scs_section_size  }
0x9e: {  	s9 =	simm.s32 $_size__tile_overlayer_lowered;
	s10 =	simm.s32 $_tile_overlayer_lowered  }
0x9f: {  	s23 =	simm.s32 $0x1BFF;
	s22 =	sshll.u32 s10, $0x1;
	s7 =	sadd.s32 s8, s20  }
0xa0: {  	s11 =	simm.s32 $0x0;
	s21 =	sshll.u32 s9, $0x1;
	s9 =	sadd.s32 s22, s7  }
0xa1: {  	[timem:s11], [sflag:s23] =	dma.local [hbm:s9], s21  }
0xa2: {  	_ =	swait.ge [sflag:s23], s21  }
0xa3: {  	s8 =	ssub.s32 $0x0, s21;
	[sflag:s23] =	ssyncset.done $0x0  }
0xa4: {  	[sflag:s23] =	ssyncadd.s32 s8;
	_ =	sdelay $0x1  }
0xa5: {  	s24 =	simm.s32 $0x1B8B  }
0xa6: {  	_ =	swait.ge [sflag:s24], $0x1  }
0xa7: {  	[sflag:s24] =	ssyncset.done $0x0  }
0xa8: {  	s25 =	simm.s32 $0x1B8E;
	[sflag:s24] =	ssyncadd.s32 $0xFFFFFFFF  }
0xa9: {  	s26 =	simm.s32 $execute0_lowered;
	[smem:$0x3FD2] =	sst s25  }
0xaa: {  	s8 =	sshll.u32 s26, $0x1;
	_ =	strace $0x80000046;
	[dreg:$0x1] =	wrdreg $0xFFFFFFFF  }
0xab: {  	s28 =	simm.s32 $_size_execute0_lowered;
	s7 =	sadd.s32 s7, s8;
	[dreg:$0x0] =	wrdreg $0x0  }
0xac: {  	s8 =	sshll.u32 s28, $0x1;
	[dreg:$0x2] =	wrdreg s7  }
0xad: {  	[dreg:$0x3] =	wrdreg s8  }
0xae: {  	[dreg:$0x4] =	wrdreg $0xC0  }
0xaf: {  	_ =	task [dreg:s11], $0x5FFFF  }
0xb0: {  	[dreg:$0x1] =	wrdreg $0xFFFFFFFF  }
0xb1: {  	[dreg:$0x0] =	wrdreg $0x60  }
0xb2: {  	[dreg:$0x2] =	wrdreg s2  }
0xb3: {  	[dreg:$0x3] =	wrdreg s19  }
0xb4: {  	[dreg:$0x4] =	wrdreg s4  }
0xb5: {  	[dreg:$0x5] =	wrdreg s5  }
0xb6: {  	[dreg:$0x6] =	wrdreg s6  }
0xb7: {  	[dreg:$0x7] =	wrdreg $0x9  }
0xb8: {  	_ =	task.clear_ibuf [dreg:s11], $0x8FFFF;
	_ =	strace $0x90000046  }
0xb9: {  	s29 =	simm.s32 $0x9;
	_ =	strace $0x80000048  }
0xba: {  	_ =	swait.ge [sflag:s29], $0x1  }
0xbb: {  	[sflag:s29] =	ssyncadd.s32 $0xFFFFFFFF  }
0xbc: {  	_ =	strace $0x90000048  }
0xbd: {  	_ =	sfence  }
0xbe: {  	s30 =	sld [smem:$0x0];
	_ =	sdelay $0x2  }
0xbf: {  	s31 =	sshll.u32 s1, $0xD;
	s1 =	sshrl.u32 s1, $0x2  }
0xc0: {  	s3 =	sand.u32 $0x4000, s31;
	s1 =	sadd.s32 s1, s30  }
0xc1: {  	s0 =	sor.u32 s3, s0;
	s1 =	sshll.u32 s1, $0x11  }
0xc2: {  	s0 =	sor.u32 s1, s0  }
0xc3: {  	s0 =	sadd.s32 $0x8F2B, s0  }
0xc4: {  	[sflag:s0] =	ssyncadd.remote.s32 $0x1  }
0xc5: {  	_ =	sfence.sel $0xFFFF  }
0xc6: {  	[dreg:$0x0] =	wrdreg $0xFFFFFFFF;
	(pc) =	sbr.abs _section_cstart, $3  }
0xc7: {  	[dreg:$0x1] =	wrdreg $0xFFFFFFFF  }
0xc8: {  	_ =	task.clear_ibuf [dreg:s11], $0x2FFFF;
	_ =	strace $0x9FFFFFFF  }
0xc9: {  	(tm) =	ssettm $0x7FFFFFFF  }
tec
execute0_lowered:
.L_overlay_start_1:
0x0: {  	(tag) =	ssettag $0x1  }
0x1: {  	s1 =	rddreg [dreg:$0x0]  }
0x2: {  	s3 =	rddreg [dreg:$0x1]  }
0x3: {  	s0 =	rddreg [dreg:$0x2]  }
0x4: {  	s18 =	rddreg [dreg:$0x3]  }
0x5: {  	s5 =	rddreg [dreg:$0x4]  }
0x6: {  	[dreg:$0x6] =	wrdreg s0  }
0x7: {  	s2 =	simm.s32 $0x0;
	[dreg:$0x7] =	wrdreg s18  }
0x8: {  	s20 =	simm.s32 $0xC00;
	[smem:$0x7FF] =	sst s2  }
0x9: {  	s21 =	simm.s32 $0x8C00;
	_ =	strace $0x80000047;
	[dreg:$0x8] =	wrdreg s20  }
0xa: {  	s8 =	simm.s32 $0x1400;
	[dreg:$0x9] =	wrdreg s21  }
0xb: {  	s22 =	simm.s32 $0x9400;
	[dreg:$0xa] =	wrdreg s8  }
0xc: {  	s24 =	simm.s32 $0x1C00;
	[dreg:$0xb] =	wrdreg s22  }
0xd: {  	s25 =	simm.s32 $0x9C00;
	[dreg:$0xc] =	wrdreg s24  }
0xe: {  	s26 =	simm.s32 $0x2400;
	[dreg:$0xd] =	wrdreg s25  }
0xf: {  	s31 =	simm.s32 $0xA400;
	[dreg:$0xe] =	wrdreg s26  }
0x10: {  	s10 =	simm.s32 $0xB400;
	[dreg:$0xf] =	wrdreg s31  }
0x11: {  	s11 =	simm.s32 $0x3C00;
	[dreg:$0x13] =	wrdreg s10  }
0x12: {  	s12 =	simm.s32 $0xBC00;
	[dreg:$0x14] =	wrdreg s11  }
0x13: {  	s13 =	simm.s32 $0x4400;
	[dreg:$0x15] =	wrdreg s12  }
0x14: {  	s14 =	simm.s32 $0xC400;
	[dreg:$0x16] =	wrdreg s13  }
0x15: {  	s15 =	simm.s32 $0x4C00;
	[dreg:$0x17] =	wrdreg s14  }
0x16: {  	s16 =	simm.s32 $0xCC00;
	[dreg:$0x18] =	wrdreg s15  }
0x17: {  	s19 =	srdreg.scid;
	s17 =	simm.s32 $0x5400;
	[dreg:$0x19] =	wrdreg s16  }
0x18: {  	s9 =	stileid.u32;
	s18 =	simm.s32 $0xD400;
	[dreg:$0x1a] =	wrdreg s17  }
0x19: {  	s4 =	sand.u32 $0x1, s19;
	s19 =	simm.s32 $0x5C00;
	[dreg:$0x1b] =	wrdreg s18  }
0x1a: {  	s28 =	simm.s32 $0x2;
	v0 =	vimm.s32 $0x1380;
	vm0 =	vcmask $0x300;
	s8 =	simm.s32 $0x3400;
	[dreg:$0x1c] =	wrdreg s19  }
0x1b: {  	s29 =	simm.s32 $0x10400;
	vm14 =	vcmask $0x704;
	v0 =	vsel vm0, $0x0, v0;
	s20 =	simm.s32 $0xDC00;
	[dreg:$0x12] =	wrdreg s8  }
0x1c: {  	vm15 =	vcmask $0xB08;
	s23 =	sshll.u32 s9, $0xA;
	s21 =	simm.s32 $0x6400;
	v0 =	vsel vm14, $0x80, v0;
	[dreg:$0x1d] =	wrdreg s20  }
0x1d: {  	vm4 =	vcmask $0xF0C;
	s6 =	ssub.s32 $0x2, s4;
	s22 =	simm.s32 $0xE400;
	[dreg:$0x1e] =	wrdreg s21;
	v0 =	vsel vm15, $0x100, v0  }
0x1e: {  	vm5 =	vcmask $0x1310;
	s4 =	sshll.u32 s4, $0x9;
	s24 =	simm.s32 $0xEC00;
	[dreg:$0x1f] =	wrdreg s22;
	v0 =	vsel vm4, $0x180, v0  }
0x1f: {  	vm6 =	vcmask $0x1714;
	s25 =	simm.s32 $0x7400;
	s26 =	simm.s32 $0xF400;
	[smem:$0x7F9] =	sst s24;
	v0 =	vsel vm5, $0x200, v0  }
0x20: {  	vm7 =	vcmask $0x1B18;
	s31 =	simm.s32 $0xFC00;
	s7 =	sshrl.u32 s6, $0x1;
	[smem:$0x7FA] =	sst s25;
	v0 =	vsel vm6, $0x280, v0  }
0x21: {  	vm8 =	vcmask $0x1F1C;
	s22 =	simm.s32 $0x3;
	[smem:$0x7FB] =	sst s26;
	s24 =	simm.s32 $0x400;
	v0 =	vsel vm7, $0x300, v0  }
0x22: {  	vm9 =	vcmask $0x2320;
	[smem:$0x7FD] =	sst s31;
	s25 =	simm.s32 $0x8400;
	s26 =	simm.s32 $0x1;
	v0 =	vsel vm8, $0x380, v0  }
0x23: {  	vm10 =	vcmask $0x2724;
	s0 =	ssub.s32 s6, s7;
	s7 =	sor.u32 s4, s23;
	s4 =	simm.s32 $0x2C00;
	v0 =	vsel vm9, $0x1000, v0  }
0x24: {  	vm11 =	vcmask $0x2B28;
	s6 =	simm.s32 $0xAC00;
	s23 =	simm.s32 $0x6C00;
	[dreg:$0x10] =	wrdreg s4;
	v0 =	vsel vm10, $0x1080, v0  }
0x25: {  	vm12 =	vcmask $0x2F2C;
	s30 =	sshrl.u32 s7, $0x3;
	s5 =	sadd.s32 s5, s7;
	[dreg:$0x11] =	wrdreg s6;
	v0 =	vsel vm11, $0x1100, v0  }
0x26: {  	vm13 =	vcmask $0x3330;
	[smem:$0x7F7] =	sst s23;
	s0 =	smax.u32 s0, $0x1;
	s23 =	simm.s32 $0x7A1400;
	v0 =	vsel vm12, $0x1180, v0  }
0x27: {  	v1 =	vlaneseq.u32;
	vm14 =	vcmask $0x3734;
	s1 =	sadd.s32 s1, s30;
	s3 =	sadd.s32 s3, s30;
	s9 =	sadd.s32 $0x10, s5;
	v2 =	vsel vm13, $0x1200, v0  }
0x28: {  	vm15 =	vcmask $0x3B38;
	s7 =	sadd.s32 $0x20, s5;
	s8 =	sadd.s32 $0x30, s5;
	s10 =	sadd.s32 $0x50, s5;
	v0 =	vmul.u32 $0x80, v1;
	v1 =	vsel vm14, $0x1280, v2  }
0x29: {  	s11 =	sadd.s32 $0x60, s5;
	s12 =	sadd.s32 $0x70, s5;
	s13 =	sadd.s32 $0x4000, s5;
	v1 =	vsel vm15, $0x1300, v1  }
0x2a: {  	s14 =	sadd.s32 $0x4010, s5;
	s15 =	sadd.s32 $0x4020, s5;
	[smem:$0x7F8] =	sst s0;
	v2 =	vor.u32 $0x800, v0;
	v3 =	vor.u32 $0x1000, v0;
	v4 =	vor.u32 $0x1800, v0  }
0x2b: {  	s16 =	sadd.s32 $0x4030, s5;
	s17 =	sadd.s32 $0x4040, s5;
	[smem:$0x7F4] =	sst s1;
	v5 =	vor.u32 $0x2000, v0;
	v6 =	vor.u32 $0x2800, v0;
	v7 =	vor.u32 $0x3000, v0  }
0x2c: {  	s18 =	sadd.s32 $0x4050, s5;
	s19 =	sadd.s32 $0x4060, s5;
	[smem:$0x7F5] =	sst s3;
	v8 =	vor.u32 $0x3800, v0;
	v9 =	vor.u32 $0x4000, v0;
	v10 =	vor.u32 $0x4800, v0  }
0x2d: {  	s20 =	sadd.s32 $0x4070, s5;
	s30 =	simm.s32 $0x7C00;
	[smem:$0x7F6] =	sst s9;
	v11 =	vor.u32 $0x5000, v0;
	v12 =	vor.u32 $0x5800, v0;
	v13 =	vor.u32 $0x6000, v0  }
0x2e: {  	s9 =	sadd.s32 $0x40, s5;
	[smem:$0x7FC] =	sst s30;
	s1 =	simm.s32 $0x0;
	v14 =	vor.u32 $0x6800, v0;
	v15 =	vor.u32 $0x7000, v0;
	v16 =	vor.u32 $0x7800, v0  }
.LBB2_1:
0x2f: {  	s0 =	sld [smem:$0x7F4];
	_ =	sdelay $0x2  }
0x30: {  	[tilespmem:s2], [sflag:$0x3] =	stream.linear.gather [hbm4b:s0+s2], $0x200, $0x38;
	[tilespmem:$0x12400] =	vst v63  }
0x31: {  	_ =	swait.ge [sflag:s22], $0x200  }
0x32: {  	s6 =	sld [smem:$0x7F5]  }
0x33: {  	[sflag:s22] =	ssyncset.done $0x0  }
0x34: {  	s30 =	simm.s32 $0x200;
	[sflag:s22] =	ssyncadd.s32 $0xFFFFFE00  }
0x35: {  	[tilespmem:s30], [sflag:$0x3] =	stream.linear.gather [hbm4b:s6+s2], $0x200, $0x38;
	[tilespmem:$0x12400] =	vst v63  }
0x36: {  	_ =	swait.ge [sflag:s22], $0x200  }
0x37: {  	[sflag:s22] =	ssyncset.done $0x0  }
0x38: {  	[sflag:s22] =	ssyncadd.s32 $0xFFFFFE00  }
0x39: {  	v17 =	vld [tilespmem:s2+$0x0];
	_ =	sdelay $0x1  }
0x3a: {  	v18 =	vld [tilespmem:s30+$0x0];
	_ =	sdelay $0x2  }
0x3b: {  	s21 =	rddreg [dreg:$0x6];
	v19 =	vand.u32 $0xFFFFFF80, v17  }
0x3c: {  	v19 =	vadd.s32 s21, v19  }
0x3d: {  	s3 =	rddreg [dreg:$0x7];
	v20 =	vand.u32 $0xFFFFFF80, v18;
	(v2sf) =	vpush v19, $0x0  }
0x3e: {  	v20 =	vadd.s32 s3, v20  }
0x3f: {  	(v2sf) =	vpush v20, $0x0;
	_ =	sdelay $0x1  }
0x40: {  	(v2sf) =	vpush v19, $0x1;
	_ =	sdelay $0x1  }
0x41: {  	(v2sf) =	vpush v20, $0x1;
	_ =	sdelay $0x1  }
0x42: {  	(v2sf) =	vpush v19, $0x2;
	_ =	sdelay $0x1  }
0x43: {  	(v2sf) =	vpush v20, $0x2;
	_ =	sdelay $0x1  }
0x44: {  	(v2sf) =	vpush v19, $0x3;
	_ =	sdelay $0x1  }
0x45: {  	(v2sf) =	vpush v20, $0x3  }
0x46: {  	s4 =	spop (v2sf)  }
0x47: {  	(v2sf) =	vpush v19, $0x4;
	[tilespmem:s24], [sflag:$0x1] =	stream.strided.gather [hbm4b:s4+s24], $0x800, s23, s24, $0x38;
	[tilespmem:$0x12400] =	vst v63  }
0x48: {  	s6 =	rddreg [dreg:$0x8];
	s21 =	spop (v2sf)  }
0x49: {  	(v2sf) =	vpush v20, $0x4;
	[tilespmem:s25], [sflag:$0x2] =	stream.strided.gather [hbm4b:s21+s24], $0x800, s23, s24, $0x38;
	[tilespmem:$0x12400] =	vst v63  }
0x4a: {  	s4 =	rddreg [dreg:$0x9];
	s31 =	spop (v2sf)  }
0x4b: {  	(v2sf) =	vpush v19, $0x5;
	[tilespmem:s6], [sflag:$0x1] =	stream.strided.gather [hbm4b:s31+s24], $0x800, s23, s24, $0x38;
	[tilespmem:$0x12400] =	vst v63  }
0x4c: {  	s21 =	rddreg [dreg:$0xb];
	s31 =	spop (v2sf)  }
0x4d: {  	(v2sf) =	vpush v20, $0x5;
	[tilespmem:s4], [sflag:$0x2] =	stream.strided.gather [hbm4b:s31+s24], $0x800, s23, s24, $0x38;
	[tilespmem:$0x12400] =	vst v63  }
0x4e: {  	s6 =	rddreg [dreg:$0xa];
	s31 =	spop (v2sf)  }
0x4f: {  	(v2sf) =	vpush v19, $0x6;
	[tilespmem:s6], [sflag:$0x1] =	stream.strided.gather [hbm4b:s31+s24], $0x800, s23, s24, $0x38;
	[tilespmem:$0x12400] =	vst v63  }
0x50: {  	s4 =	rddreg [dreg:$0xc];
	s31 =	spop (v2sf)  }
0x51: {  	(v2sf) =	vpush v20, $0x6;
	[tilespmem:s21], [sflag:$0x2] =	stream.strided.gather [hbm4b:s31+s24], $0x800, s23, s24, $0x38;
	[tilespmem:$0x12400] =	vst v63  }
0x52: {  	s6 =	rddreg [dreg:$0xd];
	s31 =	spop (v2sf)  }
0x53: {  	(v2sf) =	vpush v19, $0x7;
	[tilespmem:s4], [sflag:$0x1] =	stream.strided.gather [hbm4b:s31+s24], $0x800, s23, s24, $0x38;
	[tilespmem:$0x12400] =	vst v63  }
0x54: {  	s21 =	rddreg [dreg:$0xe];
	s31 =	spop (v2sf)  }
0x55: {  	(v2sf) =	vpush v20, $0x7;
	[tilespmem:s6], [sflag:$0x2] =	stream.strided.gather [hbm4b:s31+s24], $0x800, s23, s24, $0x38;
	[tilespmem:$0x12400] =	vst v63  }
0x56: {  	s4 =	rddreg [dreg:$0xf];
	s31 =	spop (v2sf)  }
0x57: {  	(v2sf) =	vpush v19, $0x8;
	[tilespmem:s21], [sflag:$0x1] =	stream.strided.gather [hbm4b:s31+s24], $0x800, s23, s24, $0x38;
	[tilespmem:$0x12400] =	vst v63  }
0x58: {  	s6 =	rddreg [dreg:$0x10];
	s31 =	spop (v2sf)  }
0x59: {  	(v2sf) =	vpush v20, $0x8;
	[tilespmem:s4], [sflag:$0x2] =	stream.strided.gather [hbm4b:s31+s24], $0x800, s23, s24, $0x38;
	[tilespmem:$0x12400] =	vst v63  }
0x5a: {  	s21 =	rddreg [dreg:$0x11];
	s31 =	spop (v2sf)  }
0x5b: {  	(v2sf) =	vpush v19, $0x9;
	[tilespmem:s6], [sflag:$0x1] =	stream.strided.gather [hbm4b:s31+s24], $0x800, s23, s24, $0x38;
	[tilespmem:$0x12400] =	vst v63  }
0x5c: {  	s4 =	rddreg [dreg:$0x12];
	s31 =	spop (v2sf)  }
0x5d: {  	(v2sf) =	vpush v20, $0x9;
	[tilespmem:s21], [sflag:$0x2] =	stream.strided.gather [hbm4b:s31+s24], $0x800, s23, s24, $0x38;
	[tilespmem:$0x12400] =	vst v63  }
0x5e: {  	s6 =	rddreg [dreg:$0x13];
	s31 =	spop (v2sf)  }
0x5f: {  	(v2sf) =	vpush v19, $0xA;
	[tilespmem:s4], [sflag:$0x1] =	stream.strided.gather [hbm4b:s31+s24], $0x800, s23, s24, $0x38;
	[tilespmem:$0x12400] =	vst v63  }
0x60: {  	s21 =	rddreg [dreg:$0x14];
	s31 =	spop (v2sf)  }
0x61: {  	(v2sf) =	vpush v20, $0xA;
	[tilespmem:s6], [sflag:$0x2] =	stream.strided.gather [hbm4b:s31+s24], $0x800, s23, s24, $0x38;
	[tilespmem:$0x12400] =	vst v63  }
0x62: {  	s4 =	rddreg [dreg:$0x15];
	s31 =	spop (v2sf)  }
0x63: {  	(v2sf) =	vpush v19, $0xB;
	[tilespmem:s21], [sflag:$0x1] =	stream.strided.gather [hbm4b:s31+s24], $0x800, s23, s24, $0x38;
	[tilespmem:$0x12400] =	vst v63  }
0x64: {  	s6 =	rddreg [dreg:$0x16];
	s31 =	spop (v2sf)  }
0x65: {  	(v2sf) =	vpush v20, $0xB;
	[tilespmem:s4], [sflag:$0x2] =	stream.strided.gather [hbm4b:s31+s24], $0x800, s23, s24, $0x38;
	[tilespmem:$0x12400] =	vst v63  }
0x66: {  	s21 =	rddreg [dreg:$0x17];
	s31 =	spop (v2sf)  }
0x67: {  	(v2sf) =	vpush v19, $0xC;
	[tilespmem:s6], [sflag:$0x1] =	stream.strided.gather [hbm4b:s31+s24], $0x800, s23, s24, $0x38;
	[tilespmem:$0x12400] =	vst v63  }
0x68: {  	s4 =	rddreg [dreg:$0x18];
	s31 =	spop (v2sf)  }
0x69: {  	(v2sf) =	vpush v20, $0xC;
	[tilespmem:s21], [sflag:$0x2] =	stream.strided.gather [hbm4b:s31+s24], $0x800, s23, s24, $0x38;
	[tilespmem:$0x12400] =	vst v63  }
0x6a: {  	s6 =	rddreg [dreg:$0x19];
	s31 =	spop (v2sf)  }
0x6b: {  	(v2sf) =	vpush v19, $0xD;
	[tilespmem:s4], [sflag:$0x1] =	stream.strided.gather [hbm4b:s31+s24], $0x800, s23, s24, $0x38;
	[tilespmem:$0x12400] =	vst v63  }
0x6c: {  	s21 =	rddreg [dreg:$0x1a];
	s31 =	spop (v2sf)  }
0x6d: {  	(v2sf) =	vpush v20, $0xD;
	[tilespmem:s6], [sflag:$0x2] =	stream.strided.gather [hbm4b:s31+s24], $0x800, s23, s24, $0x38;
	[tilespmem:$0x12400] =	vst v63  }
0x6e: {  	s4 =	rddreg [dreg:$0x1b];
	s31 =	spop (v2sf)  }
0x6f: {  	(v2sf) =	vpush v19, $0xE;
	[tilespmem:s21], [sflag:$0x1] =	stream.strided.gather [hbm4b:s31+s24], $0x800, s23, s24, $0x38;
	[tilespmem:$0x12400] =	vst v63  }
0x70: {  	s6 =	rddreg [dreg:$0x1c];
	s31 =	spop (v2sf)  }
0x71: {  	(v2sf) =	vpush v20, $0xE;
	[tilespmem:s4], [sflag:$0x2] =	stream.strided.gather [hbm4b:s31+s24], $0x800, s23, s24, $0x38;
	[tilespmem:$0x12400] =	vst v63  }
0x72: {  	s21 =	rddreg [dreg:$0x1d];
	s31 =	spop (v2sf)  }
0x73: {  	(v2sf) =	vpush v19, $0xF;
	[tilespmem:s6], [sflag:$0x1] =	stream.strided.gather [hbm4b:s31+s24], $0x800, s23, s24, $0x38;
	[tilespmem:$0x12400] =	vst v63  }
0x74: {  	s4 =	rddreg [dreg:$0x1e];
	s31 =	spop (v2sf)  }
0x75: {  	(v2sf) =	vpush v20, $0xF;
	[tilespmem:s21], [sflag:$0x2] =	stream.strided.gather [hbm4b:s31+s24], $0x800, s23, s24, $0x38;
	[tilespmem:$0x12400] =	vst v63  }
0x76: {  	s6 =	rddreg [dreg:$0x1f];
	s31 =	spop (v2sf)  }
0x77: {  	[tilespmem:s4], [sflag:$0x1] =	stream.strided.gather [hbm4b:s31+s24], $0x800, s23, s24, $0x38;
	[tilespmem:$0x12400] =	vst v63  }
0x78: {  	s21 =	sld [smem:$0x7F7];
	s31 =	spop (v2sf)  }
0x79: {  	[tilespmem:s6], [sflag:$0x2] =	stream.strided.gather [hbm4b:s31+s24], $0x800, s23, s24, $0x38;
	[tilespmem:$0x12400] =	vst v63  }
0x7a: {  	s4 =	sld [smem:$0x7F9];
	s31 =	spop (v2sf)  }
0x7b: {  	[tilespmem:s21], [sflag:$0x1] =	stream.strided.gather [hbm4b:s31+s24], $0x800, s23, s24, $0x38;
	[tilespmem:$0x12400] =	vst v63  }
0x7c: {  	s6 =	sld [smem:$0x7FA];
	s31 =	spop (v2sf)  }
0x7d: {  	[tilespmem:s4], [sflag:$0x2] =	stream.strided.gather [hbm4b:s31+s24], $0x800, s23, s24, $0x38;
	[tilespmem:$0x12400] =	vst v63  }
0x7e: {  	s21 =	sld [smem:$0x7FB];
	s31 =	spop (v2sf)  }
0x7f: {  	[tilespmem:s6], [sflag:$0x1] =	stream.strided.gather [hbm4b:s31+s24], $0x800, s23, s24, $0x38;
	[tilespmem:$0x12400] =	vst v63  }
0x80: {  	s4 =	sld [smem:$0x7FC];
	s31 =	spop (v2sf)  }
0x81: {  	[tilespmem:s21], [sflag:$0x2] =	stream.strided.gather [hbm4b:s31+s24], $0x800, s23, s24, $0x38;
	[tilespmem:$0x12400] =	vst v63  }
0x82: {  	s6 =	sld [smem:$0x7FD];
	s31 =	spop (v2sf)  }
0x83: {  	[tilespmem:s4], [sflag:$0x1] =	stream.strided.gather [hbm4b:s31+s24], $0x800, s23, s24, $0x38;
	[tilespmem:$0x12400] =	vst v63  }
0x84: {  	s21 =	spop (v2sf)  }
0x85: {  	[tilespmem:s6], [sflag:$0x2] =	stream.strided.gather [hbm4b:s21+s24], $0x800, s23, s24, $0x38;
	[tilespmem:$0x12400] =	vst v63  }
0x86: {  	_ =	swait.ge [sflag:s26], $0x800  }
0x87: {  	[sflag:s26] =	ssyncset.done $0x0  }
0x88: {  	[sflag:s26] =	ssyncadd.s32 $0xFFFFF800  }
0x89: {  	_ =	swait.ge [sflag:s28], $0x800  }
0x8a: {  	[sflag:s28] =	ssyncset.done $0x0  }
0x8b: {  	[sflag:s28] =	ssyncadd.s32 $0xFFFFF800  }
0x8c: {  	_ =	swait.ge [sflag:s26], $0x800  }
0x8d: {  	[sflag:s26] =	ssyncset.done $0x0  }
0x8e: {  	[sflag:s26] =	ssyncadd.s32 $0xFFFFF800  }
0x8f: {  	_ =	swait.ge [sflag:s28], $0x800  }
0x90: {  	[sflag:s28] =	ssyncset.done $0x0  }
0x91: {  	[sflag:s28] =	ssyncadd.s32 $0xFFFFF800  }
0x92: {  	_ =	swait.ge [sflag:s26], $0x800  }
0x93: {  	[sflag:s26] =	ssyncset.done $0x0  }
0x94: {  	[sflag:s26] =	ssyncadd.s32 $0xFFFFF800  }
0x95: {  	_ =	swait.ge [sflag:s28], $0x800  }
0x96: {  	[sflag:s28] =	ssyncset.done $0x0  }
0x97: {  	[sflag:s28] =	ssyncadd.s32 $0xFFFFF800  }
0x98: {  	_ =	swait.ge [sflag:s26], $0x800  }
0x99: {  	[sflag:s26] =	ssyncset.done $0x0  }
0x9a: {  	[sflag:s26] =	ssyncadd.s32 $0xFFFFF800  }
0x9b: {  	_ =	swait.ge [sflag:s28], $0x800  }
0x9c: {  	[sflag:s28] =	ssyncset.done $0x0  }
0x9d: {  	[sflag:s28] =	ssyncadd.s32 $0xFFFFF800  }
0x9e: {  	_ =	swait.ge [sflag:s26], $0x800  }
0x9f: {  	[sflag:s26] =	ssyncset.done $0x0  }
0xa0: {  	[sflag:s26] =	ssyncadd.s32 $0xFFFFF800  }
0xa1: {  	_ =	swait.ge [sflag:s28], $0x800  }
0xa2: {  	[sflag:s28] =	ssyncset.done $0x0  }
0xa3: {  	[sflag:s28] =	ssyncadd.s32 $0xFFFFF800  }
0xa4: {  	_ =	swait.ge [sflag:s26], $0x800  }
0xa5: {  	[sflag:s26] =	ssyncset.done $0x0  }
0xa6: {  	[sflag:s26] =	ssyncadd.s32 $0xFFFFF800  }
0xa7: {  	_ =	swait.ge [sflag:s28], $0x800  }
0xa8: {  	[sflag:s28] =	ssyncset.done $0x0  }
0xa9: {  	[sflag:s28] =	ssyncadd.s32 $0xFFFFF800  }
0xaa: {  	_ =	swait.ge [sflag:s26], $0x800  }
0xab: {  	[sflag:s26] =	ssyncset.done $0x0  }
0xac: {  	[sflag:s26] =	ssyncadd.s32 $0xFFFFF800  }
0xad: {  	_ =	swait.ge [sflag:s28], $0x800  }
0xae: {  	[sflag:s28] =	ssyncset.done $0x0  }
0xaf: {  	[sflag:s28] =	ssyncadd.s32 $0xFFFFF800  }
0xb0: {  	_ =	swait.ge [sflag:s26], $0x800  }
0xb1: {  	[sflag:s26] =	ssyncset.done $0x0  }
0xb2: {  	[sflag:s26] =	ssyncadd.s32 $0xFFFFF800  }
0xb3: {  	_ =	swait.ge [sflag:s28], $0x800  }
0xb4: {  	[sflag:s28] =	ssyncset.done $0x0  }
0xb5: {  	[sflag:s28] =	ssyncadd.s32 $0xFFFFF800  }
0xb6: {  	_ =	swait.ge [sflag:s26], $0x800  }
0xb7: {  	[sflag:s26] =	ssyncset.done $0x0  }
0xb8: {  	[sflag:s26] =	ssyncadd.s32 $0xFFFFF800  }
0xb9: {  	_ =	swait.ge [sflag:s28], $0x800  }
0xba: {  	[sflag:s28] =	ssyncset.done $0x0  }
0xbb: {  	[sflag:s28] =	ssyncadd.s32 $0xFFFFF800  }
0xbc: {  	_ =	swait.ge [sflag:s26], $0x800  }
0xbd: {  	[sflag:s26] =	ssyncset.done $0x0  }
0xbe: {  	[sflag:s26] =	ssyncadd.s32 $0xFFFFF800  }
0xbf: {  	_ =	swait.ge [sflag:s28], $0x800  }
0xc0: {  	[sflag:s28] =	ssyncset.done $0x0  }
0xc1: {  	[sflag:s28] =	ssyncadd.s32 $0xFFFFF800  }
0xc2: {  	_ =	swait.ge [sflag:s26], $0x800  }
0xc3: {  	[sflag:s26] =	ssyncset.done $0x0  }
0xc4: {  	[sflag:s26] =	ssyncadd.s32 $0xFFFFF800  }
0xc5: {  	_ =	swait.ge [sflag:s28], $0x800  }
0xc6: {  	[sflag:s28] =	ssyncset.done $0x0  }
0xc7: {  	[sflag:s28] =	ssyncadd.s32 $0xFFFFF800  }
0xc8: {  	_ =	swait.ge [sflag:s26], $0x800  }
0xc9: {  	[sflag:s26] =	ssyncset.done $0x0  }
0xca: {  	[sflag:s26] =	ssyncadd.s32 $0xFFFFF800  }
0xcb: {  	_ =	swait.ge [sflag:s28], $0x800  }
0xcc: {  	[sflag:s28] =	ssyncset.done $0x0  }
0xcd: {  	[sflag:s28] =	ssyncadd.s32 $0xFFFFF800  }
0xce: {  	_ =	swait.ge [sflag:s26], $0x800  }
0xcf: {  	[sflag:s26] =	ssyncset.done $0x0  }
0xd0: {  	[sflag:s26] =	ssyncadd.s32 $0xFFFFF800  }
0xd1: {  	_ =	swait.ge [sflag:s28], $0x800  }
0xd2: {  	[sflag:s28] =	ssyncset.done $0x0  }
0xd3: {  	[sflag:s28] =	ssyncadd.s32 $0xFFFFF800  }
0xd4: {  	_ =	swait.ge [sflag:s26], $0x800  }
0xd5: {  	[sflag:s26] =	ssyncset.done $0x0  }
0xd6: {  	[sflag:s26] =	ssyncadd.s32 $0xFFFFF800  }
0xd7: {  	_ =	swait.ge [sflag:s28], $0x800  }
0xd8: {  	[sflag:s28] =	ssyncset.done $0x0  }
0xd9: {  	[sflag:s28] =	ssyncadd.s32 $0xFFFFF800  }
0xda: {  	_ =	swait.ge [sflag:s26], $0x800  }
0xdb: {  	[sflag:s26] =	ssyncset.done $0x0  }
0xdc: {  	[sflag:s26] =	ssyncadd.s32 $0xFFFFF800  }
0xdd: {  	_ =	swait.ge [sflag:s28], $0x800  }
0xde: {  	v17 =	vand.u32 $0x7F, v17;
	[sflag:s28] =	ssyncset.done $0x0  }
0xdf: {  	v18 =	vand.u32 $0x7F, v18;
	v19 =	vbroadcast v17, $0x0;
	[sflag:s28] =	ssyncadd.s32 $0xFFFFF800  }
0xe0: {  	v20 =	vbroadcast v18, $0x0;
	_ =	swait.ge [sflag:s26], $0x800  }
0xe1: {  	v19 =	vor.u32 v0, v19;
	[sflag:s26] =	ssyncset.done $0x0  }
0xe2: {  	v20 =	vor.u32 v0, v20;
	[sflag:s26] =	ssyncadd.s32 $0xFFFFF800  }
0xe3: {  	_ =	swait.ge [sflag:s28], $0x800  }
0xe4: {  	s3 =	simm.s32 $0x0;
	[sflag:s28] =	ssyncset.done $0x0  }
0xe5: {  	v21 =	vmov s3;
	[sflag:s28] =	ssyncadd.s32 $0xFFFFF800  }
0xe6: {  	v22 =	vshll.u32 v21, $0x3;
	v19 =	vld.idx.msk [tilespmem:v19+s24+$0x0], $0xffff  }
0xe7: {  	v21 =	vand.u32 $0x70, v21;
	v22 =	vand.u32 $0xC00, v22;
	v20 =	vld.idx.msk [tilespmem:v20+s25+$0x0], $0xffff  }
0xe8: {  	v23 =	vbroadcast v17, $0x1;
	v21 =	vor.u32 v22, v21  }
0xe9: {  	v22 =	vbroadcast v18, $0x1;
	v21 =	vor.u32 v1, v21  }
0xea: {  	v23 =	vor.u32 v2, v23  }
0xeb: {  	v22 =	vor.u32 v2, v22  }
0xec: {  	v19 =	vmul.f32 v20, v19  }
0xed: {  	s4 =	simm.s32 $0x1  }
0xee: {  	v20 =	vmov s4;
	[tilespmem:v21+s29+$0x0] =	vst.idx.msk $0xffff, v19  }
0xef: {  	v19 =	vshll.u32 v20, $0x3;
	v21 =	vld.idx.msk [tilespmem:v23+s24+$0x0], $0xffff  }
0xf0: {  	v20 =	vand.u32 $0x71, v20;
	v19 =	vand.u32 $0xC00, v19;
	v22 =	vld.idx.msk [tilespmem:v22+s25+$0x0], $0xffff  }
0xf1: {  	v23 =	vbroadcast v17, $0x2;
	v19 =	vor.u32 v19, v20  }
0xf2: {  	v20 =	vbroadcast v18, $0x2;
	v19 =	vor.u32 v1, v19  }
0xf3: {  	v23 =	vor.u32 v3, v23  }
0xf4: {  	v20 =	vor.u32 v3, v20  }
0xf5: {  	v21 =	vmul.f32 v22, v21  }
0xf6: {  	s6 =	simm.s32 $0x2  }
0xf7: {  	v22 =	vmov s6;
	[tilespmem:v19+s29+$0x0] =	vst.idx.msk $0xffff, v21  }
0xf8: {  	v19 =	vshll.u32 v22, $0x3;
	v21 =	vld.idx.msk [tilespmem:v23+s24+$0x0], $0xffff  }
0xf9: {  	v22 =	vand.u32 $0x72, v22;
	v19 =	vand.u32 $0xC00, v19;
	v20 =	vld.idx.msk [tilespmem:v20+s25+$0x0], $0xffff  }
0xfa: {  	v23 =	vbroadcast v17, $0x3;
	v19 =	vor.u32 v19, v22  }
0xfb: {  	v22 =	vbroadcast v18, $0x3;
	v19 =	vor.u32 v1, v19  }
0xfc: {  	v23 =	vor.u32 v4, v23  }
0xfd: {  	v22 =	vor.u32 v4, v22  }
0xfe: {  	v20 =	vmul.f32 v20, v21  }
0xff: {  	s21 =	simm.s32 $0x3  }
0x100: {  	v21 =	vmov s21;
	[tilespmem:v19+s29+$0x0] =	vst.idx.msk $0xffff, v20  }
0x101: {  	v19 =	vshll.u32 v21, $0x3;
	v20 =	vld.idx.msk [tilespmem:v23+s24+$0x0], $0xffff  }
0x102: {  	v21 =	vand.u32 $0x73, v21;
	v19 =	vand.u32 $0xC00, v19;
	v22 =	vld.idx.msk [tilespmem:v22+s25+$0x0], $0xffff  }
0x103: {  	v23 =	vbroadcast v17, $0x4;
	v19 =	vor.u32 v19, v21  }
0x104: {  	v21 =	vbroadcast v18, $0x4;
	v19 =	vor.u32 v1, v19  }
0x105: {  	v23 =	vor.u32 v5, v23  }
0x106: {  	v21 =	vor.u32 v5, v21  }
0x107: {  	v20 =	vmul.f32 v22, v20  }
0x108: {  	s3 =	simm.s32 $0x4  }
0x109: {  	v22 =	vmov s3;
	[tilespmem:v19+s29+$0x0] =	vst.idx.msk $0xffff, v20  }
0x10a: {  	v19 =	vshll.u32 v22, $0x3;
	v20 =	vld.idx.msk [tilespmem:v23+s24+$0x0], $0xffff  }
0x10b: {  	v22 =	vand.u32 $0x74, v22;
	v19 =	vand.u32 $0xC00, v19;
	v21 =	vld.idx.msk [tilespmem:v21+s25+$0x0], $0xffff  }
0x10c: {  	v23 =	vbroadcast v17, $0x5;
	v19 =	vor.u32 v19, v22  }
0x10d: {  	v22 =	vbroadcast v18, $0x5;
	v19 =	vor.u32 v1, v19  }
0x10e: {  	v23 =	vor.u32 v6, v23  }
0x10f: {  	v22 =	vor.u32 v6, v22  }
0x110: {  	v20 =	vmul.f32 v21, v20  }
0x111: {  	s4 =	simm.s32 $0x5  }
0x112: {  	v21 =	vmov s4;
	[tilespmem:v19+s29+$0x0] =	vst.idx.msk $0xffff, v20  }
0x113: {  	v19 =	vshll.u32 v21, $0x3;
	v20 =	vld.idx.msk [tilespmem:v23+s24+$0x0], $0xffff  }
0x114: {  	v21 =	vand.u32 $0x75, v21;
	v19 =	vand.u32 $0xC00, v19;
	v22 =	vld.idx.msk [tilespmem:v22+s25+$0x0], $0xffff  }
0x115: {  	v23 =	vbroadcast v17, $0x6;
	v19 =	vor.u32 v19, v21  }
0x116: {  	v21 =	vbroadcast v18, $0x6;
	v19 =	vor.u32 v1, v19  }
0x117: {  	v23 =	vor.u32 v7, v23  }
0x118: {  	v21 =	vor.u32 v7, v21  }
0x119: {  	v20 =	vmul.f32 v22, v20  }
0x11a: {  	s6 =	simm.s32 $0x6  }
0x11b: {  	v22 =	vmov s6;
	[tilespmem:v19+s29+$0x0] =	vst.idx.msk $0xffff, v20  }
0x11c: {  	v19 =	vshll.u32 v22, $0x3;
	v20 =	vld.idx.msk [tilespmem:v23+s24+$0x0], $0xffff  }
0x11d: {  	v22 =	vand.u32 $0x76, v22;
	v19 =	vand.u32 $0xC00, v19;
	v21 =	vld.idx.msk [tilespmem:v21+s25+$0x0], $0xffff  }
0x11e: {  	v23 =	vbroadcast v17, $0x7;
	v19 =	vor.u32 v19, v22  }
0x11f: {  	v22 =	vbroadcast v18, $0x7;
	v19 =	vor.u32 v1, v19  }
0x120: {  	v23 =	vor.u32 v8, v23  }
0x121: {  	v22 =	vor.u32 v8, v22  }
0x122: {  	v20 =	vmul.f32 v21, v20  }
0x123: {  	s21 =	simm.s32 $0x7  }
0x124: {  	v21 =	vmov s21;
	[tilespmem:v19+s29+$0x0] =	vst.idx.msk $0xffff, v20  }
0x125: {  	v19 =	vshll.u32 v21, $0x3;
	v20 =	vld.idx.msk [tilespmem:v23+s24+$0x0], $0xffff  }
0x126: {  	v21 =	vand.u32 $0x77, v21;
	v19 =	vand.u32 $0xC00, v19;
	v22 =	vld.idx.msk [tilespmem:v22+s25+$0x0], $0xffff  }
0x127: {  	v23 =	vbroadcast v17, $0x8;
	v19 =	vor.u32 v19, v21  }
0x128: {  	v21 =	vbroadcast v18, $0x8;
	v19 =	vor.u32 v1, v19  }
0x129: {  	v23 =	vor.u32 v9, v23  }
0x12a: {  	v21 =	vor.u32 v9, v21  }
0x12b: {  	v20 =	vmul.f32 v22, v20  }
0x12c: {  	s3 =	simm.s32 $0x8  }
0x12d: {  	v22 =	vmov s3;
	[tilespmem:v19+s29+$0x0] =	vst.idx.msk $0xffff, v20  }
0x12e: {  	v19 =	vshll.u32 v22, $0x3;
	v20 =	vld.idx.msk [tilespmem:v23+s24+$0x0], $0xffff  }
0x12f: {  	v22 =	vand.u32 $0x78, v22;
	v19 =	vand.u32 $0xC00, v19;
	v21 =	vld.idx.msk [tilespmem:v21+s25+$0x0], $0xffff  }
0x130: {  	v23 =	vbroadcast v17, $0x9;
	v19 =	vor.u32 v19, v22  }
0x131: {  	v22 =	vbroadcast v18, $0x9;
	v19 =	vor.u32 v1, v19  }
0x132: {  	v23 =	vor.u32 v10, v23  }
0x133: {  	v22 =	vor.u32 v10, v22  }
0x134: {  	v20 =	vmul.f32 v21, v20  }
0x135: {  	s4 =	simm.s32 $0x9  }
0x136: {  	v21 =	vmov s4;
	[tilespmem:v19+s29+$0x0] =	vst.idx.msk $0xffff, v20  }
0x137: {  	v19 =	vshll.u32 v21, $0x3;
	v20 =	vld.idx.msk [tilespmem:v23+s24+$0x0], $0xffff  }
0x138: {  	v21 =	vand.u32 $0x79, v21;
	v19 =	vand.u32 $0xC00, v19;
	v22 =	vld.idx.msk [tilespmem:v22+s25+$0x0], $0xffff  }
0x139: {  	v23 =	vbroadcast v17, $0xA;
	v19 =	vor.u32 v19, v21  }
0x13a: {  	v21 =	vbroadcast v18, $0xA;
	v19 =	vor.u32 v1, v19  }
0x13b: {  	v23 =	vor.u32 v11, v23  }
0x13c: {  	v21 =	vor.u32 v11, v21  }
0x13d: {  	v20 =	vmul.f32 v22, v20  }
0x13e: {  	s6 =	simm.s32 $0xA  }
0x13f: {  	v22 =	vmov s6;
	[tilespmem:v19+s29+$0x0] =	vst.idx.msk $0xffff, v20  }
0x140: {  	v19 =	vshll.u32 v22, $0x3;
	v20 =	vld.idx.msk [tilespmem:v23+s24+$0x0], $0xffff  }
0x141: {  	v22 =	vand.u32 $0x7A, v22;
	v19 =	vand.u32 $0xC00, v19;
	v21 =	vld.idx.msk [tilespmem:v21+s25+$0x0], $0xffff  }
0x142: {  	v23 =	vbroadcast v17, $0xB;
	v19 =	vor.u32 v19, v22  }
0x143: {  	v22 =	vbroadcast v18, $0xB;
	v19 =	vor.u32 v1, v19  }
0x144: {  	v23 =	vor.u32 v12, v23  }
0x145: {  	v22 =	vor.u32 v12, v22  }
0x146: {  	v20 =	vmul.f32 v21, v20  }
0x147: {  	s21 =	simm.s32 $0xB  }
0x148: {  	v21 =	vmov s21;
	[tilespmem:v19+s29+$0x0] =	vst.idx.msk $0xffff, v20  }
0x149: {  	v19 =	vshll.u32 v21, $0x3;
	v20 =	vld.idx.msk [tilespmem:v23+s24+$0x0], $0xffff  }
0x14a: {  	v21 =	vand.u32 $0x7B, v21;
	v19 =	vand.u32 $0xC00, v19;
	v22 =	vld.idx.msk [tilespmem:v22+s25+$0x0], $0xffff  }
0x14b: {  	v23 =	vbroadcast v17, $0xC;
	v19 =	vor.u32 v19, v21  }
0x14c: {  	v21 =	vbroadcast v18, $0xC;
	v19 =	vor.u32 v1, v19  }
0x14d: {  	v23 =	vor.u32 v13, v23  }
0x14e: {  	v21 =	vor.u32 v13, v21  }
0x14f: {  	v20 =	vmul.f32 v22, v20  }
0x150: {  	s3 =	simm.s32 $0xC  }
0x151: {  	v22 =	vmov s3;
	[tilespmem:v19+s29+$0x0] =	vst.idx.msk $0xffff, v20  }
0x152: {  	v19 =	vshll.u32 v22, $0x3;
	v20 =	vld.idx.msk [tilespmem:v23+s24+$0x0], $0xffff  }
0x153: {  	v22 =	vand.u32 $0x7C, v22;
	v19 =	vand.u32 $0xC00, v19;
	v21 =	vld.idx.msk [tilespmem:v21+s25+$0x0], $0xffff  }
0x154: {  	v23 =	vbroadcast v17, $0xD;
	v19 =	vor.u32 v19, v22  }
0x155: {  	v22 =	vbroadcast v18, $0xD;
	v19 =	vor.u32 v1, v19  }
0x156: {  	v23 =	vor.u32 v14, v23  }
0x157: {  	v22 =	vor.u32 v14, v22  }
0x158: {  	v20 =	vmul.f32 v21, v20  }
0x159: {  	s4 =	simm.s32 $0xD  }
0x15a: {  	v21 =	vmov s4;
	[tilespmem:v19+s29+$0x0] =	vst.idx.msk $0xffff, v20  }
0x15b: {  	v19 =	vshll.u32 v21, $0x3;
	v20 =	vld.idx.msk [tilespmem:v23+s24+$0x0], $0xffff  }
0x15c: {  	v21 =	vand.u32 $0x7D, v21;
	v19 =	vand.u32 $0xC00, v19;
	v22 =	vld.idx.msk [tilespmem:v22+s25+$0x0], $0xffff  }
0x15d: {  	v23 =	vbroadcast v17, $0xE;
	v19 =	vor.u32 v19, v21  }
0x15e: {  	v21 =	vbroadcast v18, $0xE;
	v19 =	vor.u32 v1, v19  }
0x15f: {  	v23 =	vor.u32 v15, v23  }
0x160: {  	s6 =	simm.s32 $0xF;
	s21 =	simm.s32 $0xE;
	v24 =	vor.u32 v15, v21  }
0x161: {  	v25 =	vmov s6;
	v21 =	vmov s21;
	v20 =	vmul.f32 v22, v20  }
0x162: {  	v26 =	vshll.u32 v25, $0x3;
	v25 =	vand.u32 $0x7F, v25;
	v22 =	vshll.u32 v21, $0x3  }
0x163: {  	v26 =	vand.u32 $0xC00, v26;
	v21 =	vand.u32 $0x7E, v21;
	v22 =	vand.u32 $0xC00, v22;
	[tilespmem:v19+s29+$0x0] =	vst.idx.msk $0xffff, v20  }
0x164: {  	v17 =	vbroadcast v17, $0xF;
	v19 =	vor.u32 v22, v21;
	v22 =	vor.u32 v26, v25;
	v20 =	vld.idx.msk [tilespmem:v23+s24+$0x0], $0xffff  }
0x165: {  	s0 =	simm.s32 $0x0;
	s31 =	simm.s32 $0x1F;
	v18 =	vbroadcast v18, $0xF;
	v21 =	vor.u32 v1, v19;
	v19 =	vor.u32 v1, v22;
	v22 =	vld.idx.msk [tilespmem:v24+s25+$0x0], $0xffff  }
.LBB2_2:
0x166: {  	_ =	sdelay $0x1  }
0x167: {  	v17 =	vor.u32 v16, v17  }
0x168: {  	v18 =	vor.u32 v16, v18  }
0x169: {  	v20 =	vmul.f32 v22, v20;
	_ =	sdelay $0x1  }
0x16a: {  	[tilespmem:v21+s29+$0x0] =	vst.idx.msk $0xffff, v20  }
0x16b: {  	v17 =	vld.idx.msk [tilespmem:v17+s24+$0x0], $0xffff  }
0x16c: {  	v18 =	vld.idx.msk [tilespmem:v18+s25+$0x0], $0xffff;
	_ =	sdelay $0x4  }
0x16d: {  	v17 =	vmul.f32 v18, v17;
	_ =	sdelay $0x1  }
0x16e: {  	s0 =	sadd.s32 $0x10, s0;
	[tilespmem:v19+s29+$0x0] =	vst.idx.msk $0xffff, v17  }
0x16f: {  	v17 =	vld [tilespmem:s0+$0x0]  }
0x170: {  	s30 =	sadd.s32 $0x10, s30  }
0x171: {  	v18 =	vld [tilespmem:s30+$0x0];
	_ =	sdelay $0x2  }
0x172: {  	s4 =	rddreg [dreg:$0x6];
	v19 =	vand.u32 $0xFFFFFF80, v17  }
0x173: {  	v49 =	vadd.s32 s4, v19  }
0x174: {  	s21 =	rddreg [dreg:$0x7];
	v19 =	vand.u32 $0xFFFFFF80, v18;
	(v2sf) =	vpush v49, $0x0  }
0x175: {  	v50 =	vadd.s32 s21, v19  }
0x176: {  	(v2sf) =	vpush v50, $0x0;
	_ =	sdelay $0x1  }
0x177: {  	(v2sf) =	vpush v49, $0x1;
	_ =	sdelay $0x1  }
0x178: {  	(v2sf) =	vpush v50, $0x1;
	_ =	sdelay $0x1  }
0x179: {  	(v2sf) =	vpush v49, $0x2;
	_ =	sdelay $0x1  }
0x17a: {  	(v2sf) =	vpush v50, $0x2;
	_ =	sdelay $0x1  }
0x17b: {  	(v2sf) =	vpush v49, $0x3;
	_ =	sdelay $0x1  }
0x17c: {  	(v2sf) =	vpush v50, $0x3  }
0x17d: {  	s21 =	spop (v2sf)  }
0x17e: {  	(v2sf) =	vpush v49, $0x4;
	[tilespmem:s24], [sflag:$0x1] =	stream.strided.gather [hbm4b:s21+s24], $0x800, s23, s24, $0x38;
	[tilespmem:$0x12400] =	vst v63  }
0x17f: {  	s4 =	rddreg [dreg:$0x8];
	s6 =	spop (v2sf)  }
0x180: {  	(v2sf) =	vpush v50, $0x4;
	[tilespmem:s25], [sflag:$0x2] =	stream.strided.gather [hbm4b:s6+s24], $0x800, s23, s24, $0x38;
	[tilespmem:$0x12400] =	vst v63  }
0x181: {  	s21 =	rddreg [dreg:$0x9];
	s6 =	spop (v2sf)  }
0x182: {  	(v2sf) =	vpush v49, $0x5;
	[tilespmem:s4], [sflag:$0x1] =	stream.strided.gather [hbm4b:s6+s24], $0x800, s23, s24, $0x38;
	[tilespmem:$0x12400] =	vst v63  }
0x183: {  	s4 =	rddreg [dreg:$0xa];
	s6 =	spop (v2sf)  }
0x184: {  	(v2sf) =	vpush v50, $0x5;
	[tilespmem:s21], [sflag:$0x2] =	stream.strided.gather [hbm4b:s6+s24], $0x800, s23, s24, $0x38;
	[tilespmem:$0x12400] =	vst v63  }
0x185: {  	s6 =	rddreg [dreg:$0xb];
	s21 =	spop (v2sf)  }
0x186: {  	(v2sf) =	vpush v49, $0x6;
	[tilespmem:s4], [sflag:$0x1] =	stream.strided.gather [hbm4b:s21+s24], $0x800, s23, s24, $0x38;
	[tilespmem:$0x12400] =	vst v63  }
0x187: {  	s4 =	rddreg [dreg:$0xc];
	s21 =	spop (v2sf)  }
0x188: {  	(v2sf) =	vpush v50, $0x6;
	[tilespmem:s6], [sflag:$0x2] =	stream.strided.gather [hbm4b:s21+s24], $0x800, s23, s24, $0x38;
	[tilespmem:$0x12400] =	vst v63  }
0x189: {  	s6 =	rddreg [dreg:$0xd];
	s21 =	spop (v2sf)  }
0x18a: {  	(v2sf) =	vpush v49, $0x7;
	[tilespmem:s4], [sflag:$0x1] =	stream.strided.gather [hbm4b:s21+s24], $0x800, s23, s24, $0x38;
	[tilespmem:$0x12400] =	vst v63  }
0x18b: {  	s4 =	rddreg [dreg:$0xe];
	s21 =	spop (v2sf)  }
0x18c: {  	(v2sf) =	vpush v50, $0x7;
	[tilespmem:s6], [sflag:$0x2] =	stream.strided.gather [hbm4b:s21+s24], $0x800, s23, s24, $0x38;
	[tilespmem:$0x12400] =	vst v63  }
0x18d: {  	s6 =	rddreg [dreg:$0xf];
	s21 =	spop (v2sf)  }
0x18e: {  	(v2sf) =	vpush v49, $0x8;
	[tilespmem:s4], [sflag:$0x1] =	stream.strided.gather [hbm4b:s21+s24], $0x800, s23, s24, $0x38;
	[tilespmem:$0x12400] =	vst v63  }
0x18f: {  	s4 =	rddreg [dreg:$0x10];
	s21 =	spop (v2sf)  }
0x190: {  	(v2sf) =	vpush v50, $0x8;
	[tilespmem:s6], [sflag:$0x2] =	stream.strided.gather [hbm4b:s21+s24], $0x800, s23, s24, $0x38;
	[tilespmem:$0x12400] =	vst v63  }
0x191: {  	s6 =	rddreg [dreg:$0x11];
	s21 =	spop (v2sf)  }
0x192: {  	(v2sf) =	vpush v49, $0x9;
	[tilespmem:s4], [sflag:$0x1] =	stream.strided.gather [hbm4b:s21+s24], $0x800, s23, s24, $0x38;
	[tilespmem:$0x12400] =	vst v63  }
0x193: {  	s4 =	rddreg [dreg:$0x12];
	s21 =	spop (v2sf)  }
0x194: {  	(v2sf) =	vpush v50, $0x9;
	[tilespmem:s6], [sflag:$0x2] =	stream.strided.gather [hbm4b:s21+s24], $0x800, s23, s24, $0x38;
	[tilespmem:$0x12400] =	vst v63  }
0x195: {  	s6 =	rddreg [dreg:$0x13];
	s21 =	spop (v2sf)  }
0x196: {  	(v2sf) =	vpush v49, $0xA;
	[tilespmem:s4], [sflag:$0x1] =	stream.strided.gather [hbm4b:s21+s24], $0x800, s23, s24, $0x38;
	[tilespmem:$0x12400] =	vst v63  }
0x197: {  	s4 =	rddreg [dreg:$0x14];
	s21 =	spop (v2sf)  }
0x198: {  	(v2sf) =	vpush v50, $0xA;
	[tilespmem:s6], [sflag:$0x2] =	stream.strided.gather [hbm4b:s21+s24], $0x800, s23, s24, $0x38;
	[tilespmem:$0x12400] =	vst v63  }
0x199: {  	s6 =	rddreg [dreg:$0x15];
	s21 =	spop (v2sf)  }
0x19a: {  	(v2sf) =	vpush v49, $0xB;
	[tilespmem:s4], [sflag:$0x1] =	stream.strided.gather [hbm4b:s21+s24], $0x800, s23, s24, $0x38;
	[tilespmem:$0x12400] =	vst v63  }
0x19b: {  	s4 =	rddreg [dreg:$0x16];
	s21 =	spop (v2sf)  }
0x19c: {  	(v2sf) =	vpush v50, $0xB;
	[tilespmem:s6], [sflag:$0x2] =	stream.strided.gather [hbm4b:s21+s24], $0x800, s23, s24, $0x38;
	[tilespmem:$0x12400] =	vst v63  }
0x19d: {  	s6 =	rddreg [dreg:$0x17];
	s21 =	spop (v2sf)  }
0x19e: {  	(v2sf) =	vpush v49, $0xC;
	[tilespmem:s4], [sflag:$0x1] =	stream.strided.gather [hbm4b:s21+s24], $0x800, s23, s24, $0x38;
	[tilespmem:$0x12400] =	vst v63  }
0x19f: {  	s4 =	rddreg [dreg:$0x18];
	s21 =	spop (v2sf)  }
0x1a0: {  	(v2sf) =	vpush v50, $0xC;
	[tilespmem:s6], [sflag:$0x2] =	stream.strided.gather [hbm4b:s21+s24], $0x800, s23, s24, $0x38;
	[tilespmem:$0x12400] =	vst v63  }
0x1a1: {  	s6 =	rddreg [dreg:$0x19];
	s21 =	spop (v2sf)  }
0x1a2: {  	(v2sf) =	vpush v49, $0xD;
	[tilespmem:s4], [sflag:$0x1] =	stream.strided.gather [hbm4b:s21+s24], $0x800, s23, s24, $0x38;
	[tilespmem:$0x12400] =	vst v63  }
0x1a3: {  	s4 =	rddreg [dreg:$0x1a];
	s21 =	spop (v2sf)  }
0x1a4: {  	(v2sf) =	vpush v50, $0xD;
	[tilespmem:s6], [sflag:$0x2] =	stream.strided.gather [hbm4b:s21+s24], $0x800, s23, s24, $0x38;
	[tilespmem:$0x12400] =	vst v63  }
0x1a5: {  	s6 =	rddreg [dreg:$0x1b];
	s21 =	spop (v2sf)  }
0x1a6: {  	(v2sf) =	vpush v49, $0xE;
	[tilespmem:s4], [sflag:$0x1] =	stream.strided.gather [hbm4b:s21+s24], $0x800, s23, s24, $0x38;
	[tilespmem:$0x12400] =	vst v63  }
0x1a7: {  	s4 =	rddreg [dreg:$0x1c];
	s21 =	spop (v2sf)  }
0x1a8: {  	(v2sf) =	vpush v50, $0xE;
	[tilespmem:s6], [sflag:$0x2] =	stream.strided.gather [hbm4b:s21+s24], $0x800, s23, s24, $0x38;
	[tilespmem:$0x12400] =	vst v63  }
0x1a9: {  	s6 =	rddreg [dreg:$0x1d];
	s21 =	spop (v2sf)  }
0x1aa: {  	(v2sf) =	vpush v49, $0xF;
	[tilespmem:s4], [sflag:$0x1] =	stream.strided.gather [hbm4b:s21+s24], $0x800, s23, s24, $0x38;
	[tilespmem:$0x12400] =	vst v63  }
0x1ab: {  	s4 =	rddreg [dreg:$0x1e];
	s21 =	spop (v2sf)  }
0x1ac: {  	(v2sf) =	vpush v50, $0xF;
	[tilespmem:s6], [sflag:$0x2] =	stream.strided.gather [hbm4b:s21+s24], $0x800, s23, s24, $0x38;
	[tilespmem:$0x12400] =	vst v63  }
0x1ad: {  	s6 =	rddreg [dreg:$0x1f];
	s21 =	spop (v2sf)  }
0x1ae: {  	[tilespmem:s4], [sflag:$0x1] =	stream.strided.gather [hbm4b:s21+s24], $0x800, s23, s24, $0x38;
	[tilespmem:$0x12400] =	vst v63  }
0x1af: {  	s4 =	sld [smem:$0x7F7];
	s21 =	spop (v2sf)  }
0x1b0: {  	[tilespmem:s6], [sflag:$0x2] =	stream.strided.gather [hbm4b:s21+s24], $0x800, s23, s24, $0x38;
	[tilespmem:$0x12400] =	vst v63  }
0x1b1: {  	s6 =	sld [smem:$0x7F9];
	s21 =	spop (v2sf)  }
0x1b2: {  	[tilespmem:s4], [sflag:$0x1] =	stream.strided.gather [hbm4b:s21+s24], $0x800, s23, s24, $0x38;
	[tilespmem:$0x12400] =	vst v63  }
0x1b3: {  	s4 =	sld [smem:$0x7FA];
	s21 =	spop (v2sf)  }
0x1b4: {  	[tilespmem:s6], [sflag:$0x2] =	stream.strided.gather [hbm4b:s21+s24], $0x800, s23, s24, $0x38;
	[tilespmem:$0x12400] =	vst v63  }
0x1b5: {  	s6 =	sld [smem:$0x7FB];
	s21 =	spop (v2sf)  }
0x1b6: {  	[tilespmem:s4], [sflag:$0x1] =	stream.strided.gather [hbm4b:s21+s24], $0x800, s23, s24, $0x38;
	[tilespmem:$0x12400] =	vst v63  }
0x1b7: {  	s4 =	sld [smem:$0x7FC];
	s21 =	spop (v2sf)  }
0x1b8: {  	[tilespmem:s6], [sflag:$0x2] =	stream.strided.gather [hbm4b:s21+s24], $0x800, s23, s24, $0x38;
	[tilespmem:$0x12400] =	vst v63  }
0x1b9: {  	s6 =	sld [smem:$0x7FD];
	s21 =	spop (v2sf)  }
0x1ba: {  	[tilespmem:s4], [sflag:$0x1] =	stream.strided.gather [hbm4b:s21+s24], $0x800, s23, s24, $0x38;
	[tilespmem:$0x12400] =	vst v63  }
0x1bb: {  	s21 =	spop (v2sf)  }
0x1bc: {  	[tilespmem:s6], [sflag:$0x2] =	stream.strided.gather [hbm4b:s21+s24], $0x800, s23, s24, $0x38;
	[tilespmem:$0x12400] =	vst v63  }
0x1bd: {  	_ =	swait.ge [sflag:s26], $0x800  }
0x1be: {  	[sflag:s26] =	ssyncset.done $0x0  }
0x1bf: {  	[sflag:s26] =	ssyncadd.s32 $0xFFFFF800  }
0x1c0: {  	_ =	swait.ge [sflag:s28], $0x800  }
0x1c1: {  	[sflag:s28] =	ssyncset.done $0x0  }
0x1c2: {  	[sflag:s28] =	ssyncadd.s32 $0xFFFFF800  }
0x1c3: {  	_ =	swait.ge [sflag:s26], $0x800  }
0x1c4: {  	[sflag:s26] =	ssyncset.done $0x0  }
0x1c5: {  	[sflag:s26] =	ssyncadd.s32 $0xFFFFF800  }
0x1c6: {  	_ =	swait.ge [sflag:s28], $0x800  }
0x1c7: {  	[sflag:s28] =	ssyncset.done $0x0  }
0x1c8: {  	[sflag:s28] =	ssyncadd.s32 $0xFFFFF800  }
0x1c9: {  	_ =	swait.ge [sflag:s26], $0x800  }
0x1ca: {  	[sflag:s26] =	ssyncset.done $0x0  }
0x1cb: {  	[sflag:s26] =	ssyncadd.s32 $0xFFFFF800  }
0x1cc: {  	_ =	swait.ge [sflag:s28], $0x800  }
0x1cd: {  	[sflag:s28] =	ssyncset.done $0x0  }
0x1ce: {  	[sflag:s28] =	ssyncadd.s32 $0xFFFFF800  }
0x1cf: {  	_ =	swait.ge [sflag:s26], $0x800  }
0x1d0: {  	[sflag:s26] =	ssyncset.done $0x0  }
0x1d1: {  	[sflag:s26] =	ssyncadd.s32 $0xFFFFF800  }
0x1d2: {  	_ =	swait.ge [sflag:s28], $0x800  }
0x1d3: {  	[sflag:s28] =	ssyncset.done $0x0  }
0x1d4: {  	[sflag:s28] =	ssyncadd.s32 $0xFFFFF800  }
0x1d5: {  	_ =	swait.ge [sflag:s26], $0x800  }
0x1d6: {  	[sflag:s26] =	ssyncset.done $0x0  }
0x1d7: {  	[sflag:s26] =	ssyncadd.s32 $0xFFFFF800  }
0x1d8: {  	_ =	swait.ge [sflag:s28], $0x800  }
0x1d9: {  	[sflag:s28] =	ssyncset.done $0x0  }
0x1da: {  	[sflag:s28] =	ssyncadd.s32 $0xFFFFF800  }
0x1db: {  	_ =	swait.ge [sflag:s26], $0x800  }
0x1dc: {  	[sflag:s26] =	ssyncset.done $0x0  }
0x1dd: {  	[sflag:s26] =	ssyncadd.s32 $0xFFFFF800  }
0x1de: {  	_ =	swait.ge [sflag:s28], $0x800  }
0x1df: {  	[sflag:s28] =	ssyncset.done $0x0  }
0x1e0: {  	[sflag:s28] =	ssyncadd.s32 $0xFFFFF800  }
0x1e1: {  	_ =	swait.ge [sflag:s26], $0x800  }
0x1e2: {  	[sflag:s26] =	ssyncset.done $0x0  }
0x1e3: {  	[sflag:s26] =	ssyncadd.s32 $0xFFFFF800  }
0x1e4: {  	_ =	swait.ge [sflag:s28], $0x800  }
0x1e5: {  	[sflag:s28] =	ssyncset.done $0x0  }
0x1e6: {  	[sflag:s28] =	ssyncadd.s32 $0xFFFFF800  }
0x1e7: {  	_ =	swait.ge [sflag:s26], $0x800  }
0x1e8: {  	[sflag:s26] =	ssyncset.done $0x0  }
0x1e9: {  	[sflag:s26] =	ssyncadd.s32 $0xFFFFF800  }
0x1ea: {  	_ =	swait.ge [sflag:s28], $0x800  }
0x1eb: {  	[sflag:s28] =	ssyncset.done $0x0  }
0x1ec: {  	[sflag:s28] =	ssyncadd.s32 $0xFFFFF800  }
0x1ed: {  	_ =	swait.ge [sflag:s26], $0x800  }
0x1ee: {  	[sflag:s26] =	ssyncset.done $0x0  }
0x1ef: {  	[sflag:s26] =	ssyncadd.s32 $0xFFFFF800  }
0x1f0: {  	_ =	swait.ge [sflag:s28], $0x800  }
0x1f1: {  	[sflag:s28] =	ssyncset.done $0x0  }
0x1f2: {  	[sflag:s28] =	ssyncadd.s32 $0xFFFFF800  }
0x1f3: {  	_ =	swait.ge [sflag:s26], $0x800  }
0x1f4: {  	[sflag:s26] =	ssyncset.done $0x0  }
0x1f5: {  	[sflag:s26] =	ssyncadd.s32 $0xFFFFF800  }
0x1f6: {  	_ =	swait.ge [sflag:s28], $0x800  }
0x1f7: {  	[sflag:s28] =	ssyncset.done $0x0  }
0x1f8: {  	[sflag:s28] =	ssyncadd.s32 $0xFFFFF800  }
0x1f9: {  	_ =	swait.ge [sflag:s26], $0x800  }
0x1fa: {  	[sflag:s26] =	ssyncset.done $0x0  }
0x1fb: {  	[sflag:s26] =	ssyncadd.s32 $0xFFFFF800  }
0x1fc: {  	_ =	swait.ge [sflag:s28], $0x800  }
0x1fd: {  	[sflag:s28] =	ssyncset.done $0x0  }
0x1fe: {  	[sflag:s28] =	ssyncadd.s32 $0xFFFFF800  }
0x1ff: {  	_ =	swait.ge [sflag:s26], $0x800  }
0x200: {  	[sflag:s26] =	ssyncset.done $0x0  }
0x201: {  	[sflag:s26] =	ssyncadd.s32 $0xFFFFF800  }
0x202: {  	_ =	swait.ge [sflag:s28], $0x800  }
0x203: {  	[sflag:s28] =	ssyncset.done $0x0  }
0x204: {  	[sflag:s28] =	ssyncadd.s32 $0xFFFFF800  }
0x205: {  	_ =	swait.ge [sflag:s26], $0x800  }
0x206: {  	[sflag:s26] =	ssyncset.done $0x0  }
0x207: {  	[sflag:s26] =	ssyncadd.s32 $0xFFFFF800  }
0x208: {  	_ =	swait.ge [sflag:s28], $0x800  }
0x209: {  	[sflag:s28] =	ssyncset.done $0x0  }
0x20a: {  	[sflag:s28] =	ssyncadd.s32 $0xFFFFF800  }
0x20b: {  	_ =	swait.ge [sflag:s26], $0x800  }
0x20c: {  	[sflag:s26] =	ssyncset.done $0x0  }
0x20d: {  	[sflag:s26] =	ssyncadd.s32 $0xFFFFF800  }
0x20e: {  	_ =	swait.ge [sflag:s28], $0x800  }
0x20f: {  	[sflag:s28] =	ssyncset.done $0x0  }
0x210: {  	[sflag:s28] =	ssyncadd.s32 $0xFFFFF800  }
0x211: {  	_ =	swait.ge [sflag:s26], $0x800  }
0x212: {  	[sflag:s26] =	ssyncset.done $0x0  }
0x213: {  	[sflag:s26] =	ssyncadd.s32 $0xFFFFF800  }
0x214: {  	_ =	swait.ge [sflag:s28], $0x800  }
0x215: {  	v17 =	vand.u32 $0x7F, v17;
	[sflag:s28] =	ssyncset.done $0x0  }
0x216: {  	v47 =	vbroadcast v17, $0x0;
	v18 =	vand.u32 $0x7F, v18;
	[sflag:s28] =	ssyncadd.s32 $0xFFFFF800  }
0x217: {  	v48 =	vbroadcast v18, $0x0;
	_ =	swait.ge [sflag:s26], $0x800  }
0x218: {  	v47 =	vor.u32 v0, v47;
	[sflag:s26] =	ssyncset.done $0x0  }
0x219: {  	v48 =	vor.u32 v0, v48;
	[sflag:s26] =	ssyncadd.s32 $0xFFFFF800  }
0x21a: {  	s3 =	smov.u32 s31;
	_ =	swait.ge [sflag:s28], $0x800  }
0x21b: {  	s21 =	sadd.s32 $0xFFFFFFF1, s3;
	[sflag:s28] =	ssyncset.done $0x0  }
0x21c: {  	v57 =	vmov s21;
	[sflag:s28] =	ssyncadd.s32 $0xFFFFF800  }
0x21d: {  	v58 =	vshll.u32 v57, $0x3;
	v47 =	vld.idx.msk [tilespmem:v47+s24+$0x0], $0xffff  }
0x21e: {  	v49 =	vand.u32 $0x70, v57;
	v50 =	vand.u32 $0xC00, v58;
	v48 =	vld.idx.msk [tilespmem:v48+s25+$0x0], $0xffff  }
0x21f: {  	v45 =	vbroadcast v17, $0x1;
	v49 =	vor.u32 v50, v49  }
0x220: {  	v46 =	vbroadcast v18, $0x1;
	v49 =	vor.u32 v1, v49  }
0x221: {  	v45 =	vor.u32 v2, v45  }
0x222: {  	v46 =	vor.u32 v2, v46  }
0x223: {  	v47 =	vmul.f32 v48, v47  }
0x224: {  	s6 =	sadd.s32 $0xFFFFFFF2, s3  }
0x225: {  	v59 =	vmov s6;
	[tilespmem:v49+s29+$0x0] =	vst.idx.msk $0xffff, v47  }
0x226: {  	v60 =	vshll.u32 v59, $0x3;
	v45 =	vld.idx.msk [tilespmem:v45+s24+$0x0], $0xffff  }
0x227: {  	v48 =	vand.u32 $0x71, v59;
	v47 =	vand.u32 $0xC00, v60;
	v46 =	vld.idx.msk [tilespmem:v46+s25+$0x0], $0xffff  }
0x228: {  	v43 =	vbroadcast v17, $0x2;
	v47 =	vor.u32 v47, v48  }
0x229: {  	v44 =	vbroadcast v18, $0x2;
	v47 =	vor.u32 v1, v47  }
0x22a: {  	v43 =	vor.u32 v3, v43  }
0x22b: {  	v44 =	vor.u32 v3, v44  }
0x22c: {  	v45 =	vmul.f32 v46, v45  }
0x22d: {  	s21 =	sadd.s32 $0xFFFFFFF3, s3  }
0x22e: {  	v61 =	vmov s21;
	[tilespmem:v47+s29+$0x0] =	vst.idx.msk $0xffff, v45  }
0x22f: {  	v62 =	vshll.u32 v61, $0x3;
	v43 =	vld.idx.msk [tilespmem:v43+s24+$0x0], $0xffff  }
0x230: {  	v63 =	vand.u32 $0x72, v61;
	v48 =	vand.u32 $0xC00, v62;
	v44 =	vld.idx.msk [tilespmem:v44+s25+$0x0], $0xffff  }
0x231: {  	v41 =	vbroadcast v17, $0x3;
	v45 =	vor.u32 v48, v63  }
0x232: {  	v42 =	vbroadcast v18, $0x3;
	v45 =	vor.u32 v1, v45  }
0x233: {  	v41 =	vor.u32 v4, v41  }
0x234: {  	v42 =	vor.u32 v4, v42  }
0x235: {  	v43 =	vmul.f32 v44, v43  }
0x236: {  	s6 =	sadd.s32 $0xFFFFFFF4, s3  }
0x237: {  	v49 =	vmov s6;
	[tilespmem:v45+s29+$0x0] =	vst.idx.msk $0xffff, v43  }
0x238: {  	v50 =	vshll.u32 v49, $0x3;
	v41 =	vld.idx.msk [tilespmem:v41+s24+$0x0], $0xffff  }
0x239: {  	v46 =	vand.u32 $0x73, v49;
	v44 =	vand.u32 $0xC00, v50;
	v42 =	vld.idx.msk [tilespmem:v42+s25+$0x0], $0xffff  }
0x23a: {  	v39 =	vbroadcast v17, $0x4;
	v51 =	vor.u32 v44, v46  }
0x23b: {  	v40 =	vbroadcast v18, $0x4;
	v43 =	vor.u32 v1, v51  }
0x23c: {  	v39 =	vor.u32 v5, v39  }
0x23d: {  	v40 =	vor.u32 v5, v40  }
0x23e: {  	v41 =	vmul.f32 v42, v41  }
0x23f: {  	s21 =	sadd.s32 $0xFFFFFFF5, s3  }
0x240: {  	v52 =	vmov s21;
	[tilespmem:v43+s29+$0x0] =	vst.idx.msk $0xffff, v41  }
0x241: {  	v53 =	vshll.u32 v52, $0x3;
	v39 =	vld.idx.msk [tilespmem:v39+s24+$0x0], $0xffff  }
0x242: {  	v54 =	vand.u32 $0x74, v52;
	v55 =	vand.u32 $0xC00, v53;
	v40 =	vld.idx.msk [tilespmem:v40+s25+$0x0], $0xffff  }
0x243: {  	v37 =	vbroadcast v17, $0x5;
	v42 =	vor.u32 v55, v54  }
0x244: {  	v38 =	vbroadcast v18, $0x5;
	v56 =	vor.u32 v1, v42  }
0x245: {  	v37 =	vor.u32 v6, v37  }
0x246: {  	v38 =	vor.u32 v6, v38  }
0x247: {  	v39 =	vmul.f32 v40, v39  }
0x248: {  	s6 =	sadd.s32 $0xFFFFFFF6, s3  }
0x249: {  	v57 =	vmov s6;
	[tilespmem:v56+s29+$0x0] =	vst.idx.msk $0xffff, v39  }
0x24a: {  	v58 =	vshll.u32 v57, $0x3;
	v37 =	vld.idx.msk [tilespmem:v37+s24+$0x0], $0xffff  }
0x24b: {  	v42 =	vand.u32 $0x75, v57;
	v43 =	vand.u32 $0xC00, v58;
	v38 =	vld.idx.msk [tilespmem:v38+s25+$0x0], $0xffff  }
0x24c: {  	v35 =	vbroadcast v17, $0x6;
	v59 =	vor.u32 v43, v42  }
0x24d: {  	v36 =	vbroadcast v18, $0x6;
	v40 =	vor.u32 v1, v59  }
0x24e: {  	v35 =	vor.u32 v7, v35  }
0x24f: {  	v36 =	vor.u32 v7, v36  }
0x250: {  	v37 =	vmul.f32 v38, v37  }
0x251: {  	s21 =	sadd.s32 $0xFFFFFFF7, s3  }
0x252: {  	v60 =	vmov s21;
	[tilespmem:v40+s29+$0x0] =	vst.idx.msk $0xffff, v37  }
0x253: {  	v39 =	vshll.u32 v60, $0x3;
	v35 =	vld.idx.msk [tilespmem:v35+s24+$0x0], $0xffff  }
0x254: {  	v61 =	vand.u32 $0x76, v60;
	v39 =	vand.u32 $0xC00, v39;
	v36 =	vld.idx.msk [tilespmem:v36+s25+$0x0], $0xffff  }
0x255: {  	v33 =	vbroadcast v17, $0x7;
	v39 =	vor.u32 v39, v61  }
0x256: {  	v34 =	vbroadcast v18, $0x7;
	v62 =	vor.u32 v1, v39  }
0x257: {  	v33 =	vor.u32 v8, v33  }
0x258: {  	v34 =	vor.u32 v8, v34  }
0x259: {  	v35 =	vmul.f32 v36, v35  }
0x25a: {  	s6 =	sadd.s32 $0xFFFFFFF8, s3  }
0x25b: {  	v63 =	vmov s6;
	[tilespmem:v62+s29+$0x0] =	vst.idx.msk $0xffff, v35  }
0x25c: {  	v42 =	vshll.u32 v63, $0x3;
	v33 =	vld.idx.msk [tilespmem:v33+s24+$0x0], $0xffff  }
0x25d: {  	v39 =	vand.u32 $0xC00, v42;
	v37 =	vand.u32 $0x77, v63;
	v34 =	vld.idx.msk [tilespmem:v34+s25+$0x0], $0xffff  }
0x25e: {  	v31 =	vbroadcast v17, $0x8;
	v37 =	vor.u32 v39, v37  }
0x25f: {  	v32 =	vbroadcast v18, $0x8;
	v37 =	vor.u32 v1, v37  }
0x260: {  	v31 =	vor.u32 v9, v31  }
0x261: {  	v32 =	vor.u32 v9, v32  }
0x262: {  	v33 =	vmul.f32 v34, v33  }
0x263: {  	s21 =	sadd.s32 $0xFFFFFFF9, s3  }
0x264: {  	v43 =	vmov s21;
	[tilespmem:v37+s29+$0x0] =	vst.idx.msk $0xffff, v33  }
0x265: {  	v44 =	vshll.u32 v43, $0x3;
	v31 =	vld.idx.msk [tilespmem:v31+s24+$0x0], $0xffff  }
0x266: {  	v36 =	vand.u32 $0xC00, v44;
	v35 =	vand.u32 $0x78, v43;
	v32 =	vld.idx.msk [tilespmem:v32+s25+$0x0], $0xffff  }
0x267: {  	v29 =	vbroadcast v17, $0x9;
	v35 =	vor.u32 v36, v35  }
0x268: {  	v30 =	vbroadcast v18, $0x9;
	v35 =	vor.u32 v1, v35  }
0x269: {  	v29 =	vor.u32 v10, v29  }
0x26a: {  	v30 =	vor.u32 v10, v30  }
0x26b: {  	v31 =	vmul.f32 v32, v31  }
0x26c: {  	s6 =	sadd.s32 $0xFFFFFFFA, s3  }
0x26d: {  	v45 =	vmov s6;
	[tilespmem:v35+s29+$0x0] =	vst.idx.msk $0xffff, v31  }
0x26e: {  	v46 =	vshll.u32 v45, $0x3;
	v29 =	vld.idx.msk [tilespmem:v29+s24+$0x0], $0xffff  }
0x26f: {  	v34 =	vand.u32 $0xC00, v46;
	v33 =	vand.u32 $0x79, v45;
	v30 =	vld.idx.msk [tilespmem:v30+s25+$0x0], $0xffff  }
0x270: {  	v27 =	vbroadcast v17, $0xA;
	v33 =	vor.u32 v34, v33  }
0x271: {  	v28 =	vbroadcast v18, $0xA;
	v33 =	vor.u32 v1, v33  }
0x272: {  	v27 =	vor.u32 v11, v27  }
0x273: {  	v28 =	vor.u32 v11, v28  }
0x274: {  	v29 =	vmul.f32 v30, v29  }
0x275: {  	s21 =	sadd.s32 $0xFFFFFFFB, s3  }
0x276: {  	v47 =	vmov s21;
	[tilespmem:v33+s29+$0x0] =	vst.idx.msk $0xffff, v29  }
0x277: {  	v48 =	vshll.u32 v47, $0x3;
	v27 =	vld.idx.msk [tilespmem:v27+s24+$0x0], $0xffff  }
0x278: {  	v32 =	vand.u32 $0xC00, v48;
	v31 =	vand.u32 $0x7A, v47;
	v28 =	vld.idx.msk [tilespmem:v28+s25+$0x0], $0xffff  }
0x279: {  	v25 =	vbroadcast v17, $0xB;
	v31 =	vor.u32 v32, v31  }
0x27a: {  	v26 =	vbroadcast v18, $0xB;
	v31 =	vor.u32 v1, v31  }
0x27b: {  	v25 =	vor.u32 v12, v25  }
0x27c: {  	v26 =	vor.u32 v12, v26  }
0x27d: {  	v27 =	vmul.f32 v28, v27  }
0x27e: {  	s6 =	sadd.s32 $0xFFFFFFFC, s3  }
0x27f: {  	v49 =	vmov s6;
	[tilespmem:v31+s29+$0x0] =	vst.idx.msk $0xffff, v27  }
0x280: {  	v50 =	vshll.u32 v49, $0x3;
	v25 =	vld.idx.msk [tilespmem:v25+s24+$0x0], $0xffff  }
0x281: {  	v30 =	vand.u32 $0x7B, v49;
	v29 =	vand.u32 $0xC00, v50;
	v26 =	vld.idx.msk [tilespmem:v26+s25+$0x0], $0xffff  }
0x282: {  	v23 =	vbroadcast v17, $0xC;
	v29 =	vor.u32 v29, v30  }
0x283: {  	v24 =	vbroadcast v18, $0xC;
	v29 =	vor.u32 v1, v29  }
0x284: {  	v23 =	vor.u32 v13, v23  }
0x285: {  	v24 =	vor.u32 v13, v24  }
0x286: {  	v25 =	vmul.f32 v26, v25  }
0x287: {  	s21 =	sadd.s32 $0xFFFFFFFD, s3  }
0x288: {  	v51 =	vmov s21;
	[tilespmem:v29+s29+$0x0] =	vst.idx.msk $0xffff, v25  }
0x289: {  	v52 =	vshll.u32 v51, $0x3;
	v23 =	vld.idx.msk [tilespmem:v23+s24+$0x0], $0xffff  }
0x28a: {  	v53 =	vand.u32 $0x7C, v51;
	v54 =	vand.u32 $0xC00, v52;
	v24 =	vld.idx.msk [tilespmem:v24+s25+$0x0], $0xffff  }
0x28b: {  	v21 =	vbroadcast v17, $0xD;
	v27 =	vor.u32 v54, v53  }
0x28c: {  	v22 =	vbroadcast v18, $0xD;
	v27 =	vor.u32 v1, v27  }
0x28d: {  	v58 =	vor.u32 v14, v21  }
0x28e: {  	v22 =	vor.u32 v14, v22  }
0x28f: {  	v23 =	vmul.f32 v24, v23  }
0x290: {  	s6 =	sadd.s32 $0xFFFFFFFE, s3  }
0x291: {  	v55 =	vmov s6;
	[tilespmem:v27+s29+$0x0] =	vst.idx.msk $0xffff, v23  }
0x292: {  	v56 =	vshll.u32 v55, $0x3;
	v23 =	vld.idx.msk [tilespmem:v58+s24+$0x0], $0xffff  }
0x293: {  	v28 =	vand.u32 $0x7D, v55;
	v26 =	vand.u32 $0xC00, v56;
	v22 =	vld.idx.msk [tilespmem:v22+s25+$0x0], $0xffff  }
0x294: {  	v19 =	vbroadcast v17, $0xE;
	v57 =	vor.u32 v26, v28  }
0x295: {  	v20 =	vbroadcast v18, $0xE;
	v25 =	vor.u32 v1, v57  }
0x296: {  	v62 =	vor.u32 v15, v19  }
0x297: {  	p0 =	sne.s32 s31, $0x1FF;
	s21 =	sadd.s32 $0xFFFFFFFF, s3;
	v63 =	vor.u32 v15, v20  }
.Ltmp0:
0x298: {  	v21 =	vmov s21;
	v61 =	vmov s3;
	v22 =	vmul.f32 v22, v23;
	(pc) =	sbr.rel @p0 .LBB2_2-.Ltmp0, $4  }
0x299: {  	v59 =	vshll.u32 v21, $0x3;
	v21 =	vand.u32 $0x7E, v21;
	v19 =	vshll.u32 v61, $0x3  }
0x29a: {  	v60 =	vand.u32 $0xC00, v59;
	v20 =	vand.u32 $0x7F, v61;
	v19 =	vand.u32 $0xC00, v19;
	[tilespmem:v25+s29+$0x0] =	vst.idx.msk $0xffff, v22  }
0x29b: {  	v17 =	vbroadcast v17, $0xF;
	v21 =	vor.u32 v60, v21;
	v19 =	vor.u32 v19, v20;
	v20 =	vld.idx.msk [tilespmem:v62+s24+$0x0], $0xffff  }
0x29c: {  	s31 =	sadd.s32 $0x10, s31;
	v18 =	vbroadcast v18, $0xF;
	v21 =	vor.u32 v1, v21;
	v19 =	vor.u32 v1, v19;
	v22 =	vld.idx.msk [tilespmem:v63+s25+$0x0], $0xffff  }
0x29d: {  	_ =	sdelay $0x1  }
0x29e: {  	v17 =	vor.u32 v16, v17  }
0x29f: {  	v18 =	vor.u32 v16, v18  }
0x2a0: {  	v20 =	vmul.f32 v22, v20;
	_ =	sdelay $0x1  }
0x2a1: {  	[tilespmem:v21+s29+$0x0] =	vst.idx.msk $0xffff, v20  }
0x2a2: {  	v17 =	vld.idx.msk [tilespmem:v17+s24+$0x0], $0xffff  }
0x2a3: {  	v18 =	vld.idx.msk [tilespmem:v18+s25+$0x0], $0xffff;
	_ =	sdelay $0x4  }
0x2a4: {  	v17 =	vmul.f32 v18, v17;
	_ =	sdelay $0x1  }
0x2a5: {  	[tilespmem:v19+s29+$0x0] =	vst.idx.msk $0xffff, v17  }
0x2a6: {  	[hbm4b:s5+s2] =	stream.linear.scatter [tilespmem:s29], [sflag:$0x3], $0x80, $0x38;
	[tilespmem:$0x12400] =	vst v63  }
0x2a7: {  	s0 =	sadd.s32 $0x80, s5;
	s3 =	simm.s32 $0x10800  }
0x2a8: {  	[hbm4b:s0+s2] =	stream.linear.scatter [tilespmem:s3], [sflag:$0x3], $0x80, $0x38;
	[tilespmem:$0x12400] =	vst v63  }
0x2a9: {  	s4 =	simm.s32 $0x10C00;
	s3 =	sadd.s32 $0x100, s5  }
0x2aa: {  	[hbm4b:s3+s2] =	stream.linear.scatter [tilespmem:s4], [sflag:$0x3], $0x80, $0x38;
	[tilespmem:$0x12400] =	vst v63  }
0x2ab: {  	s6 =	sadd.s32 $0x180, s5;
	s21 =	simm.s32 $0x11000  }
0x2ac: {  	[hbm4b:s6+s2] =	stream.linear.scatter [tilespmem:s21], [sflag:$0x3], $0x80, $0x38;
	[tilespmem:$0x12400] =	vst v63  }
0x2ad: {  	_ =	swait.ge [sflag:s22], $0x200  }
0x2ae: {  	s3 =	sld [smem:$0x7F6]  }
0x2af: {  	[sflag:s22] =	ssyncset.done $0x0  }
0x2b0: {  	s30 =	simm.s32 $0x10480;
	[sflag:s22] =	ssyncadd.s32 $0xFFFFFE00  }
0x2b1: {  	[hbm4b:s3+s2] =	stream.linear.scatter [tilespmem:s30], [sflag:$0x3], $0x80, $0x38;
	[tilespmem:$0x12400] =	vst v63  }
0x2b2: {  	s4 =	simm.s32 $0x10880;
	s31 =	sadd.s32 $0x80, s3  }
0x2b3: {  	[hbm4b:s31+s2] =	stream.linear.scatter [tilespmem:s4], [sflag:$0x3], $0x80, $0x38;
	[tilespmem:$0x12400] =	vst v63  }
0x2b4: {  	s21 =	simm.s32 $0x10C80;
	s6 =	sadd.s32 $0x100, s3  }
0x2b5: {  	[hbm4b:s6+s2] =	stream.linear.scatter [tilespmem:s21], [sflag:$0x3], $0x80, $0x38;
	[tilespmem:$0x12400] =	vst v63  }
0x2b6: {  	s30 =	sadd.s32 $0x180, s3;
	s31 =	simm.s32 $0x11080  }
0x2b7: {  	[hbm4b:s30+s2] =	stream.linear.scatter [tilespmem:s31], [sflag:$0x3], $0x80, $0x38;
	[tilespmem:$0x12400] =	vst v63  }
0x2b8: {  	_ =	swait.ge [sflag:s22], $0x200  }
0x2b9: {  	[sflag:s22] =	ssyncset.done $0x0  }
0x2ba: {  	s4 =	simm.s32 $0x10500;
	[sflag:s22] =	ssyncadd.s32 $0xFFFFFE00  }
0x2bb: {  	[hbm4b:s7+s2] =	stream.linear.scatter [tilespmem:s4], [sflag:$0x3], $0x80, $0x38;
	[tilespmem:$0x12400] =	vst v63  }
0x2bc: {  	s6 =	sadd.s32 $0x80, s7;
	s21 =	simm.s32 $0x10900  }
0x2bd: {  	[hbm4b:s6+s2] =	stream.linear.scatter [tilespmem:s21], [sflag:$0x3], $0x80, $0x38;
	[tilespmem:$0x12400] =	vst v63  }
0x2be: {  	s30 =	sadd.s32 $0x100, s7;
	s31 =	simm.s32 $0x10D00  }
0x2bf: {  	[hbm4b:s30+s2] =	stream.linear.scatter [tilespmem:s31], [sflag:$0x3], $0x80, $0x38;
	[tilespmem:$0x12400] =	vst v63  }
0x2c0: {  	s4 =	sadd.s32 $0x180, s7;
	s6 =	simm.s32 $0x11100  }
0x2c1: {  	[hbm4b:s4+s2] =	stream.linear.scatter [tilespmem:s6], [sflag:$0x3], $0x80, $0x38;
	[tilespmem:$0x12400] =	vst v63  }
0x2c2: {  	_ =	swait.ge [sflag:s22], $0x200  }
0x2c3: {  	[sflag:s22] =	ssyncset.done $0x0  }
0x2c4: {  	s21 =	simm.s32 $0x10580;
	[sflag:s22] =	ssyncadd.s32 $0xFFFFFE00  }
0x2c5: {  	[hbm4b:s8+s2] =	stream.linear.scatter [tilespmem:s21], [sflag:$0x3], $0x80, $0x38;
	[tilespmem:$0x12400] =	vst v63  }
0x2c6: {  	s30 =	sadd.s32 $0x80, s8;
	s31 =	simm.s32 $0x10980  }
0x2c7: {  	[hbm4b:s30+s2] =	stream.linear.scatter [tilespmem:s31], [sflag:$0x3], $0x80, $0x38;
	[tilespmem:$0x12400] =	vst v63  }
0x2c8: {  	s4 =	sadd.s32 $0x100, s8;
	s6 =	simm.s32 $0x10D80  }
0x2c9: {  	[hbm4b:s4+s2] =	stream.linear.scatter [tilespmem:s6], [sflag:$0x3], $0x80, $0x38;
	[tilespmem:$0x12400] =	vst v63  }
0x2ca: {  	s21 =	sadd.s32 $0x180, s8;
	s30 =	simm.s32 $0x11180  }
0x2cb: {  	[hbm4b:s21+s2] =	stream.linear.scatter [tilespmem:s30], [sflag:$0x3], $0x80, $0x38;
	[tilespmem:$0x12400] =	vst v63  }
0x2cc: {  	_ =	swait.ge [sflag:s22], $0x200  }
0x2cd: {  	[sflag:s22] =	ssyncset.done $0x0  }
0x2ce: {  	s31 =	simm.s32 $0x10600;
	[sflag:s22] =	ssyncadd.s32 $0xFFFFFE00  }
0x2cf: {  	[hbm4b:s9+s2] =	stream.linear.scatter [tilespmem:s31], [sflag:$0x3], $0x80, $0x38;
	[tilespmem:$0x12400] =	vst v63  }
0x2d0: {  	s3 =	sadd.s32 $0x80, s9;
	s4 =	simm.s32 $0x10A00  }
0x2d1: {  	[hbm4b:s3+s2] =	stream.linear.scatter [tilespmem:s4], [sflag:$0x3], $0x80, $0x38;
	[tilespmem:$0x12400] =	vst v63  }
0x2d2: {  	s6 =	sadd.s32 $0x100, s9;
	s21 =	simm.s32 $0x10E00  }
0x2d3: {  	[hbm4b:s6+s2] =	stream.linear.scatter [tilespmem:s21], [sflag:$0x3], $0x80, $0x38;
	[tilespmem:$0x12400] =	vst v63  }
0x2d4: {  	s30 =	sadd.s32 $0x180, s9;
	s31 =	simm.s32 $0x11200  }
0x2d5: {  	[hbm4b:s30+s2] =	stream.linear.scatter [tilespmem:s31], [sflag:$0x3], $0x80, $0x38;
	[tilespmem:$0x12400] =	vst v63  }
0x2d6: {  	_ =	swait.ge [sflag:s22], $0x200  }
0x2d7: {  	[sflag:s22] =	ssyncset.done $0x0  }
0x2d8: {  	s4 =	simm.s32 $0x10680;
	[sflag:s22] =	ssyncadd.s32 $0xFFFFFE00  }
0x2d9: {  	[hbm4b:s10+s2] =	stream.linear.scatter [tilespmem:s4], [sflag:$0x3], $0x80, $0x38;
	[tilespmem:$0x12400] =	vst v63  }
0x2da: {  	s6 =	sadd.s32 $0x80, s10;
	s21 =	simm.s32 $0x10A80  }
0x2db: {  	[hbm4b:s6+s2] =	stream.linear.scatter [tilespmem:s21], [sflag:$0x3], $0x80, $0x38;
	[tilespmem:$0x12400] =	vst v63  }
0x2dc: {  	s30 =	sadd.s32 $0x100, s10;
	s31 =	simm.s32 $0x10E80  }
0x2dd: {  	[hbm4b:s30+s2] =	stream.linear.scatter [tilespmem:s31], [sflag:$0x3], $0x80, $0x38;
	[tilespmem:$0x12400] =	vst v63  }
0x2de: {  	s4 =	sadd.s32 $0x180, s10;
	s6 =	simm.s32 $0x11280  }
0x2df: {  	[hbm4b:s4+s2] =	stream.linear.scatter [tilespmem:s6], [sflag:$0x3], $0x80, $0x38;
	[tilespmem:$0x12400] =	vst v63  }
0x2e0: {  	_ =	swait.ge [sflag:s22], $0x200  }
0x2e1: {  	[sflag:s22] =	ssyncset.done $0x0  }
0x2e2: {  	s21 =	simm.s32 $0x10700;
	[sflag:s22] =	ssyncadd.s32 $0xFFFFFE00  }
0x2e3: {  	[hbm4b:s11+s2] =	stream.linear.scatter [tilespmem:s21], [sflag:$0x3], $0x80, $0x38;
	[tilespmem:$0x12400] =	vst v63  }
0x2e4: {  	s30 =	sadd.s32 $0x80, s11;
	s31 =	simm.s32 $0x10B00  }
0x2e5: {  	[hbm4b:s30+s2] =	stream.linear.scatter [tilespmem:s31], [sflag:$0x3], $0x80, $0x38;
	[tilespmem:$0x12400] =	vst v63  }
0x2e6: {  	s4 =	sadd.s32 $0x100, s11;
	s6 =	simm.s32 $0x10F00  }
0x2e7: {  	[hbm4b:s4+s2] =	stream.linear.scatter [tilespmem:s6], [sflag:$0x3], $0x80, $0x38;
	[tilespmem:$0x12400] =	vst v63  }
0x2e8: {  	s21 =	sadd.s32 $0x180, s11;
	s30 =	simm.s32 $0x11300  }
0x2e9: {  	[hbm4b:s21+s2] =	stream.linear.scatter [tilespmem:s30], [sflag:$0x3], $0x80, $0x38;
	[tilespmem:$0x12400] =	vst v63  }
0x2ea: {  	_ =	swait.ge [sflag:s22], $0x200  }
0x2eb: {  	[sflag:s22] =	ssyncset.done $0x0  }
0x2ec: {  	s31 =	simm.s32 $0x10780;
	[sflag:s22] =	ssyncadd.s32 $0xFFFFFE00  }
0x2ed: {  	[hbm4b:s12+s2] =	stream.linear.scatter [tilespmem:s31], [sflag:$0x3], $0x80, $0x38;
	[tilespmem:$0x12400] =	vst v63  }
0x2ee: {  	s3 =	sadd.s32 $0x80, s12;
	s4 =	simm.s32 $0x10B80  }
0x2ef: {  	[hbm4b:s3+s2] =	stream.linear.scatter [tilespmem:s4], [sflag:$0x3], $0x80, $0x38;
	[tilespmem:$0x12400] =	vst v63  }
0x2f0: {  	s6 =	sadd.s32 $0x100, s12;
	s21 =	simm.s32 $0x10F80  }
0x2f1: {  	[hbm4b:s6+s2] =	stream.linear.scatter [tilespmem:s21], [sflag:$0x3], $0x80, $0x38;
	[tilespmem:$0x12400] =	vst v63  }
0x2f2: {  	s30 =	sadd.s32 $0x180, s12;
	s31 =	simm.s32 $0x11380  }
0x2f3: {  	[hbm4b:s30+s2] =	stream.linear.scatter [tilespmem:s31], [sflag:$0x3], $0x80, $0x38;
	[tilespmem:$0x12400] =	vst v63  }
0x2f4: {  	_ =	swait.ge [sflag:s22], $0x200  }
0x2f5: {  	[sflag:s22] =	ssyncset.done $0x0  }
0x2f6: {  	s4 =	simm.s32 $0x11400;
	[sflag:s22] =	ssyncadd.s32 $0xFFFFFE00  }
0x2f7: {  	[hbm4b:s13+s2] =	stream.linear.scatter [tilespmem:s4], [sflag:$0x3], $0x80, $0x38;
	[tilespmem:$0x12400] =	vst v63  }
0x2f8: {  	s6 =	sadd.s32 $0x80, s13;
	s21 =	simm.s32 $0x11800  }
0x2f9: {  	[hbm4b:s6+s2] =	stream.linear.scatter [tilespmem:s21], [sflag:$0x3], $0x80, $0x38;
	[tilespmem:$0x12400] =	vst v63  }
0x2fa: {  	s30 =	sadd.s32 $0x100, s13;
	s31 =	simm.s32 $0x11C00  }
0x2fb: {  	[hbm4b:s30+s2] =	stream.linear.scatter [tilespmem:s31], [sflag:$0x3], $0x80, $0x38;
	[tilespmem:$0x12400] =	vst v63  }
0x2fc: {  	s4 =	sadd.s32 $0x180, s13;
	s6 =	simm.s32 $0x12000  }
0x2fd: {  	[hbm4b:s4+s2] =	stream.linear.scatter [tilespmem:s6], [sflag:$0x3], $0x80, $0x38;
	[tilespmem:$0x12400] =	vst v63  }
0x2fe: {  	_ =	swait.ge [sflag:s22], $0x200  }
0x2ff: {  	[sflag:s22] =	ssyncset.done $0x0  }
0x300: {  	s21 =	simm.s32 $0x11480;
	[sflag:s22] =	ssyncadd.s32 $0xFFFFFE00  }
0x301: {  	[hbm4b:s14+s2] =	stream.linear.scatter [tilespmem:s21], [sflag:$0x3], $0x80, $0x38;
	[tilespmem:$0x12400] =	vst v63  }
0x302: {  	s30 =	sadd.s32 $0x80, s14;
	s31 =	simm.s32 $0x11880  }
0x303: {  	[hbm4b:s30+s2] =	stream.linear.scatter [tilespmem:s31], [sflag:$0x3], $0x80, $0x38;
	[tilespmem:$0x12400] =	vst v63  }
0x304: {  	s4 =	sadd.s32 $0x100, s14;
	s6 =	simm.s32 $0x11C80  }
0x305: {  	[hbm4b:s4+s2] =	stream.linear.scatter [tilespmem:s6], [sflag:$0x3], $0x80, $0x38;
	[tilespmem:$0x12400] =	vst v63  }
0x306: {  	s21 =	sadd.s32 $0x180, s14;
	s30 =	simm.s32 $0x12080  }
0x307: {  	[hbm4b:s21+s2] =	stream.linear.scatter [tilespmem:s30], [sflag:$0x3], $0x80, $0x38;
	[tilespmem:$0x12400] =	vst v63  }
0x308: {  	_ =	swait.ge [sflag:s22], $0x200  }
0x309: {  	[sflag:s22] =	ssyncset.done $0x0  }
0x30a: {  	s31 =	simm.s32 $0x11500;
	[sflag:s22] =	ssyncadd.s32 $0xFFFFFE00  }
0x30b: {  	[hbm4b:s15+s2] =	stream.linear.scatter [tilespmem:s31], [sflag:$0x3], $0x80, $0x38;
	[tilespmem:$0x12400] =	vst v63  }
0x30c: {  	s3 =	sadd.s32 $0x80, s15;
	s4 =	simm.s32 $0x11900  }
0x30d: {  	[hbm4b:s3+s2] =	stream.linear.scatter [tilespmem:s4], [sflag:$0x3], $0x80, $0x38;
	[tilespmem:$0x12400] =	vst v63  }
0x30e: {  	s6 =	sadd.s32 $0x100, s15;
	s21 =	simm.s32 $0x11D00  }
0x30f: {  	[hbm4b:s6+s2] =	stream.linear.scatter [tilespmem:s21], [sflag:$0x3], $0x80, $0x38;
	[tilespmem:$0x12400] =	vst v63  }
0x310: {  	s30 =	sadd.s32 $0x180, s15;
	s31 =	simm.s32 $0x12100  }
0x311: {  	[hbm4b:s30+s2] =	stream.linear.scatter [tilespmem:s31], [sflag:$0x3], $0x80, $0x38;
	[tilespmem:$0x12400] =	vst v63  }
0x312: {  	_ =	swait.ge [sflag:s22], $0x200  }
0x313: {  	[sflag:s22] =	ssyncset.done $0x0  }
0x314: {  	s4 =	simm.s32 $0x11580;
	[sflag:s22] =	ssyncadd.s32 $0xFFFFFE00  }
0x315: {  	[hbm4b:s16+s2] =	stream.linear.scatter [tilespmem:s4], [sflag:$0x3], $0x80, $0x38;
	[tilespmem:$0x12400] =	vst v63  }
0x316: {  	s6 =	sadd.s32 $0x80, s16;
	s21 =	simm.s32 $0x11980  }
0x317: {  	[hbm4b:s6+s2] =	stream.linear.scatter [tilespmem:s21], [sflag:$0x3], $0x80, $0x38;
	[tilespmem:$0x12400] =	vst v63  }
0x318: {  	s30 =	sadd.s32 $0x100, s16;
	s31 =	simm.s32 $0x11D80  }
0x319: {  	[hbm4b:s30+s2] =	stream.linear.scatter [tilespmem:s31], [sflag:$0x3], $0x80, $0x38;
	[tilespmem:$0x12400] =	vst v63  }
0x31a: {  	s4 =	sadd.s32 $0x180, s16;
	s6 =	simm.s32 $0x12180  }
0x31b: {  	[hbm4b:s4+s2] =	stream.linear.scatter [tilespmem:s6], [sflag:$0x3], $0x80, $0x38;
	[tilespmem:$0x12400] =	vst v63  }
0x31c: {  	_ =	swait.ge [sflag:s22], $0x200  }
0x31d: {  	[sflag:s22] =	ssyncset.done $0x0  }
0x31e: {  	s21 =	simm.s32 $0x11600;
	[sflag:s22] =	ssyncadd.s32 $0xFFFFFE00  }
0x31f: {  	[hbm4b:s17+s2] =	stream.linear.scatter [tilespmem:s21], [sflag:$0x3], $0x80, $0x38;
	[tilespmem:$0x12400] =	vst v63  }
0x320: {  	s30 =	sadd.s32 $0x80, s17;
	s31 =	simm.s32 $0x11A00  }
0x321: {  	[hbm4b:s30+s2] =	stream.linear.scatter [tilespmem:s31], [sflag:$0x3], $0x80, $0x38;
	[tilespmem:$0x12400] =	vst v63  }
0x322: {  	s4 =	sadd.s32 $0x100, s17;
	s6 =	simm.s32 $0x11E00  }
0x323: {  	[hbm4b:s4+s2] =	stream.linear.scatter [tilespmem:s6], [sflag:$0x3], $0x80, $0x38;
	[tilespmem:$0x12400] =	vst v63  }
0x324: {  	s21 =	sadd.s32 $0x180, s17;
	s30 =	simm.s32 $0x12200  }
0x325: {  	[hbm4b:s21+s2] =	stream.linear.scatter [tilespmem:s30], [sflag:$0x3], $0x80, $0x38;
	[tilespmem:$0x12400] =	vst v63  }
0x326: {  	_ =	swait.ge [sflag:s22], $0x200  }
0x327: {  	[sflag:s22] =	ssyncset.done $0x0  }
0x328: {  	s31 =	simm.s32 $0x11680;
	[sflag:s22] =	ssyncadd.s32 $0xFFFFFE00  }
0x329: {  	[hbm4b:s18+s2] =	stream.linear.scatter [tilespmem:s31], [sflag:$0x3], $0x80, $0x38;
	[tilespmem:$0x12400] =	vst v63  }
0x32a: {  	s3 =	sadd.s32 $0x80, s18;
	s4 =	simm.s32 $0x11A80  }
0x32b: {  	[hbm4b:s3+s2] =	stream.linear.scatter [tilespmem:s4], [sflag:$0x3], $0x80, $0x38;
	[tilespmem:$0x12400] =	vst v63  }
0x32c: {  	s6 =	sadd.s32 $0x100, s18;
	s21 =	simm.s32 $0x11E80  }
0x32d: {  	[hbm4b:s6+s2] =	stream.linear.scatter [tilespmem:s21], [sflag:$0x3], $0x80, $0x38;
	[tilespmem:$0x12400] =	vst v63  }
0x32e: {  	s30 =	sadd.s32 $0x180, s18;
	s31 =	simm.s32 $0x12280  }
0x32f: {  	[hbm4b:s30+s2] =	stream.linear.scatter [tilespmem:s31], [sflag:$0x3], $0x80, $0x38;
	[tilespmem:$0x12400] =	vst v63  }
0x330: {  	_ =	swait.ge [sflag:s22], $0x200  }
0x331: {  	[sflag:s22] =	ssyncset.done $0x0  }
0x332: {  	s4 =	simm.s32 $0x11700;
	[sflag:s22] =	ssyncadd.s32 $0xFFFFFE00  }
0x333: {  	[hbm4b:s19+s2] =	stream.linear.scatter [tilespmem:s4], [sflag:$0x3], $0x80, $0x38;
	[tilespmem:$0x12400] =	vst v63  }
0x334: {  	s6 =	sadd.s32 $0x80, s19;
	s21 =	simm.s32 $0x11B00  }
0x335: {  	[hbm4b:s6+s2] =	stream.linear.scatter [tilespmem:s21], [sflag:$0x3], $0x80, $0x38;
	[tilespmem:$0x12400] =	vst v63  }
0x336: {  	s30 =	sadd.s32 $0x100, s19;
	s31 =	simm.s32 $0x11F00  }
0x337: {  	[hbm4b:s30+s2] =	stream.linear.scatter [tilespmem:s31], [sflag:$0x3], $0x80, $0x38;
	[tilespmem:$0x12400] =	vst v63  }
0x338: {  	s4 =	sadd.s32 $0x180, s19;
	s6 =	simm.s32 $0x12300  }
0x339: {  	[hbm4b:s4+s2] =	stream.linear.scatter [tilespmem:s6], [sflag:$0x3], $0x80, $0x38;
	[tilespmem:$0x12400] =	vst v63  }
0x33a: {  	_ =	swait.ge [sflag:s22], $0x200  }
0x33b: {  	[sflag:s22] =	ssyncset.done $0x0  }
0x33c: {  	s21 =	simm.s32 $0x11780;
	[sflag:s22] =	ssyncadd.s32 $0xFFFFFE00  }
0x33d: {  	[hbm4b:s20+s2] =	stream.linear.scatter [tilespmem:s21], [sflag:$0x3], $0x80, $0x38;
	[tilespmem:$0x12400] =	vst v63  }
0x33e: {  	s30 =	sadd.s32 $0x80, s20;
	s31 =	simm.s32 $0x11B80  }
0x33f: {  	[hbm4b:s30+s2] =	stream.linear.scatter [tilespmem:s31], [sflag:$0x3], $0x80, $0x38;
	[tilespmem:$0x12400] =	vst v63  }
0x340: {  	s4 =	sadd.s32 $0x100, s20;
	s6 =	simm.s32 $0x11F80  }
0x341: {  	[hbm4b:s4+s2] =	stream.linear.scatter [tilespmem:s6], [sflag:$0x3], $0x80, $0x38;
	[tilespmem:$0x12400] =	vst v63  }
0x342: {  	s21 =	sadd.s32 $0x180, s20;
	s30 =	simm.s32 $0x12380  }
0x343: {  	[hbm4b:s21+s2] =	stream.linear.scatter [tilespmem:s30], [sflag:$0x3], $0x80, $0x38;
	[tilespmem:$0x12400] =	vst v63  }
0x344: {  	_ =	swait.ge [sflag:s22], $0x200  }
0x345: {  	s31 =	sld [smem:$0x7F8];
	_ =	sdelay $0x1  }
0x346: {  	s1 =	sadd.s32 $0x1, s1  }
0x347: {  	p0 =	sne.s32 s1, s31  }
.Ltmp1:
0x348: {  	_ = 	snop;
	(pc) =	sbr.rel @p0 .LBB2_1-.Ltmp1, $3  }
0x349: {  	_ =	sdelay $0x1  }
0x34a: {  	[sflag:s22] =	ssyncset.done $0x0  }
0x34b: {  	[sflag:s22] =	ssyncadd.s32 $0xFFFFFE00  }
0x34c: {  	_ =	sfence.sel $0x180000  }
0x34d: {  	[bflag:$0x0] =	sbarrier.arrive $0xFFFF  }
0x34e: {  	_ =	strace $0x90000047  }
0x34f: {  	s0 =	stileid.u32;
	[bflag:$0x2] =	sbarrier.arrive $0xFFFF  }
0x350: {  	p0 =	sne.s32 s0, $0x0;
	s0 =	rddreg [dreg:$0x5]  }
0x351: {  	s0 =	sadd.s32 @!p0 $0x100000, s0  }
0x352: {  	[sflag:s0] =	ssyncadd.tile.s32 @!p0 $0x1;
	_ =	shalt  }
.Lfunc_end2:
_tile_overlayer_lowered:
.L_overlay_start_2:
0x353: {  	(tag) =	ssettag $0x2  }
0x354: {  	s0 =	rddreg [dreg:$0x0];
	s2 =	stileid.u32  }
0x355: {  	s1 =	rddreg [dreg:$0x1];
	p0 =	sne.s32 s2, $0x0  }
0x356: {  	s3 =	rddreg [dreg:$0x2];
	[bflag:$0x3] =	sbarrier.arrive $0xFFFF;
	s2 =	simm.s32 @!p0 $0x1C03  }
0x357: {  	[timem:s3], [sflag:s2] =	dma.local @!p0 [hbm:s0], s1  }
0x358: {  	s0 =	simm.s32 @!p0 $0x3  }
0x359: {  	_ =	swait.ge @!p0 [sflag:s0], s1  }
0x35a: {  	s1 =	ssub.s32 @!p0 $0x0, s1;
	[sflag:s0] =	ssyncset.done @!p0 $0x0  }
0x35b: {  	[sflag:s0] =	ssyncadd.s32 @!p0 s1  }
0x35c: {  	[bflag:$0x3] =	sbarrier.arrive $0xFFFF  }
0x35d: {  	_ =	shalt  }

</sc_bundles>
